<compile_context>
chip_gen: v7x
topology: tpu7x:2x2x1
jax: 0.10.2.dev20260603
libtpu: 0.0.44.dev20260713+nightly
codegen_flags: <defaults>
</compile_context>

<pallas_src>
import functools

import dataclasses
import jax
import jax.numpy as jnp
from jax import lax
from jax.experimental import pallas as pl
from jax.experimental.pallas import tpu as pltpu
from jax.experimental.pallas import tpu_sc as plsc

N = 10000
E = 320000
D = 128
H = 128
L = 100000

NC = 2
NS = 16
NW = NC * NS

EPW = E // NW
AW = 80
NWIN = EPW // AW
NPAD = 10240
NROW = NPAD // NS

LPAD = 100352
GW = 128
GWIN = (2 * LPAD) // NW // GW
NBUF = 6

_f32 = jnp.float32
_PH = lax.Precision.HIGHEST
_MESH = plsc.VectorSubcoreMesh(core_axis_name="c", subcore_axis_name="s")

_CP = pltpu.CompilerParams()
if "needs_layout_passes" in pltpu.CompilerParams.__dataclass_fields__:
    _CP = dataclasses.replace(_CP, needs_layout_passes=False)


def _dot(a, b):
    return lax.dot(a, b, precision=_PH, preferred_element_type=_f32)



def _deg_count(dst3):

    @functools.partial(
        pl.kernel, out_type=jax.ShapeDtypeStruct((NW, NPAD), _f32), mesh=_MESH,
        compiler_params=_CP,
        scratch_types=[
            pltpu.VMEM((NWIN, AW), jnp.int32),
            pltpu.VMEM((NPAD,), _f32),
        ])
    def k(dst_hbm, zdeg_hbm, pdeg_hbm, didx, hist):
        cid = lax.axis_index("c")
        sid = lax.axis_index("s")
        wid = sid * NC + cid
        pltpu.sync_copy(dst_hbm.at[wid], didx)
        pltpu.sync_copy(zdeg_hbm, hist)
        ones16 = jnp.full((16,), 1.0, _f32)

        @pl.loop(0, NWIN)
        def _(j):
            for t in range(AW // 16):
                plsc.addupdate_scatter(hist, [didx[j, pl.ds(t * 16, 16)]], ones16)

        pltpu.sync_copy(hist, pdeg_hbm.at[wid])

    return k(dst3, jnp.zeros((NPAD,), _f32))


SBUF = 3


def _seg_sum(h, src3, dst3):

    @functools.partial(
        pl.kernel, out_type=jax.ShapeDtypeStruct((NC, NPAD, H), _f32), mesh=_MESH,
        scratch_types=([pltpu.VMEM((NWIN, AW), jnp.int32)]
                       + [pltpu.VMEM((AW,), jnp.int32) for _ in range(SBUF)]
                       + [pltpu.VMEM((AW, H), _f32) for _ in range(SBUF)]
                       + [pltpu.VMEM_SHARED((NPAD, H), _f32)]
                       + [pltpu.SemaphoreType.DMA for _ in range(2 * SBUF)]))
    def k(h_hbm, src_hbm, dst_hbm, zrow_hbm, psum_hbm, *refs):
        sidx = refs[0]
        dbufs = refs[1:1 + SBUF]
        rbufs = refs[1 + SBUF:1 + 2 * SBUF]
        acc = refs[1 + 2 * SBUF]
        sems = refs[2 + 2 * SBUF:]
        cid = lax.axis_index("c")
        sid = lax.axis_index("s")
        wid = sid * NC + cid
        r0 = sid * NROW
        pltpu.sync_copy(zrow_hbm, acc.at[pl.ds(r0, NROW)])
        pltpu.sync_copy(src_hbm.at[wid], sidx)
        plsc.subcore_barrier()
        main = (NWIN // SBUF) * SBUF

        @pl.loop(0, main, step=SBUF)
        def _(j):
            cds = [pltpu.async_copy(dst_hbm.at[wid, j + b], dbufs[b], sems[b])
                   for b in range(SBUF)]
            cgs = [pltpu.async_copy(h_hbm.at[sidx.at[j + b]], rbufs[b],
                                    sems[SBUF + b])
                   for b in range(SBUF)]
            for b in range(SBUF):
                cds[b].wait()
                cgs[b].wait()
                pltpu.sync_copy(rbufs[b], acc.at[dbufs[b]], add=True)

        @pl.loop(main, NWIN)
        def _(j):
            pltpu.sync_copy(dst_hbm.at[wid, j], dbufs[0])
            pltpu.sync_copy(h_hbm.at[sidx.at[j]], rbufs[0])
            pltpu.sync_copy(rbufs[0], acc.at[dbufs[0]], add=True)

        plsc.subcore_barrier()
        pltpu.sync_copy(acc.at[pl.ds(r0, NROW)], psum_hbm.at[cid, pl.ds(r0, NROW)])

    return k(h, src3, dst3, jnp.zeros((NROW, H), _f32))


def _gather_rows(h, gidx3):

    @functools.partial(
        pl.kernel, out_type=jax.ShapeDtypeStruct((2 * LPAD, H), _f32), mesh=_MESH,
        scratch_types=([pltpu.VMEM((GWIN, GW), jnp.int32)]
                       + [pltpu.VMEM((GW, H), _f32) for _ in range(NBUF)]
                       + [pltpu.SemaphoreType.DMA for _ in range(2 * NBUF)]))
    def k(h_hbm, gidx_hbm, out_hbm, gidx, *refs):
        rbufs = refs[:NBUF]
        sems = refs[NBUF:]
        cid = lax.axis_index("c")
        sid = lax.axis_index("s")
        wid = sid * NC + cid
        base = wid * (GWIN * GW)
        pltpu.sync_copy(gidx_hbm.at[wid], gidx)
        main = (GWIN // NBUF) * NBUF

        @pl.loop(0, main, step=NBUF)
        def _(j):
            cgs = [pltpu.async_copy(h_hbm.at[gidx.at[j + b]], rbufs[b], sems[b])
                   for b in range(NBUF)]
            cws = []
            for b in range(NBUF):
                cgs[b].wait()
                cws.append(pltpu.async_copy(
                    rbufs[b], out_hbm.at[pl.ds(base + (j + b) * GW, GW)],
                    sems[NBUF + b]))
            for b in range(NBUF):
                cws[b].wait()

        for j in range(main, GWIN):
            pltpu.sync_copy(h_hbm.at[gidx.at[j]], rbufs[0])
            pltpu.sync_copy(rbufs[0], out_hbm.at[pl.ds(base + j * GW, GW)])

    return k(h, gidx3)



def _sage_layer(x, psum, pdeg, Ws, Wn, b, relu):
    BN = 1024

    def body(x_ref, p_ref, d_ref, ws_ref, wn_ref, b_ref, o_ref):
        p = p_ref[...]
        deg = jnp.maximum(jnp.sum(d_ref[...], axis=0), 1.0)[:, None]
        agg = (p[0] + p[1]) / deg
        y = _dot(x_ref[...], ws_ref[...]) + _dot(agg, wn_ref[...]) + b_ref[...]
        if relu:
            y = jnp.maximum(y, 0.0)
        o_ref[...] = y + x_ref[...]

    return pl.pallas_call(
        body,
        grid=(NPAD // BN,),
        in_specs=[
            pl.BlockSpec((BN, H), lambda i: (i, 0)),
            pl.BlockSpec((NC, BN, H), lambda i: (0, i, 0)),
            pl.BlockSpec((NW, BN), lambda i: (0, i)),
            pl.BlockSpec((D, H), lambda i: (0, 0)),
            pl.BlockSpec((D, H), lambda i: (0, 0)),
            pl.BlockSpec((1, H), lambda i: (0, 0)),
        ],
        out_specs=pl.BlockSpec((BN, H), lambda i: (i, 0)),
        out_shape=jax.ShapeDtypeStruct((N, H), _f32),
    )(x, psum, pdeg, Ws, Wn, b.reshape(1, H))


def _sage_layer_ab(x, psum, pdeg, Ws, Wn, b, W1a, W1b, b1):
    BN = 1024

    def body(x_ref, p_ref, d_ref, ws_ref, wn_ref, b_ref, w1a_ref, w1b_ref,
             b1_ref, a_ref, bb_ref):
        p = p_ref[...]
        deg = jnp.maximum(jnp.sum(d_ref[...], axis=0), 1.0)[:, None]
        agg = (p[0] + p[1]) / deg
        h2 = (_dot(x_ref[...], ws_ref[...]) + _dot(agg, wn_ref[...])
              + b_ref[...] + x_ref[...])
        a_ref[...] = _dot(h2, w1a_ref[...]) + b1_ref[...]
        bb_ref[...] = _dot(h2, w1b_ref[...])

    return pl.pallas_call(
        body,
        grid=(NPAD // BN,),
        in_specs=[
            pl.BlockSpec((BN, H), lambda i: (i, 0)),
            pl.BlockSpec((NC, BN, H), lambda i: (0, i, 0)),
            pl.BlockSpec((NW, BN), lambda i: (0, i)),
            pl.BlockSpec((D, H), lambda i: (0, 0)),
            pl.BlockSpec((D, H), lambda i: (0, 0)),
            pl.BlockSpec((1, H), lambda i: (0, 0)),
            pl.BlockSpec((H, H), lambda i: (0, 0)),
            pl.BlockSpec((H, H), lambda i: (0, 0)),
            pl.BlockSpec((1, H), lambda i: (0, 0)),
        ],
        out_specs=[pl.BlockSpec((BN, H), lambda i: (i, 0)),
                   pl.BlockSpec((BN, H), lambda i: (i, 0))],
        out_shape=[jax.ShapeDtypeStruct((N, H), _f32),
                   jax.ShapeDtypeStruct((N, H), _f32)],
    )(x, psum, pdeg, Ws, Wn, b.reshape(1, H), W1a, W1b, b1.reshape(1, H))


def _mlp_head(rows, W2, b2):
    BL = 512
    nblk = LPAD // BL

    def body(hs_ref, hd_ref, w2_ref, b2_ref, o_ref):
        z = jnp.maximum(hs_ref[...] + hd_ref[...], 0.0)
        o_ref[...] = jnp.sum(z * w2_ref[...], axis=1, keepdims=True) + b2_ref[...]

    return pl.pallas_call(
        body,
        grid=(nblk,),
        in_specs=[
            pl.BlockSpec((BL, H), lambda i: (i, 0)),
            pl.BlockSpec((BL, H), lambda i, _n=nblk: (i + _n, 0)),
            pl.BlockSpec((1, H), lambda i: (0, 0)),
            pl.BlockSpec((1, 1), lambda i: (0, 0)),
        ],
        out_specs=pl.BlockSpec((BL, 1), lambda i: (i, 0)),
        out_shape=jax.ShapeDtypeStruct((L, 1), _f32),
    )(rows, rows, W2.reshape(1, H), b2.reshape(1, 1))


def _mlp_head_old(rows, W1, b1, W2, b2):
    BL = 512
    nblk = LPAD // BL

    def body(hs_ref, hd_ref, w1a_ref, w1b_ref, b1_ref, w2_ref, b2_ref, o_ref):
        z = _dot(hs_ref[...], w1a_ref[...]) + _dot(hd_ref[...], w1b_ref[...]) + b1_ref[...]
        z = jnp.maximum(z, 0.0)
        o_ref[...] = _dot(z, w2_ref[...]) + b2_ref[...]

    return pl.pallas_call(
        body,
        grid=(nblk,),
        in_specs=[
            pl.BlockSpec((BL, H), lambda i: (i, 0)),
            pl.BlockSpec((BL, H), lambda i, _n=nblk: (i + _n, 0)),
            pl.BlockSpec((H, H), lambda i: (0, 0)),
            pl.BlockSpec((H, H), lambda i: (0, 0)),
            pl.BlockSpec((1, H), lambda i: (0, 0)),
            pl.BlockSpec((H, 1), lambda i: (0, 0)),
            pl.BlockSpec((1, 1), lambda i: (0, 0)),
        ],
        out_specs=pl.BlockSpec((BL, 1), lambda i: (i, 0)),
        out_shape=jax.ShapeDtypeStruct((LPAD, 1), _f32),
    )(rows, rows, W1[:H], W1[H:], b1.reshape(1, H), W2, b2.reshape(1, 1))



def kernel(x, edge_index, edge_label_index, W_self_0, W_neigh_0, bias_0,
           W_self_1, W_neigh_1, bias_1, mlp_W1, mlp_b1, mlp_W2, mlp_b2):
    src3 = edge_index[0].reshape(NW, NWIN, AW)
    dst3 = edge_index[1].reshape(NW, NWIN, AW)

    pdeg = _deg_count(dst3)
    psum0 = _seg_sum(x, src3, dst3)
    h1 = _sage_layer(x, psum0, pdeg, W_self_0, W_neigh_0, bias_0, relu=True)
    psum1 = _seg_sum(h1, src3, dst3)
    A, B = _sage_layer_ab(h1, psum1, pdeg, W_self_1, W_neigh_1, bias_1,
                          mlp_W1[:H], mlp_W1[H:], mlp_b1)
    AB = jnp.concatenate([A, B], axis=0)

    pad = jnp.zeros((LPAD - L,), jnp.int32)
    gidx3 = jnp.concatenate(
        [edge_label_index[0], pad, edge_label_index[1] + N, pad]).reshape(NW, GWIN, GW)
    rows = _gather_rows(AB, gidx3)
    out = _mlp_head(rows, mlp_W2, mlp_b2)
    return out[:, 0]

# --- scband reference (transcript-rebuilt; emitter-appended) ---
"""Pipeline reference for scband-net-53601191854542 (READ-ONLY COPY).

The authoritative reference and input builder live on the scoring server;
editing this copy changes nothing except your own understanding.
"""

import jax, jax.numpy as jnp
import numpy as np

N = 10000
E = 320000
D = 128
H = 128
L = 100000


def setup_inputs(seed: int = 0) -> dict:
    key = jax.random.key(seed)
    ks = jax.random.split(key, 16)
    inp = {}
    inp["x"] = jax.random.normal(ks[0], (N, D), dtype=jnp.float32)
    inp["edge_index"] = jax.random.randint(ks[1], (2, E), 0, N, dtype=jnp.int32)
    inp["edge_label_index"] = jax.random.randint(ks[2], (2, L), 0, N, dtype=jnp.int32)
    # GNN layer 0: input_feat_dim -> hidden_dim (SAGE-style: self + mean-neighbor transforms)
    inp["W_self_0"] = jax.random.normal(ks[3], (D, H), dtype=jnp.float32) * 0.05
    inp["W_neigh_0"] = jax.random.normal(ks[4], (D, H), dtype=jnp.float32) * 0.05
    inp["bias_0"] = jnp.zeros((H,), dtype=jnp.float32)
    # GNN layer 1: hidden_dim -> hidden_dim
    inp["W_self_1"] = jax.random.normal(ks[5], (H, H), dtype=jnp.float32) * 0.05
    inp["W_neigh_1"] = jax.random.normal(ks[6], (H, H), dtype=jnp.float32) * 0.05
    inp["bias_1"] = jnp.zeros((H,), dtype=jnp.float32)
    # link-prediction MLP head: Linear(2H -> H), ReLU, Linear(H -> 1)
    inp["mlp_W1"] = jax.random.normal(ks[7], (2 * H, H), dtype=jnp.float32) * 0.05
    inp["mlp_b1"] = jnp.zeros((H,), dtype=jnp.float32)
    inp["mlp_W2"] = jax.random.normal(ks[8], (H, 1), dtype=jnp.float32) * 0.05
    inp["mlp_b2"] = jnp.zeros((1,), dtype=jnp.float32)
    return inp


def reference(x, edge_index, edge_label_index, W_self_0, W_neigh_0, bias_0,
              W_self_1, W_neigh_1, bias_1, mlp_W1, mlp_b1, mlp_W2, mlp_b2):
    src = edge_index[0]
    dst = edge_index[1]
    n = x.shape[0]
    deg = jax.ops.segment_sum(jnp.ones(src.shape, dtype=jnp.float32), dst, num_segments=n)
    deg = jnp.maximum(deg, 1.0)[:, None]

    def sage_layer(h, Ws, Wn, b):
        # mean aggregation of neighbor messages (gather src, scatter-add to dst)
        agg = jax.ops.segment_sum(h[src], dst, num_segments=n) / deg
        return h @ Ws + agg @ Wn + b

    # layer 0: ReLU + skip connection (dropout is identity at inference)
    h = jnp.maximum(sage_layer(x, W_self_0, W_neigh_0, bias_0), 0.0) + x
    # layer 1 (last): no activation, skip connection
    h = sage_layer(h, W_self_1, W_neigh_1, bias_1) + h

    # predict(): gather endpoints of label edges, concat, MLP, squeeze
    h_src = h[edge_label_index[0]]
    h_dst = h[edge_label_index[1]]
    feat = jnp.concatenate([h_src, h_dst], axis=-1)
    z = jnp.maximum(feat @ mlp_W1 + mlp_b1, 0.0)
    out = (z @ mlp_W2 + mlp_b2)
    return jnp.squeeze(out, axis=-1)

if __name__ == "__main__":
    import jax
    _d = setup_inputs()
    print(jax.jit(kernel)(*tuple(_d.values())))

</pallas_src>

<mosaic_0001>
#map = affine_map<(d0, d1) -> (0, 0, 0)>
#map1 = affine_map<(d0, d1) -> (0)>
#map2 = affine_map<(d0, d1) -> (0, 0)>
module attributes {stable_mosaic.version = 14 : i64} {
  func.func @k(%arg0: i32, %arg1: i32, %arg2: memref<32x125x80xi32, #tpu.memory_space<hbm>>, %arg3: memref<10240xf32, #tpu.memory_space<hbm>>, %arg4: memref<32x10240xf32, #tpu.memory_space<hbm>>, %arg5: memref<125x80xi32, #tpu.memory_space<vmem>>, %arg6: memref<10240xf32, #tpu.memory_space<vmem>>) attributes {dimension_semantics = [#tpu.dimension_semantics<core_parallel>, #tpu.dimension_semantics<subcore_parallel>], iteration_bounds = array<i64: 2, 16>, scalar_prefetch = 0 : i64, scratch_operands = 2 : i64, tpu.core_type = #tpu.core_type<sc_vector_subcore>, window_params = [{transform_indices = #map}, {transform_indices = #map1}, {transform_indices = #map2}]} {
    %mul3A = arith.constant 2 : i32
    %mul3A_0 = arith.muli %arg1, %mul3A : i32
    %add3A = arith.addi %mul3A_0, %arg0 : i32
    "tpu.region"() ({
      %run_scoped3A = tpu.sem_alloc : memref<!tpu.dma_semaphore, #tpu.memory_space<semaphore_mem>>
      %dma_start3A = arith.constant 0 : i32
      %dma_start3A_6 = arith.constant 0 : i32
      %dma_start3A_7 = tpu.memref_slice %arg2[%add3A, %dma_start3A, %dma_start3A_6] : memref<32x125x80xi32, #tpu.memory_space<hbm>> -> memref<1x125x80xi32, #tpu.memory_space<hbm>>
      %dma_start3A_8 = tpu.memref_squeeze %dma_start3A_7 : memref<1x125x80xi32, #tpu.memory_space<hbm>> -> memref<125x80xi32, #tpu.memory_space<hbm>>
      %dma_start3A_9 = arith.constant 0 : i32
      %dma_start3A_10 = arith.constant 0 : i32
      %dma_start3A_11 = tpu.memref_slice %arg2[%add3A, %dma_start3A_9, %dma_start3A_10] : memref<32x125x80xi32, #tpu.memory_space<hbm>> -> memref<1x125x80xi32, #tpu.memory_space<hbm>>
      %dma_start3A_12 = tpu.memref_squeeze %dma_start3A_11 : memref<1x125x80xi32, #tpu.memory_space<hbm>> -> memref<125x80xi32, #tpu.memory_space<hbm>>
      tpu.enqueue_dma source(%dma_start3A_12 : memref<125x80xi32, #tpu.memory_space<hbm>>) target(%arg5 : memref<125x80xi32, #tpu.memory_space<vmem>>) target_semaphore(%run_scoped3A : memref<!tpu.dma_semaphore, #tpu.memory_space<semaphore_mem>>)
      %dma_wait3A = arith.constant 0 : i32
      %dma_wait3A_13 = arith.constant 0 : i32
      %dma_wait3A_14 = tpu.memref_slice %arg2[%add3A, %dma_wait3A, %dma_wait3A_13] : memref<32x125x80xi32, #tpu.memory_space<hbm>> -> memref<1x125x80xi32, #tpu.memory_space<hbm>>
      %dma_wait3A_15 = tpu.memref_squeeze %dma_wait3A_14 : memref<1x125x80xi32, #tpu.memory_space<hbm>> -> memref<125x80xi32, #tpu.memory_space<hbm>>
      %dma_wait3A_16 = arith.constant 0 : i32
      %dma_wait3A_17 = arith.constant 0 : i32
      %dma_wait3A_18 = tpu.memref_slice %arg2[%add3A, %dma_wait3A_16, %dma_wait3A_17] : memref<32x125x80xi32, #tpu.memory_space<hbm>> -> memref<1x125x80xi32, #tpu.memory_space<hbm>>
      %dma_wait3A_19 = tpu.memref_squeeze %dma_wait3A_18 : memref<1x125x80xi32, #tpu.memory_space<hbm>> -> memref<125x80xi32, #tpu.memory_space<hbm>>
      tpu.wait_dma2 semaphore(%run_scoped3A : memref<!tpu.dma_semaphore, #tpu.memory_space<semaphore_mem>>) src(%dma_wait3A_19 : memref<125x80xi32, #tpu.memory_space<hbm>>) dst(%arg5 : memref<125x80xi32, #tpu.memory_space<vmem>>)
      tpu.yield
    }) : () -> ()
    "tpu.region"() ({
      %run_scoped3A = tpu.sem_alloc : memref<!tpu.dma_semaphore, #tpu.memory_space<semaphore_mem>>
      tpu.enqueue_dma source(%arg3 : memref<10240xf32, #tpu.memory_space<hbm>>) target(%arg6 : memref<10240xf32, #tpu.memory_space<vmem>>) target_semaphore(%run_scoped3A : memref<!tpu.dma_semaphore, #tpu.memory_space<semaphore_mem>>)
      tpu.wait_dma2 semaphore(%run_scoped3A : memref<!tpu.dma_semaphore, #tpu.memory_space<semaphore_mem>>) src(%arg3 : memref<10240xf32, #tpu.memory_space<hbm>>) dst(%arg6 : memref<10240xf32, #tpu.memory_space<vmem>>)
      tpu.yield
    }) : () -> ()
    %broadcast_in_dim3A = arith.constant 1.000000e+00 : f32
    %broadcast_in_dim3A_1 = vector.broadcast %broadcast_in_dim3A : f32 to vector<16xf32>
    %scan3A = arith.constant 0 : i32
    %scan3A_2 = arith.constant 125 : i32
    %scan3A_3 = arith.addi %scan3A, %scan3A_2 : i32
    %scan3A_4 = arith.constant 1 : i32
    scf.for %scan3A_6 = %scan3A to %scan3A_3 step %scan3A_4  : i32 {
      %mul3A_7 = arith.constant 1 : i32
      %mul3A_8 = arith.muli %scan3A_6, %mul3A_7 : i32
      %add3A_9 = arith.constant 0 : i32
      %add3A_10 = arith.addi %add3A_9, %mul3A_8 : i32
      %get3A = arith.index_cast %add3A_10 : i32 to index
      %get3A_11 = arith.constant 0 : index
      %get3A_12 = tpu.vector_load %arg5[%get3A, %get3A_11] {strides = array<i32>} : memref<125x80xi32, #tpu.memory_space<vmem>>, vector<16xi32>,
      tpu.vector_store_idx %arg6[%get3A_12], %broadcast_in_dim3A_1 {add = true} : memref<10240xf32, #tpu.memory_space<vmem>>[vector<16xi32>], vector<16xf32>,
      %get3A_13 = arith.index_cast %add3A_10 : i32 to index
      %get3A_14 = arith.constant 16 : index
      %get3A_15 = tpu.vector_load %arg5[%get3A_13, %get3A_14] {strides = array<i32>} : memref<125x80xi32, #tpu.memory_space<vmem>>, vector<16xi32>,
      tpu.vector_store_idx %arg6[%get3A_15], %broadcast_in_dim3A_1 {add = true} : memref<10240xf32, #tpu.memory_space<vmem>>[vector<16xi32>], vector<16xf32>,
      %get3A_16 = arith.index_cast %add3A_10 : i32 to index
      %get3A_17 = arith.constant 32 : index
      %get3A_18 = tpu.vector_load %arg5[%get3A_16, %get3A_17] {strides = array<i32>} : memref<125x80xi32, #tpu.memory_space<vmem>>, vector<16xi32>,
      tpu.vector_store_idx %arg6[%get3A_18], %broadcast_in_dim3A_1 {add = true} : memref<10240xf32, #tpu.memory_space<vmem>>[vector<16xi32>], vector<16xf32>,
      %get3A_19 = arith.index_cast %add3A_10 : i32 to index
      %get3A_20 = arith.constant 48 : index
      %get3A_21 = tpu.vector_load %arg5[%get3A_19, %get3A_20] {strides = array<i32>} : memref<125x80xi32, #tpu.memory_space<vmem>>, vector<16xi32>,
      tpu.vector_store_idx %arg6[%get3A_21], %broadcast_in_dim3A_1 {add = true} : memref<10240xf32, #tpu.memory_space<vmem>>[vector<16xi32>], vector<16xf32>,
      %get3A_22 = arith.index_cast %add3A_10 : i32 to index
      %get3A_23 = arith.constant 64 : index
      %get3A_24 = tpu.vector_load %arg5[%get3A_22, %get3A_23] {strides = array<i32>} : memref<125x80xi32, #tpu.memory_space<vmem>>, vector<16xi32>,
      tpu.vector_store_idx %arg6[%get3A_24], %broadcast_in_dim3A_1 {add = true} : memref<10240xf32, #tpu.memory_space<vmem>>[vector<16xi32>], vector<16xf32>,
    }
    %scan3A_5 = arith.constant 125 : i32
    "tpu.region"() ({
      %run_scoped3A = tpu.sem_alloc : memref<!tpu.dma_semaphore, #tpu.memory_space<semaphore_mem>>
      %dma_start3A = arith.constant 0 : i32
      %dma_start3A_6 = tpu.memref_slice %arg4[%add3A, %dma_start3A] : memref<32x10240xf32, #tpu.memory_space<hbm>> -> memref<1x10240xf32, #tpu.memory_space<hbm>>
      %dma_start3A_7 = tpu.memref_squeeze %dma_start3A_6 : memref<1x10240xf32, #tpu.memory_space<hbm>> -> memref<10240xf32, #tpu.memory_space<hbm>>
      %dma_start3A_8 = arith.constant 0 : i32
      %dma_start3A_9 = tpu.memref_slice %arg4[%add3A, %dma_start3A_8] : memref<32x10240xf32, #tpu.memory_space<hbm>> -> memref<1x10240xf32, #tpu.memory_space<hbm>>
      %dma_start3A_10 = tpu.memref_squeeze %dma_start3A_9 : memref<1x10240xf32, #tpu.memory_space<hbm>> -> memref<10240xf32, #tpu.memory_space<hbm>>
      tpu.enqueue_dma source(%arg6 : memref<10240xf32, #tpu.memory_space<vmem>>) target(%dma_start3A_10 : memref<10240xf32, #tpu.memory_space<hbm>>) target_semaphore(%run_scoped3A : memref<!tpu.dma_semaphore, #tpu.memory_space<semaphore_mem>>)
      %dma_wait3A = arith.constant 0 : i32
      %dma_wait3A_11 = tpu.memref_slice %arg4[%add3A, %dma_wait3A] : memref<32x10240xf32, #tpu.memory_space<hbm>> -> memref<1x10240xf32, #tpu.memory_space<hbm>>
      %dma_wait3A_12 = tpu.memref_squeeze %dma_wait3A_11 : memref<1x10240xf32, #tpu.memory_space<hbm>> -> memref<10240xf32, #tpu.memory_space<hbm>>
      %dma_wait3A_13 = arith.constant 0 : i32
      %dma_wait3A_14 = tpu.memref_slice %arg4[%add3A, %dma_wait3A_13] : memref<32x10240xf32, #tpu.memory_space<hbm>> -> memref<1x10240xf32, #tpu.memory_space<hbm>>
      %dma_wait3A_15 = tpu.memref_squeeze %dma_wait3A_14 : memref<1x10240xf32, #tpu.memory_space<hbm>> -> memref<10240xf32, #tpu.memory_space<hbm>>
      tpu.wait_dma2 semaphore(%run_scoped3A : memref<!tpu.dma_semaphore, #tpu.memory_space<semaphore_mem>>) src(%arg6 : memref<10240xf32, #tpu.memory_space<vmem>>) dst(%dma_wait3A_15 : memref<10240xf32, #tpu.memory_space<hbm>>)
      tpu.yield
    }) : () -> ()
    return
  }
}

#map = affine_map<(d0, d1) -> (0, 0)>
#map1 = affine_map<(d0, d1) -> (0, 0, 0)>
module attributes {stable_mosaic.version = 14 : i64} {
  func.func @k(%arg0: i32, %arg1: i32, %arg2: memref<10000x128xf32, #tpu.memory_space<hbm>>, %arg3: memref<32x125x80xi32, #tpu.memory_space<hbm>>, %arg4: memref<32x125x80xi32, #tpu.memory_space<hbm>>, %arg5: memref<640x128xf32, #tpu.memory_space<hbm>>, %arg6: memref<2x10240x128xf32, #tpu.memory_space<hbm>>, %arg7: memref<125x80xi32, #tpu.memory_space<vmem>>, %arg8: memref<80xi32, #tpu.memory_space<vmem>>, %arg9: memref<80xi32, #tpu.memory_space<vmem>>, %arg10: memref<80xi32, #tpu.memory_space<vmem>>, %arg11: memref<80x128xf32, #tpu.memory_space<vmem>>, %arg12: memref<80x128xf32, #tpu.memory_space<vmem>>, %arg13: memref<80x128xf32, #tpu.memory_space<vmem>>, %arg14: memref<10240x128xf32, #tpu.memory_space<vmem_shared>>, %arg15: memref<!tpu.dma_semaphore, #tpu.memory_space<semaphore_mem>>, %arg16: memref<!tpu.dma_semaphore, #tpu.memory_space<semaphore_mem>>, %arg17: memref<!tpu.dma_semaphore, #tpu.memory_space<semaphore_mem>>, %arg18: memref<!tpu.dma_semaphore, #tpu.memory_space<semaphore_mem>>, %arg19: memref<!tpu.dma_semaphore, #tpu.memory_space<semaphore_mem>>, %arg20: memref<!tpu.dma_semaphore, #tpu.memory_space<semaphore_mem>>) attributes {dimension_semantics = [#tpu.dimension_semantics<core_parallel>, #tpu.dimension_semantics<subcore_parallel>], iteration_bounds = array<i64: 2, 16>, scalar_prefetch = 0 : i64, scratch_operands = 14 : i64, tpu.core_type = #tpu.core_type<sc_vector_subcore>, window_params = [{transform_indices = #map}, {transform_indices = #map1}, {transform_indices = #map1}, {transform_indices = #map}, {transform_indices = #map1}]} {
    %mul3A = arith.constant 2 : i32
    %mul3A_0 = arith.muli %arg1, %mul3A : i32
    %add3A = arith.addi %mul3A_0, %arg0 : i32
    %mul3A_1 = arith.constant 640 : i32
    %mul3A_2 = arith.muli %arg1, %mul3A_1 : i32
    "tpu.region"() ({
      %run_scoped3A = tpu.sem_alloc : memref<!tpu.dma_semaphore, #tpu.memory_space<semaphore_mem>>
      %dma_start3A = arith.constant 0 : i32
      %dma_start3A_13 = tpu.memref_slice %arg14[%mul3A_2, %dma_start3A] : memref<10240x128xf32, #tpu.memory_space<vmem_shared>> -> memref<640x128xf32, #tpu.memory_space<vmem_shared>>
      tpu.enqueue_dma source(%arg5 : memref<640x128xf32, #tpu.memory_space<hbm>>) target(%dma_start3A_13 : memref<640x128xf32, #tpu.memory_space<vmem_shared>>) target_semaphore(%run_scoped3A : memref<!tpu.dma_semaphore, #tpu.memory_space<semaphore_mem>>)
      %dma_wait3A = arith.constant 0 : i32
      %dma_wait3A_14 = tpu.memref_slice %arg14[%mul3A_2, %dma_wait3A] : memref<10240x128xf32, #tpu.memory_space<vmem_shared>> -> memref<640x128xf32, #tpu.memory_space<vmem_shared>>
      tpu.wait_dma2 semaphore(%run_scoped3A : memref<!tpu.dma_semaphore, #tpu.memory_space<semaphore_mem>>) src(%arg5 : memref<640x128xf32, #tpu.memory_space<hbm>>) dst(%dma_wait3A_14 : memref<640x128xf32, #tpu.memory_space<vmem_shared>>)
      tpu.yield
    }) : () -> ()
    "tpu.region"() ({
      %run_scoped3A = tpu.sem_alloc : memref<!tpu.dma_semaphore, #tpu.memory_space<semaphore_mem>>
      %dma_start3A = arith.constant 0 : i32
      %dma_start3A_13 = arith.constant 0 : i32
      %dma_start3A_14 = tpu.memref_slice %arg3[%add3A, %dma_start3A, %dma_start3A_13] : memref<32x125x80xi32, #tpu.memory_space<hbm>> -> memref<1x125x80xi32, #tpu.memory_space<hbm>>
      %dma_start3A_15 = tpu.memref_squeeze %dma_start3A_14 : memref<1x125x80xi32, #tpu.memory_space<hbm>> -> memref<125x80xi32, #tpu.memory_space<hbm>>
      %dma_start3A_16 = arith.constant 0 : i32
      %dma_start3A_17 = arith.constant 0 : i32
      %dma_start3A_18 = tpu.memref_slice %arg3[%add3A, %dma_start3A_16, %dma_start3A_17] : memref<32x125x80xi32, #tpu.memory_space<hbm>> -> memref<1x125x80xi32, #tpu.memory_space<hbm>>
      %dma_start3A_19 = tpu.memref_squeeze %dma_start3A_18 : memref<1x125x80xi32, #tpu.memory_space<hbm>> -> memref<125x80xi32, #tpu.memory_space<hbm>>
      tpu.enqueue_dma source(%dma_start3A_19 : memref<125x80xi32, #tpu.memory_space<hbm>>) target(%arg7 : memref<125x80xi32, #tpu.memory_space<vmem>>) target_semaphore(%run_scoped3A : memref<!tpu.dma_semaphore, #tpu.memory_space<semaphore_mem>>)
      %dma_wait3A = arith.constant 0 : i32
      %dma_wait3A_20 = arith.constant 0 : i32
      %dma_wait3A_21 = tpu.memref_slice %arg3[%add3A, %dma_wait3A, %dma_wait3A_20] : memref<32x125x80xi32, #tpu.memory_space<hbm>> -> memref<1x125x80xi32, #tpu.memory_space<hbm>>
      %dma_wait3A_22 = tpu.memref_squeeze %dma_wait3A_21 : memref<1x125x80xi32, #tpu.memory_space<hbm>> -> memref<125x80xi32, #tpu.memory_space<hbm>>
      %dma_wait3A_23 = arith.constant 0 : i32
      %dma_wait3A_24 = arith.constant 0 : i32
      %dma_wait3A_25 = tpu.memref_slice %arg3[%add3A, %dma_wait3A_23, %dma_wait3A_24] : memref<32x125x80xi32, #tpu.memory_space<hbm>> -> memref<1x125x80xi32, #tpu.memory_space<hbm>>
      %dma_wait3A_26 = tpu.memref_squeeze %dma_wait3A_25 : memref<1x125x80xi32, #tpu.memory_space<hbm>> -> memref<125x80xi32, #tpu.memory_space<hbm>>
      tpu.wait_dma2 semaphore(%run_scoped3A : memref<!tpu.dma_semaphore, #tpu.memory_space<semaphore_mem>>) src(%dma_wait3A_26 : memref<125x80xi32, #tpu.memory_space<hbm>>) dst(%arg7 : memref<125x80xi32, #tpu.memory_space<vmem>>)
      tpu.yield
    }) : () -> ()
    %barrier3A = arith.constant 0 : index
    tpu.barrier barrier_id(%barrier3A)
    %scan3A = arith.constant 0 : i32
    %scan3A_3 = arith.constant 41 : i32
    %scan3A_4 = arith.addi %scan3A, %scan3A_3 : i32
    %scan3A_5 = arith.constant 1 : i32
    scf.for %scan3A_13 = %scan3A to %scan3A_4 step %scan3A_5  : i32 {
      %mul3A_14 = arith.constant 3 : i32
      %mul3A_15 = arith.muli %scan3A_13, %mul3A_14 : i32
      %add3A_16 = arith.constant 0 : i32
      %add3A_17 = arith.addi %add3A_16, %mul3A_15 : i32
      %add3A_18 = arith.constant 0 : i32
      %add3A_19 = arith.addi %add3A_17, %add3A_18 : i32
      %dma_start3A = arith.constant 0 : i32
      %dma_start3A_20 = tpu.memref_slice %arg4[%add3A, %add3A_19, %dma_start3A] : memref<32x125x80xi32, #tpu.memory_space<hbm>> -> memref<1x1x80xi32, #tpu.memory_space<hbm>>
      %dma_start3A_21 = tpu.memref_squeeze %dma_start3A_20 : memref<1x1x80xi32, #tpu.memory_space<hbm>> -> memref<80xi32, #tpu.memory_space<hbm>>
      %dma_start3A_22 = arith.constant 0 : i32
      %dma_start3A_23 = tpu.memref_slice %arg4[%add3A, %add3A_19, %dma_start3A_22] : memref<32x125x80xi32, #tpu.memory_space<hbm>> -> memref<1x1x80xi32, #tpu.memory_space<hbm>>
      %dma_start3A_24 = tpu.memref_squeeze %dma_start3A_23 : memref<1x1x80xi32, #tpu.memory_space<hbm>> -> memref<80xi32, #tpu.memory_space<hbm>>
      tpu.enqueue_dma source(%dma_start3A_24 : memref<80xi32, #tpu.memory_space<hbm>>) target(%arg8 : memref<80xi32, #tpu.memory_space<vmem>>) target_semaphore(%arg15 : memref<!tpu.dma_semaphore, #tpu.memory_space<semaphore_mem>>)
      %add3A_25 = arith.constant 1 : i32
      %add3A_26 = arith.addi %add3A_17, %add3A_25 : i32
      %dma_start3A_27 = arith.constant 0 : i32
      %dma_start3A_28 = tpu.memref_slice %arg4[%add3A, %add3A_26, %dma_start3A_27] : memref<32x125x80xi32, #tpu.memory_space<hbm>> -> memref<1x1x80xi32, #tpu.memory_space<hbm>>
      %dma_start3A_29 = tpu.memref_squeeze %dma_start3A_28 : memref<1x1x80xi32, #tpu.memory_space<hbm>> -> memref<80xi32, #tpu.memory_space<hbm>>
      %dma_start3A_30 = arith.constant 0 : i32
      %dma_start3A_31 = tpu.memref_slice %arg4[%add3A, %add3A_26, %dma_start3A_30] : memref<32x125x80xi32, #tpu.memory_space<hbm>> -> memref<1x1x80xi32, #tpu.memory_space<hbm>>
      %dma_start3A_32 = tpu.memref_squeeze %dma_start3A_31 : memref<1x1x80xi32, #tpu.memory_space<hbm>> -> memref<80xi32, #tpu.memory_space<hbm>>
      tpu.enqueue_dma source(%dma_start3A_32 : memref<80xi32, #tpu.memory_space<hbm>>) target(%arg9 : memref<80xi32, #tpu.memory_space<vmem>>) target_semaphore(%arg16 : memref<!tpu.dma_semaphore, #tpu.memory_space<semaphore_mem>>)
      %add3A_33 = arith.constant 2 : i32
      %add3A_34 = arith.addi %add3A_17, %add3A_33 : i32
      %dma_start3A_35 = arith.constant 0 : i32
      %dma_start3A_36 = tpu.memref_slice %arg4[%add3A, %add3A_34, %dma_start3A_35] : memref<32x125x80xi32, #tpu.memory_space<hbm>> -> memref<1x1x80xi32, #tpu.memory_space<hbm>>
      %dma_start3A_37 = tpu.memref_squeeze %dma_start3A_36 : memref<1x1x80xi32, #tpu.memory_space<hbm>> -> memref<80xi32, #tpu.memory_space<hbm>>
      %dma_start3A_38 = arith.constant 0 : i32
      %dma_start3A_39 = tpu.memref_slice %arg4[%add3A, %add3A_34, %dma_start3A_38] : memref<32x125x80xi32, #tpu.memory_space<hbm>> -> memref<1x1x80xi32, #tpu.memory_space<hbm>>
      %dma_start3A_40 = tpu.memref_squeeze %dma_start3A_39 : memref<1x1x80xi32, #tpu.memory_space<hbm>> -> memref<80xi32, #tpu.memory_space<hbm>>
      tpu.enqueue_dma source(%dma_start3A_40 : memref<80xi32, #tpu.memory_space<hbm>>) target(%arg10 : memref<80xi32, #tpu.memory_space<vmem>>) target_semaphore(%arg17 : memref<!tpu.dma_semaphore, #tpu.memory_space<semaphore_mem>>)
      %add3A_41 = arith.constant 0 : i32
      %add3A_42 = arith.addi %add3A_17, %add3A_41 : i32
      %dma_start3A_43 = arith.constant 0 : i32
      %dma_start3A_44 = tpu.memref_slice %arg7[%add3A_42, %dma_start3A_43] : memref<125x80xi32, #tpu.memory_space<vmem>> -> memref<1x80xi32, #tpu.memory_space<vmem>>
      %dma_start3A_45 = tpu.memref_squeeze %dma_start3A_44 : memref<1x80xi32, #tpu.memory_space<vmem>> -> memref<80xi32, #tpu.memory_space<vmem>>
      %dma_start3A_46 = arith.constant 0 : i32
      %dma_start3A_47 = arith.constant 0 : i32
      %dma_start3A_48 = tpu.memref_slice %arg2[%dma_start3A_46, %dma_start3A_47] : memref<10000x128xf32, #tpu.memory_space<hbm>> -> memref<10000x128xf32, #tpu.memory_space<hbm>>
      tpu.enqueue_indirect_dma source(%dma_start3A_48 : memref<10000x128xf32, #tpu.memory_space<hbm>>) target(%arg11 : memref<80x128xf32, #tpu.memory_space<vmem>>) offsets(%dma_start3A_45 : memref<80xi32, #tpu.memory_space<vmem>>) semaphore(%arg18 : memref<!tpu.dma_semaphore, #tpu.memory_space<semaphore_mem>>)
      %add3A_49 = arith.constant 1 : i32
      %add3A_50 = arith.addi %add3A_17, %add3A_49 : i32
      %dma_start3A_51 = arith.constant 0 : i32
      %dma_start3A_52 = tpu.memref_slice %arg7[%add3A_50, %dma_start3A_51] : memref<125x80xi32, #tpu.memory_space<vmem>> -> memref<1x80xi32, #tpu.memory_space<vmem>>
      %dma_start3A_53 = tpu.memref_squeeze %dma_start3A_52 : memref<1x80xi32, #tpu.memory_space<vmem>> -> memref<80xi32, #tpu.memory_space<vmem>>
      %dma_start3A_54 = arith.constant 0 : i32
      %dma_start3A_55 = arith.constant 0 : i32
      %dma_start3A_56 = tpu.memref_slice %arg2[%dma_start3A_54, %dma_start3A_55] : memref<10000x128xf32, #tpu.memory_space<hbm>> -> memref<10000x128xf32, #tpu.memory_space<hbm>>
      tpu.enqueue_indirect_dma source(%dma_start3A_56 : memref<10000x128xf32, #tpu.memory_space<hbm>>) target(%arg12 : memref<80x128xf32, #tpu.memory_space<vmem>>) offsets(%dma_start3A_53 : memref<80xi32, #tpu.memory_space<vmem>>) semaphore(%arg19 : memref<!tpu.dma_semaphore, #tpu.memory_space<semaphore_mem>>)
      %add3A_57 = arith.constant 2 : i32
      %add3A_58 = arith.addi %add3A_17, %add3A_57 : i32
      %dma_start3A_59 = arith.constant 0 : i32
      %dma_start3A_60 = tpu.memref_slice %arg7[%add3A_58, %dma_start3A_59] : memref<125x80xi32, #tpu.memory_space<vmem>> -> memref<1x80xi32, #tpu.memory_space<vmem>>
      %dma_start3A_61 = tpu.memref_squeeze %dma_start3A_60 : memref<1x80xi32, #tpu.memory_space<vmem>> -> memref<80xi32, #tpu.memory_space<vmem>>
      %dma_start3A_62 = arith.constant 0 : i32
      %dma_start3A_63 = arith.constant 0 : i32
      %dma_start3A_64 = tpu.memref_slice %arg2[%dma_start3A_62, %dma_start3A_63] : memref<10000x128xf32, #tpu.memory_space<hbm>> -> memref<10000x128xf32, #tpu.memory_space<hbm>>
      tpu.enqueue_indirect_dma source(%dma_start3A_64 : memref<10000x128xf32, #tpu.memory_space<hbm>>) target(%arg13 : memref<80x128xf32, #tpu.memory_space<vmem>>) offsets(%dma_start3A_61 : memref<80xi32, #tpu.memory_space<vmem>>) semaphore(%arg20 : memref<!tpu.dma_semaphore, #tpu.memory_space<semaphore_mem>>)
      %dma_wait3A = arith.constant 0 : i32
      %dma_wait3A_65 = tpu.memref_slice %arg4[%add3A, %add3A_19, %dma_wait3A] : memref<32x125x80xi32, #tpu.memory_space<hbm>> -> memref<1x1x80xi32, #tpu.memory_space<hbm>>
      %dma_wait3A_66 = tpu.memref_squeeze %dma_wait3A_65 : memref<1x1x80xi32, #tpu.memory_space<hbm>> -> memref<80xi32, #tpu.memory_space<hbm>>
      %dma_wait3A_67 = arith.constant 0 : i32
      %dma_wait3A_68 = tpu.memref_slice %arg4[%add3A, %add3A_19, %dma_wait3A_67] : memref<32x125x80xi32, #tpu.memory_space<hbm>> -> memref<1x1x80xi32, #tpu.memory_space<hbm>>
      %dma_wait3A_69 = tpu.memref_squeeze %dma_wait3A_68 : memref<1x1x80xi32, #tpu.memory_space<hbm>> -> memref<80xi32, #tpu.memory_space<hbm>>
      tpu.wait_dma2 semaphore(%arg15 : memref<!tpu.dma_semaphore, #tpu.memory_space<semaphore_mem>>) src(%dma_wait3A_69 : memref<80xi32, #tpu.memory_space<hbm>>) dst(%arg8 : memref<80xi32, #tpu.memory_space<vmem>>)
      %dma_wait3A_70 = arith.constant 0 : i32
      %dma_wait3A_71 = tpu.memref_slice %arg7[%add3A_42, %dma_wait3A_70] : memref<125x80xi32, #tpu.memory_space<vmem>> -> memref<1x80xi32, #tpu.memory_space<vmem>>
      %dma_wait3A_72 = tpu.memref_squeeze %dma_wait3A_71 : memref<1x80xi32, #tpu.memory_space<vmem>> -> memref<80xi32, #tpu.memory_space<vmem>>
      %dma_wait3A_73 = arith.constant 0 : i32
      %dma_wait3A_74 = arith.constant 0 : i32
      %dma_wait3A_75 = tpu.memref_slice %arg2[%dma_wait3A_73, %dma_wait3A_74] : memref<10000x128xf32, #tpu.memory_space<hbm>> -> memref<10000x128xf32, #tpu.memory_space<hbm>>
      tpu.wait_indirect_dma semaphore(%arg18 : memref<!tpu.dma_semaphore, #tpu.memory_space<semaphore_mem>>) src(%dma_wait3A_75 : memref<10000x128xf32, #tpu.memory_space<hbm>>) dst(%arg11 : memref<80x128xf32, #tpu.memory_space<vmem>>)
      "tpu.region"() ({
        %run_scoped3A = tpu.sem_alloc : memref<!tpu.dma_semaphore, #tpu.memory_space<semaphore_mem>>
        %dma_start3A_100 = arith.constant 0 : i32
        %dma_start3A_101 = arith.constant 0 : i32
        %dma_start3A_102 = tpu.memref_slice %arg14[%dma_start3A_100, %dma_start3A_101] : memref<10240x128xf32, #tpu.memory_space<vmem_shared>> -> memref<10240x128xf32, #tpu.memory_space<vmem_shared>>
        tpu.enqueue_indirect_dma source(%arg11 : memref<80x128xf32, #tpu.memory_space<vmem>>) target(%dma_start3A_102 : memref<10240x128xf32, #tpu.memory_space<vmem_shared>>) offsets(%arg8 : memref<80xi32, #tpu.memory_space<vmem>>) semaphore(%run_scoped3A : memref<!tpu.dma_semaphore, #tpu.memory_space<semaphore_mem>>) {add = true}
        %dma_wait3A_103 = arith.constant 0 : i32
        %dma_wait3A_104 = arith.constant 0 : i32
        %dma_wait3A_105 = tpu.memref_slice %arg14[%dma_wait3A_103, %dma_wait3A_104] : memref<10240x128xf32, #tpu.memory_space<vmem_shared>> -> memref<10240x128xf32, #tpu.memory_space<vmem_shared>>
        tpu.wait_indirect_dma semaphore(%run_scoped3A : memref<!tpu.dma_semaphore, #tpu.memory_space<semaphore_mem>>) src(%arg11 : memref<80x128xf32, #tpu.memory_space<vmem>>) dst(%dma_wait3A_105 : memref<10240x128xf32, #tpu.memory_space<vmem_shared>>)
        tpu.yield
      }) : () -> ()
      %dma_wait3A_76 = arith.constant 0 : i32
      %dma_wait3A_77 = tpu.memref_slice %arg4[%add3A, %add3A_26, %dma_wait3A_76] : memref<32x125x80xi32, #tpu.memory_space<hbm>> -> memref<1x1x80xi32, #tpu.memory_space<hbm>>
      %dma_wait3A_78 = tpu.memref_squeeze %dma_wait3A_77 : memref<1x1x80xi32, #tpu.memory_space<hbm>> -> memref<80xi32, #tpu.memory_space<hbm>>
      %dma_wait3A_79 = arith.constant 0 : i32
      %dma_wait3A_80 = tpu.memref_slice %arg4[%add3A, %add3A_26, %dma_wait3A_79] : memref<32x125x80xi32, #tpu.memory_space<hbm>> -> memref<1x1x80xi32, #tpu.memory_space<hbm>>
      %dma_wait3A_81 = tpu.memref_squeeze %dma_wait3A_80 : memref<1x1x80xi32, #tpu.memory_space<hbm>> -> memref<80xi32, #tpu.memory_space<hbm>>
      tpu.wait_dma2 semaphore(%arg16 : memref<!tpu.dma_semaphore, #tpu.memory_space<semaphore_mem>>) src(%dma_wait3A_81 : memref<80xi32, #tpu.memory_space<hbm>>) dst(%arg9 : memref<80xi32, #tpu.memory_space<vmem>>)
      %dma_wait3A_82 = arith.constant 0 : i32
      %dma_wait3A_83 = tpu.memref_slice %arg7[%add3A_50, %dma_wait3A_82] : memref<125x80xi32, #tpu.memory_space<vmem>> -> memref<1x80xi32, #tpu.memory_space<vmem>>
      %dma_wait3A_84 = tpu.memref_squeeze %dma_wait3A_83 : memref<1x80xi32, #tpu.memory_space<vmem>> -> memref<80xi32, #tpu.memory_space<vmem>>
      %dma_wait3A_85 = arith.constant 0 : i32
      %dma_wait3A_86 = arith.constant 0 : i32
      %dma_wait3A_87 = tpu.memref_slice %arg2[%dma_wait3A_85, %dma_wait3A_86] : memref<10000x128xf32, #tpu.memory_space<hbm>> -> memref<10000x128xf32, #tpu.memory_space<hbm>>
      tpu.wait_indirect_dma semaphore(%arg19 : memref<!tpu.dma_semaphore, #tpu.memory_space<semaphore_mem>>) src(%dma_wait3A_87 : memref<10000x128xf32, #tpu.memory_space<hbm>>) dst(%arg12 : memref<80x128xf32, #tpu.memory_space<vmem>>)
      "tpu.region"() ({
        %run_scoped3A = tpu.sem_alloc : memref<!tpu.dma_semaphore, #tpu.memory_space<semaphore_mem>>
        %dma_start3A_100 = arith.constant 0 : i32
        %dma_start3A_101 = arith.constant 0 : i32
        %dma_start3A_102 = tpu.memref_slice %arg14[%dma_start3A_100, %dma_start3A_101] : memref<10240x128xf32, #tpu.memory_space<vmem_shared>> -> memref<10240x128xf32, #tpu.memory_space<vmem_shared>>
        tpu.enqueue_indirect_dma source(%arg12 : memref<80x128xf32, #tpu.memory_space<vmem>>) target(%dma_start3A_102 : memref<10240x128xf32, #tpu.memory_space<vmem_shared>>) offsets(%arg9 : memref<80xi32, #tpu.memory_space<vmem>>) semaphore(%run_scoped3A : memref<!tpu.dma_semaphore, #tpu.memory_space<semaphore_mem>>) {add = true}
        %dma_wait3A_103 = arith.constant 0 : i32
        %dma_wait3A_104 = arith.constant 0 : i32
        %dma_wait3A_105 = tpu.memref_slice %arg14[%dma_wait3A_103, %dma_wait3A_104] : memref<10240x128xf32, #tpu.memory_space<vmem_shared>> -> memref<10240x128xf32, #tpu.memory_space<vmem_shared>>
        tpu.wait_indirect_dma semaphore(%run_scoped3A : memref<!tpu.dma_semaphore, #tpu.memory_space<semaphore_mem>>) src(%arg12 : memref<80x128xf32, #tpu.memory_space<vmem>>) dst(%dma_wait3A_105 : memref<10240x128xf32, #tpu.memory_space<vmem_shared>>)
        tpu.yield
      }) : () -> ()
      %dma_wait3A_88 = arith.constant 0 : i32
      %dma_wait3A_89 = tpu.memref_slice %arg4[%add3A, %add3A_34, %dma_wait3A_88] : memref<32x125x80xi32, #tpu.memory_space<hbm>> -> memref<1x1x80xi32, #tpu.memory_space<hbm>>
      %dma_wait3A_90 = tpu.memref_squeeze %dma_wait3A_89 : memref<1x1x80xi32, #tpu.memory_space<hbm>> -> memref<80xi32, #tpu.memory_space<hbm>>
      %dma_wait3A_91 = arith.constant 0 : i32
      %dma_wait3A_92 = tpu.memref_slice %arg4[%add3A, %add3A_34, %dma_wait3A_91] : memref<32x125x80xi32, #tpu.memory_space<hbm>> -> memref<1x1x80xi32, #tpu.memory_space<hbm>>
      %dma_wait3A_93 = tpu.memref_squeeze %dma_wait3A_92 : memref<1x1x80xi32, #tpu.memory_space<hbm>> -> memref<80xi32, #tpu.memory_space<hbm>>
      tpu.wait_dma2 semaphore(%arg17 : memref<!tpu.dma_semaphore, #tpu.memory_space<semaphore_mem>>) src(%dma_wait3A_93 : memref<80xi32, #tpu.memory_space<hbm>>) dst(%arg10 : memref<80xi32, #tpu.memory_space<vmem>>)
      %dma_wait3A_94 = arith.constant 0 : i32
      %dma_wait3A_95 = tpu.memref_slice %arg7[%add3A_58, %dma_wait3A_94] : memref<125x80xi32, #tpu.memory_space<vmem>> -> memref<1x80xi32, #tpu.memory_space<vmem>>
      %dma_wait3A_96 = tpu.memref_squeeze %dma_wait3A_95 : memref<1x80xi32, #tpu.memory_space<vmem>> -> memref<80xi32, #tpu.memory_space<vmem>>
      %dma_wait3A_97 = arith.constant 0 : i32
      %dma_wait3A_98 = arith.constant 0 : i32
      %dma_wait3A_99 = tpu.memref_slice %arg2[%dma_wait3A_97, %dma_wait3A_98] : memref<10000x128xf32, #tpu.memory_space<hbm>> -> memref<10000x128xf32, #tpu.memory_space<hbm>>
      tpu.wait_indirect_dma semaphore(%arg20 : memref<!tpu.dma_semaphore, #tpu.memory_space<semaphore_mem>>) src(%dma_wait3A_99 : memref<10000x128xf32, #tpu.memory_space<hbm>>) dst(%arg13 : memref<80x128xf32, #tpu.memory_space<vmem>>)
      "tpu.region"() ({
        %run_scoped3A = tpu.sem_alloc : memref<!tpu.dma_semaphore, #tpu.memory_space<semaphore_mem>>
        %dma_start3A_100 = arith.constant 0 : i32
        %dma_start3A_101 = arith.constant 0 : i32
        %dma_start3A_102 = tpu.memref_slice %arg14[%dma_start3A_100, %dma_start3A_101] : memref<10240x128xf32, #tpu.memory_space<vmem_shared>> -> memref<10240x128xf32, #tpu.memory_space<vmem_shared>>
        tpu.enqueue_indirect_dma source(%arg13 : memref<80x128xf32, #tpu.memory_space<vmem>>) target(%dma_start3A_102 : memref<10240x128xf32, #tpu.memory_space<vmem_shared>>) offsets(%arg10 : memref<80xi32, #tpu.memory_space<vmem>>) semaphore(%run_scoped3A : memref<!tpu.dma_semaphore, #tpu.memory_space<semaphore_mem>>) {add = true}
        %dma_wait3A_103 = arith.constant 0 : i32
        %dma_wait3A_104 = arith.constant 0 : i32
        %dma_wait3A_105 = tpu.memref_slice %arg14[%dma_wait3A_103, %dma_wait3A_104] : memref<10240x128xf32, #tpu.memory_space<vmem_shared>> -> memref<10240x128xf32, #tpu.memory_space<vmem_shared>>
        tpu.wait_indirect_dma semaphore(%run_scoped3A : memref<!tpu.dma_semaphore, #tpu.memory_space<semaphore_mem>>) src(%arg13 : memref<80x128xf32, #tpu.memory_space<vmem>>) dst(%dma_wait3A_105 : memref<10240x128xf32, #tpu.memory_space<vmem_shared>>)
        tpu.yield
      }) : () -> ()
    }
    %scan3A_6 = arith.constant 41 : i32
    %scan3A_7 = arith.constant 0 : i32
    %scan3A_8 = arith.constant 2 : i32
    %scan3A_9 = arith.addi %scan3A_7, %scan3A_8 : i32
    %scan3A_10 = arith.constant 1 : i32
    scf.for %scan3A_13 = %scan3A_7 to %scan3A_9 step %scan3A_10  : i32 {
      %mul3A_14 = arith.constant 1 : i32
      %mul3A_15 = arith.muli %scan3A_13, %mul3A_14 : i32
      %add3A_16 = arith.constant 123 : i32
      %add3A_17 = arith.addi %add3A_16, %mul3A_15 : i32
      "tpu.region"() ({
        %run_scoped3A = tpu.sem_alloc : memref<!tpu.dma_semaphore, #tpu.memory_space<semaphore_mem>>
        %dma_start3A = arith.constant 0 : i32
        %dma_start3A_18 = tpu.memref_slice %arg4[%add3A, %add3A_17, %dma_start3A] : memref<32x125x80xi32, #tpu.memory_space<hbm>> -> memref<1x1x80xi32, #tpu.memory_space<hbm>>
        %dma_start3A_19 = tpu.memref_squeeze %dma_start3A_18 : memref<1x1x80xi32, #tpu.memory_space<hbm>> -> memref<80xi32, #tpu.memory_space<hbm>>
        %dma_start3A_20 = arith.constant 0 : i32
        %dma_start3A_21 = tpu.memref_slice %arg4[%add3A, %add3A_17, %dma_start3A_20] : memref<32x125x80xi32, #tpu.memory_space<hbm>> -> memref<1x1x80xi32, #tpu.memory_space<hbm>>
        %dma_start3A_22 = tpu.memref_squeeze %dma_start3A_21 : memref<1x1x80xi32, #tpu.memory_space<hbm>> -> memref<80xi32, #tpu.memory_space<hbm>>
        tpu.enqueue_dma source(%dma_start3A_22 : memref<80xi32, #tpu.memory_space<hbm>>) target(%arg8 : memref<80xi32, #tpu.memory_space<vmem>>) target_semaphore(%run_scoped3A : memref<!tpu.dma_semaphore, #tpu.memory_space<semaphore_mem>>)
        %dma_wait3A = arith.constant 0 : i32
        %dma_wait3A_23 = tpu.memref_slice %arg4[%add3A, %add3A_17, %dma_wait3A] : memref<32x125x80xi32, #tpu.memory_space<hbm>> -> memref<1x1x80xi32, #tpu.memory_space<hbm>>
        %dma_wait3A_24 = tpu.memref_squeeze %dma_wait3A_23 : memref<1x1x80xi32, #tpu.memory_space<hbm>> -> memref<80xi32, #tpu.memory_space<hbm>>
        %dma_wait3A_25 = arith.constant 0 : i32
        %dma_wait3A_26 = tpu.memref_slice %arg4[%add3A, %add3A_17, %dma_wait3A_25] : memref<32x125x80xi32, #tpu.memory_space<hbm>> -> memref<1x1x80xi32, #tpu.memory_space<hbm>>
        %dma_wait3A_27 = tpu.memref_squeeze %dma_wait3A_26 : memref<1x1x80xi32, #tpu.memory_space<hbm>> -> memref<80xi32, #tpu.memory_space<hbm>>
        tpu.wait_dma2 semaphore(%run_scoped3A : memref<!tpu.dma_semaphore, #tpu.memory_space<semaphore_mem>>) src(%dma_wait3A_27 : memref<80xi32, #tpu.memory_space<hbm>>) dst(%arg8 : memref<80xi32, #tpu.memory_space<vmem>>)
        tpu.yield
      }) : () -> ()
      "tpu.region"() ({
        %run_scoped3A = tpu.sem_alloc : memref<!tpu.dma_semaphore, #tpu.memory_space<semaphore_mem>>
        %dma_start3A = arith.constant 0 : i32
        %dma_start3A_18 = tpu.memref_slice %arg7[%add3A_17, %dma_start3A] : memref<125x80xi32, #tpu.memory_space<vmem>> -> memref<1x80xi32, #tpu.memory_space<vmem>>
        %dma_start3A_19 = tpu.memref_squeeze %dma_start3A_18 : memref<1x80xi32, #tpu.memory_space<vmem>> -> memref<80xi32, #tpu.memory_space<vmem>>
        %dma_start3A_20 = arith.constant 0 : i32
        %dma_start3A_21 = arith.constant 0 : i32
        %dma_start3A_22 = tpu.memref_slice %arg2[%dma_start3A_20, %dma_start3A_21] : memref<10000x128xf32, #tpu.memory_space<hbm>> -> memref<10000x128xf32, #tpu.memory_space<hbm>>
        tpu.enqueue_indirect_dma source(%dma_start3A_22 : memref<10000x128xf32, #tpu.memory_space<hbm>>) target(%arg11 : memref<80x128xf32, #tpu.memory_space<vmem>>) offsets(%dma_start3A_19 : memref<80xi32, #tpu.memory_space<vmem>>) semaphore(%run_scoped3A : memref<!tpu.dma_semaphore, #tpu.memory_space<semaphore_mem>>)
        %dma_wait3A = arith.constant 0 : i32
        %dma_wait3A_23 = tpu.memref_slice %arg7[%add3A_17, %dma_wait3A] : memref<125x80xi32, #tpu.memory_space<vmem>> -> memref<1x80xi32, #tpu.memory_space<vmem>>
        %dma_wait3A_24 = tpu.memref_squeeze %dma_wait3A_23 : memref<1x80xi32, #tpu.memory_space<vmem>> -> memref<80xi32, #tpu.memory_space<vmem>>
        %dma_wait3A_25 = arith.constant 0 : i32
        %dma_wait3A_26 = arith.constant 0 : i32
        %dma_wait3A_27 = tpu.memref_slice %arg2[%dma_wait3A_25, %dma_wait3A_26] : memref<10000x128xf32, #tpu.memory_space<hbm>> -> memref<10000x128xf32, #tpu.memory_space<hbm>>
        tpu.wait_indirect_dma semaphore(%run_scoped3A : memref<!tpu.dma_semaphore, #tpu.memory_space<semaphore_mem>>) src(%dma_wait3A_27 : memref<10000x128xf32, #tpu.memory_space<hbm>>) dst(%arg11 : memref<80x128xf32, #tpu.memory_space<vmem>>)
        tpu.yield
      }) : () -> ()
      "tpu.region"() ({
        %run_scoped3A = tpu.sem_alloc : memref<!tpu.dma_semaphore, #tpu.memory_space<semaphore_mem>>
        %dma_start3A = arith.constant 0 : i32
        %dma_start3A_18 = arith.constant 0 : i32
        %dma_start3A_19 = tpu.memref_slice %arg14[%dma_start3A, %dma_start3A_18] : memref<10240x128xf32, #tpu.memory_space<vmem_shared>> -> memref<10240x128xf32, #tpu.memory_space<vmem_shared>>
        tpu.enqueue_indirect_dma source(%arg11 : memref<80x128xf32, #tpu.memory_space<vmem>>) target(%dma_start3A_19 : memref<10240x128xf32, #tpu.memory_space<vmem_shared>>) offsets(%arg8 : memref<80xi32, #tpu.memory_space<vmem>>) semaphore(%run_scoped3A : memref<!tpu.dma_semaphore, #tpu.memory_space<semaphore_mem>>) {add = true}
        %dma_wait3A = arith.constant 0 : i32
        %dma_wait3A_20 = arith.constant 0 : i32
        %dma_wait3A_21 = tpu.memref_slice %arg14[%dma_wait3A, %dma_wait3A_20] : memref<10240x128xf32, #tpu.memory_space<vmem_shared>> -> memref<10240x128xf32, #tpu.memory_space<vmem_shared>>
        tpu.wait_indirect_dma semaphore(%run_scoped3A : memref<!tpu.dma_semaphore, #tpu.memory_space<semaphore_mem>>) src(%arg11 : memref<80x128xf32, #tpu.memory_space<vmem>>) dst(%dma_wait3A_21 : memref<10240x128xf32, #tpu.memory_space<vmem_shared>>)
        tpu.yield
      }) : () -> ()
    }
    %scan3A_11 = arith.constant 2 : i32
    %barrier3A_12 = arith.constant 0 : index
    tpu.barrier barrier_id(%barrier3A_12)
    "tpu.region"() ({
      %run_scoped3A = tpu.sem_alloc : memref<!tpu.dma_semaphore, #tpu.memory_space<semaphore_mem>>
      %dma_start3A = arith.constant 0 : i32
      %dma_start3A_13 = tpu.memref_slice %arg6[%arg0, %mul3A_2, %dma_start3A] : memref<2x10240x128xf32, #tpu.memory_space<hbm>> -> memref<1x640x128xf32, #tpu.memory_space<hbm>>
      %dma_start3A_14 = tpu.memref_squeeze %dma_start3A_13 : memref<1x640x128xf32, #tpu.memory_space<hbm>> -> memref<640x128xf32, #tpu.memory_space<hbm>>
      %dma_start3A_15 = arith.constant 0 : i32
      %dma_start3A_16 = tpu.memref_slice %arg14[%mul3A_2, %dma_start3A_15] : memref<10240x128xf32, #tpu.memory_space<vmem_shared>> -> memref<640x128xf32, #tpu.memory_space<vmem_shared>>
      tpu.enqueue_dma source(%dma_start3A_16 : memref<640x128xf32, #tpu.memory_space<vmem_shared>>) target(%dma_start3A_14 : memref<640x128xf32, #tpu.memory_space<hbm>>) target_semaphore(%run_scoped3A : memref<!tpu.dma_semaphore, #tpu.memory_space<semaphore_mem>>)
      %dma_wait3A = arith.constant 0 : i32
      %dma_wait3A_17 = tpu.memref_slice %arg6[%arg0, %mul3A_2, %dma_wait3A] : memref<2x10240x128xf32, #tpu.memory_space<hbm>> -> memref<1x640x128xf32, #tpu.memory_space<hbm>>
      %dma_wait3A_18 = tpu.memref_squeeze %dma_wait3A_17 : memref<1x640x128xf32, #tpu.memory_space<hbm>> -> memref<640x128xf32, #tpu.memory_space<hbm>>
      %dma_wait3A_19 = arith.constant 0 : i32
      %dma_wait3A_20 = tpu.memref_slice %arg14[%mul3A_2, %dma_wait3A_19] : memref<10240x128xf32, #tpu.memory_space<vmem_shared>> -> memref<640x128xf32, #tpu.memory_space<vmem_shared>>
      tpu.wait_dma2 semaphore(%run_scoped3A : memref<!tpu.dma_semaphore, #tpu.memory_space<semaphore_mem>>) src(%dma_wait3A_20 : memref<640x128xf32, #tpu.memory_space<vmem_shared>>) dst(%dma_wait3A_18 : memref<640x128xf32, #tpu.memory_space<hbm>>)
      tpu.yield
    }) : () -> ()
    return
  }
}

#map = affine_map<(d0, d1) -> (0, 0)>
#map1 = affine_map<(d0, d1) -> (0, 0, 0)>
module attributes {stable_mosaic.version = 14 : i64} {
  func.func @k(%arg0: i32, %arg1: i32, %arg2: memref<20000x128xf32, #tpu.memory_space<hbm>>, %arg3: memref<32x49x128xi32, #tpu.memory_space<hbm>>, %arg4: memref<200704x128xf32, #tpu.memory_space<hbm>>, %arg5: memref<49x128xi32, #tpu.memory_space<vmem>>, %arg6: memref<128x128xf32, #tpu.memory_space<vmem>>, %arg7: memref<128x128xf32, #tpu.memory_space<vmem>>, %arg8: memref<128x128xf32, #tpu.memory_space<vmem>>, %arg9: memref<128x128xf32, #tpu.memory_space<vmem>>, %arg10: memref<128x128xf32, #tpu.memory_space<vmem>>, %arg11: memref<128x128xf32, #tpu.memory_space<vmem>>, %arg12: memref<!tpu.dma_semaphore, #tpu.memory_space<semaphore_mem>>, %arg13: memref<!tpu.dma_semaphore, #tpu.memory_space<semaphore_mem>>, %arg14: memref<!tpu.dma_semaphore, #tpu.memory_space<semaphore_mem>>, %arg15: memref<!tpu.dma_semaphore, #tpu.memory_space<semaphore_mem>>, %arg16: memref<!tpu.dma_semaphore, #tpu.memory_space<semaphore_mem>>, %arg17: memref<!tpu.dma_semaphore, #tpu.memory_space<semaphore_mem>>, %arg18: memref<!tpu.dma_semaphore, #tpu.memory_space<semaphore_mem>>, %arg19: memref<!tpu.dma_semaphore, #tpu.memory_space<semaphore_mem>>, %arg20: memref<!tpu.dma_semaphore, #tpu.memory_space<semaphore_mem>>, %arg21: memref<!tpu.dma_semaphore, #tpu.memory_space<semaphore_mem>>, %arg22: memref<!tpu.dma_semaphore, #tpu.memory_space<semaphore_mem>>, %arg23: memref<!tpu.dma_semaphore, #tpu.memory_space<semaphore_mem>>) attributes {dimension_semantics = [#tpu.dimension_semantics<core_parallel>, #tpu.dimension_semantics<subcore_parallel>], iteration_bounds = array<i64: 2, 16>, scalar_prefetch = 0 : i64, scratch_operands = 19 : i64, tpu.core_type = #tpu.core_type<sc_vector_subcore>, window_params = [{transform_indices = #map}, {transform_indices = #map1}, {transform_indices = #map}]} {
    %mul3A = arith.constant 2 : i32
    %mul3A_0 = arith.muli %arg1, %mul3A : i32
    %add3A = arith.addi %mul3A_0, %arg0 : i32
    %mul3A_1 = arith.constant 6272 : i32
    %mul3A_2 = arith.muli %add3A, %mul3A_1 : i32
    "tpu.region"() ({
      %run_scoped3A_9 = tpu.sem_alloc : memref<!tpu.dma_semaphore, #tpu.memory_space<semaphore_mem>>
      %dma_start3A = arith.constant 0 : i32
      %dma_start3A_10 = arith.constant 0 : i32
      %dma_start3A_11 = tpu.memref_slice %arg3[%add3A, %dma_start3A, %dma_start3A_10] : memref<32x49x128xi32, #tpu.memory_space<hbm>> -> memref<1x49x128xi32, #tpu.memory_space<hbm>>
      %dma_start3A_12 = tpu.memref_squeeze %dma_start3A_11 : memref<1x49x128xi32, #tpu.memory_space<hbm>> -> memref<49x128xi32, #tpu.memory_space<hbm>>
      %dma_start3A_13 = arith.constant 0 : i32
      %dma_start3A_14 = arith.constant 0 : i32
      %dma_start3A_15 = tpu.memref_slice %arg3[%add3A, %dma_start3A_13, %dma_start3A_14] : memref<32x49x128xi32, #tpu.memory_space<hbm>> -> memref<1x49x128xi32, #tpu.memory_space<hbm>>
      %dma_start3A_16 = tpu.memref_squeeze %dma_start3A_15 : memref<1x49x128xi32, #tpu.memory_space<hbm>> -> memref<49x128xi32, #tpu.memory_space<hbm>>
      tpu.enqueue_dma source(%dma_start3A_16 : memref<49x128xi32, #tpu.memory_space<hbm>>) target(%arg5 : memref<49x128xi32, #tpu.memory_space<vmem>>) target_semaphore(%run_scoped3A_9 : memref<!tpu.dma_semaphore, #tpu.memory_space<semaphore_mem>>)
      %dma_wait3A = arith.constant 0 : i32
      %dma_wait3A_17 = arith.constant 0 : i32
      %dma_wait3A_18 = tpu.memref_slice %arg3[%add3A, %dma_wait3A, %dma_wait3A_17] : memref<32x49x128xi32, #tpu.memory_space<hbm>> -> memref<1x49x128xi32, #tpu.memory_space<hbm>>
      %dma_wait3A_19 = tpu.memref_squeeze %dma_wait3A_18 : memref<1x49x128xi32, #tpu.memory_space<hbm>> -> memref<49x128xi32, #tpu.memory_space<hbm>>
      %dma_wait3A_20 = arith.constant 0 : i32
      %dma_wait3A_21 = arith.constant 0 : i32
      %dma_wait3A_22 = tpu.memref_slice %arg3[%add3A, %dma_wait3A_20, %dma_wait3A_21] : memref<32x49x128xi32, #tpu.memory_space<hbm>> -> memref<1x49x128xi32, #tpu.memory_space<hbm>>
      %dma_wait3A_23 = tpu.memref_squeeze %dma_wait3A_22 : memref<1x49x128xi32, #tpu.memory_space<hbm>> -> memref<49x128xi32, #tpu.memory_space<hbm>>
      tpu.wait_dma2 semaphore(%run_scoped3A_9 : memref<!tpu.dma_semaphore, #tpu.memory_space<semaphore_mem>>) src(%dma_wait3A_23 : memref<49x128xi32, #tpu.memory_space<hbm>>) dst(%arg5 : memref<49x128xi32, #tpu.memory_space<vmem>>)
      tpu.yield
    }) : () -> ()
    %scan3A = arith.constant 0 : i32
    %scan3A_3 = arith.constant 8 : i32
    %scan3A_4 = arith.addi %scan3A, %scan3A_3 : i32
    %scan3A_5 = arith.constant 1 : i32
    scf.for %scan3A_9 = %scan3A to %scan3A_4 step %scan3A_5  : i32 {
      %mul3A_10 = arith.constant 6 : i32
      %mul3A_11 = arith.muli %scan3A_9, %mul3A_10 : i32
      %add3A_12 = arith.constant 0 : i32
      %add3A_13 = arith.addi %add3A_12, %mul3A_11 : i32
      %add3A_14 = arith.constant 0 : i32
      %add3A_15 = arith.addi %add3A_13, %add3A_14 : i32
      %dma_start3A = arith.constant 0 : i32
      %dma_start3A_16 = tpu.memref_slice %arg5[%add3A_15, %dma_start3A] : memref<49x128xi32, #tpu.memory_space<vmem>> -> memref<1x128xi32, #tpu.memory_space<vmem>>
      %dma_start3A_17 = tpu.memref_squeeze %dma_start3A_16 : memref<1x128xi32, #tpu.memory_space<vmem>> -> memref<128xi32, #tpu.memory_space<vmem>>
      %dma_start3A_18 = arith.constant 0 : i32
      %dma_start3A_19 = arith.constant 0 : i32
      %dma_start3A_20 = tpu.memref_slice %arg2[%dma_start3A_18, %dma_start3A_19] : memref<20000x128xf32, #tpu.memory_space<hbm>> -> memref<20000x128xf32, #tpu.memory_space<hbm>>
      tpu.enqueue_indirect_dma source(%dma_start3A_20 : memref<20000x128xf32, #tpu.memory_space<hbm>>) target(%arg6 : memref<128x128xf32, #tpu.memory_space<vmem>>) offsets(%dma_start3A_17 : memref<128xi32, #tpu.memory_space<vmem>>) semaphore(%arg12 : memref<!tpu.dma_semaphore, #tpu.memory_space<semaphore_mem>>)
      %add3A_21 = arith.constant 1 : i32
      %add3A_22 = arith.addi %add3A_13, %add3A_21 : i32
      %dma_start3A_23 = arith.constant 0 : i32
      %dma_start3A_24 = tpu.memref_slice %arg5[%add3A_22, %dma_start3A_23] : memref<49x128xi32, #tpu.memory_space<vmem>> -> memref<1x128xi32, #tpu.memory_space<vmem>>
      %dma_start3A_25 = tpu.memref_squeeze %dma_start3A_24 : memref<1x128xi32, #tpu.memory_space<vmem>> -> memref<128xi32, #tpu.memory_space<vmem>>
      %dma_start3A_26 = arith.constant 0 : i32
      %dma_start3A_27 = arith.constant 0 : i32
      %dma_start3A_28 = tpu.memref_slice %arg2[%dma_start3A_26, %dma_start3A_27] : memref<20000x128xf32, #tpu.memory_space<hbm>> -> memref<20000x128xf32, #tpu.memory_space<hbm>>
      tpu.enqueue_indirect_dma source(%dma_start3A_28 : memref<20000x128xf32, #tpu.memory_space<hbm>>) target(%arg7 : memref<128x128xf32, #tpu.memory_space<vmem>>) offsets(%dma_start3A_25 : memref<128xi32, #tpu.memory_space<vmem>>) semaphore(%arg13 : memref<!tpu.dma_semaphore, #tpu.memory_space<semaphore_mem>>)
      %add3A_29 = arith.constant 2 : i32
      %add3A_30 = arith.addi %add3A_13, %add3A_29 : i32
      %dma_start3A_31 = arith.constant 0 : i32
      %dma_start3A_32 = tpu.memref_slice %arg5[%add3A_30, %dma_start3A_31] : memref<49x128xi32, #tpu.memory_space<vmem>> -> memref<1x128xi32, #tpu.memory_space<vmem>>
      %dma_start3A_33 = tpu.memref_squeeze %dma_start3A_32 : memref<1x128xi32, #tpu.memory_space<vmem>> -> memref<128xi32, #tpu.memory_space<vmem>>
      %dma_start3A_34 = arith.constant 0 : i32
      %dma_start3A_35 = arith.constant 0 : i32
      %dma_start3A_36 = tpu.memref_slice %arg2[%dma_start3A_34, %dma_start3A_35] : memref<20000x128xf32, #tpu.memory_space<hbm>> -> memref<20000x128xf32, #tpu.memory_space<hbm>>
      tpu.enqueue_indirect_dma source(%dma_start3A_36 : memref<20000x128xf32, #tpu.memory_space<hbm>>) target(%arg8 : memref<128x128xf32, #tpu.memory_space<vmem>>) offsets(%dma_start3A_33 : memref<128xi32, #tpu.memory_space<vmem>>) semaphore(%arg14 : memref<!tpu.dma_semaphore, #tpu.memory_space<semaphore_mem>>)
      %add3A_37 = arith.constant 3 : i32
      %add3A_38 = arith.addi %add3A_13, %add3A_37 : i32
      %dma_start3A_39 = arith.constant 0 : i32
      %dma_start3A_40 = tpu.memref_slice %arg5[%add3A_38, %dma_start3A_39] : memref<49x128xi32, #tpu.memory_space<vmem>> -> memref<1x128xi32, #tpu.memory_space<vmem>>
      %dma_start3A_41 = tpu.memref_squeeze %dma_start3A_40 : memref<1x128xi32, #tpu.memory_space<vmem>> -> memref<128xi32, #tpu.memory_space<vmem>>
      %dma_start3A_42 = arith.constant 0 : i32
      %dma_start3A_43 = arith.constant 0 : i32
      %dma_start3A_44 = tpu.memref_slice %arg2[%dma_start3A_42, %dma_start3A_43] : memref<20000x128xf32, #tpu.memory_space<hbm>> -> memref<20000x128xf32, #tpu.memory_space<hbm>>
      tpu.enqueue_indirect_dma source(%dma_start3A_44 : memref<20000x128xf32, #tpu.memory_space<hbm>>) target(%arg9 : memref<128x128xf32, #tpu.memory_space<vmem>>) offsets(%dma_start3A_41 : memref<128xi32, #tpu.memory_space<vmem>>) semaphore(%arg15 : memref<!tpu.dma_semaphore, #tpu.memory_space<semaphore_mem>>)
      %add3A_45 = arith.constant 4 : i32
      %add3A_46 = arith.addi %add3A_13, %add3A_45 : i32
      %dma_start3A_47 = arith.constant 0 : i32
      %dma_start3A_48 = tpu.memref_slice %arg5[%add3A_46, %dma_start3A_47] : memref<49x128xi32, #tpu.memory_space<vmem>> -> memref<1x128xi32, #tpu.memory_space<vmem>>
      %dma_start3A_49 = tpu.memref_squeeze %dma_start3A_48 : memref<1x128xi32, #tpu.memory_space<vmem>> -> memref<128xi32, #tpu.memory_space<vmem>>
      %dma_start3A_50 = arith.constant 0 : i32
      %dma_start3A_51 = arith.constant 0 : i32
      %dma_start3A_52 = tpu.memref_slice %arg2[%dma_start3A_50, %dma_start3A_51] : memref<20000x128xf32, #tpu.memory_space<hbm>> -> memref<20000x128xf32, #tpu.memory_space<hbm>>
      tpu.enqueue_indirect_dma source(%dma_start3A_52 : memref<20000x128xf32, #tpu.memory_space<hbm>>) target(%arg10 : memref<128x128xf32, #tpu.memory_space<vmem>>) offsets(%dma_start3A_49 : memref<128xi32, #tpu.memory_space<vmem>>) semaphore(%arg16 : memref<!tpu.dma_semaphore, #tpu.memory_space<semaphore_mem>>)
      %add3A_53 = arith.constant 5 : i32
      %add3A_54 = arith.addi %add3A_13, %add3A_53 : i32
      %dma_start3A_55 = arith.constant 0 : i32
      %dma_start3A_56 = tpu.memref_slice %arg5[%add3A_54, %dma_start3A_55] : memref<49x128xi32, #tpu.memory_space<vmem>> -> memref<1x128xi32, #tpu.memory_space<vmem>>
      %dma_start3A_57 = tpu.memref_squeeze %dma_start3A_56 : memref<1x128xi32, #tpu.memory_space<vmem>> -> memref<128xi32, #tpu.memory_space<vmem>>
      %dma_start3A_58 = arith.constant 0 : i32
      %dma_start3A_59 = arith.constant 0 : i32
      %dma_start3A_60 = tpu.memref_slice %arg2[%dma_start3A_58, %dma_start3A_59] : memref<20000x128xf32, #tpu.memory_space<hbm>> -> memref<20000x128xf32, #tpu.memory_space<hbm>>
      tpu.enqueue_indirect_dma source(%dma_start3A_60 : memref<20000x128xf32, #tpu.memory_space<hbm>>) target(%arg11 : memref<128x128xf32, #tpu.memory_space<vmem>>) offsets(%dma_start3A_57 : memref<128xi32, #tpu.memory_space<vmem>>) semaphore(%arg17 : memref<!tpu.dma_semaphore, #tpu.memory_space<semaphore_mem>>)
      %dma_wait3A = arith.constant 0 : i32
      %dma_wait3A_61 = tpu.memref_slice %arg5[%add3A_15, %dma_wait3A] : memref<49x128xi32, #tpu.memory_space<vmem>> -> memref<1x128xi32, #tpu.memory_space<vmem>>
      %dma_wait3A_62 = tpu.memref_squeeze %dma_wait3A_61 : memref<1x128xi32, #tpu.memory_space<vmem>> -> memref<128xi32, #tpu.memory_space<vmem>>
      %dma_wait3A_63 = arith.constant 0 : i32
      %dma_wait3A_64 = arith.constant 0 : i32
      %dma_wait3A_65 = tpu.memref_slice %arg2[%dma_wait3A_63, %dma_wait3A_64] : memref<20000x128xf32, #tpu.memory_space<hbm>> -> memref<20000x128xf32, #tpu.memory_space<hbm>>
      tpu.wait_indirect_dma semaphore(%arg12 : memref<!tpu.dma_semaphore, #tpu.memory_space<semaphore_mem>>) src(%dma_wait3A_65 : memref<20000x128xf32, #tpu.memory_space<hbm>>) dst(%arg6 : memref<128x128xf32, #tpu.memory_space<vmem>>)
      %add3A_66 = arith.constant 0 : i32
      %add3A_67 = arith.addi %add3A_13, %add3A_66 : i32
      %mul3A_68 = arith.constant 128 : i32
      %mul3A_69 = arith.muli %add3A_67, %mul3A_68 : i32
      %add3A_70 = arith.addi %mul3A_2, %mul3A_69 : i32
      %dma_start3A_71 = arith.constant 0 : i32
      %dma_start3A_72 = tpu.memref_slice %arg4[%add3A_70, %dma_start3A_71] : memref<200704x128xf32, #tpu.memory_space<hbm>> -> memref<128x128xf32, #tpu.memory_space<hbm>>
      %dma_start3A_73 = arith.constant 0 : i32
      %dma_start3A_74 = tpu.memref_slice %arg4[%add3A_70, %dma_start3A_73] : memref<200704x128xf32, #tpu.memory_space<hbm>> -> memref<128x128xf32, #tpu.memory_space<hbm>>
      tpu.enqueue_dma source(%arg6 : memref<128x128xf32, #tpu.memory_space<vmem>>) target(%dma_start3A_74 : memref<128x128xf32, #tpu.memory_space<hbm>>) target_semaphore(%arg18 : memref<!tpu.dma_semaphore, #tpu.memory_space<semaphore_mem>>)
      %dma_wait3A_75 = arith.constant 0 : i32
      %dma_wait3A_76 = tpu.memref_slice %arg5[%add3A_22, %dma_wait3A_75] : memref<49x128xi32, #tpu.memory_space<vmem>> -> memref<1x128xi32, #tpu.memory_space<vmem>>
      %dma_wait3A_77 = tpu.memref_squeeze %dma_wait3A_76 : memref<1x128xi32, #tpu.memory_space<vmem>> -> memref<128xi32, #tpu.memory_space<vmem>>
      %dma_wait3A_78 = arith.constant 0 : i32
      %dma_wait3A_79 = arith.constant 0 : i32
      %dma_wait3A_80 = tpu.memref_slice %arg2[%dma_wait3A_78, %dma_wait3A_79] : memref<20000x128xf32, #tpu.memory_space<hbm>> -> memref<20000x128xf32, #tpu.memory_space<hbm>>
      tpu.wait_indirect_dma semaphore(%arg13 : memref<!tpu.dma_semaphore, #tpu.memory_space<semaphore_mem>>) src(%dma_wait3A_80 : memref<20000x128xf32, #tpu.memory_space<hbm>>) dst(%arg7 : memref<128x128xf32, #tpu.memory_space<vmem>>)
      %add3A_81 = arith.constant 1 : i32
      %add3A_82 = arith.addi %add3A_13, %add3A_81 : i32
      %mul3A_83 = arith.constant 128 : i32
      %mul3A_84 = arith.muli %add3A_82, %mul3A_83 : i32
      %add3A_85 = arith.addi %mul3A_2, %mul3A_84 : i32
      %dma_start3A_86 = arith.constant 0 : i32
      %dma_start3A_87 = tpu.memref_slice %arg4[%add3A_85, %dma_start3A_86] : memref<200704x128xf32, #tpu.memory_space<hbm>> -> memref<128x128xf32, #tpu.memory_space<hbm>>
      %dma_start3A_88 = arith.constant 0 : i32
      %dma_start3A_89 = tpu.memref_slice %arg4[%add3A_85, %dma_start3A_88] : memref<200704x128xf32, #tpu.memory_space<hbm>> -> memref<128x128xf32, #tpu.memory_space<hbm>>
      tpu.enqueue_dma source(%arg7 : memref<128x128xf32, #tpu.memory_space<vmem>>) target(%dma_start3A_89 : memref<128x128xf32, #tpu.memory_space<hbm>>) target_semaphore(%arg19 : memref<!tpu.dma_semaphore, #tpu.memory_space<semaphore_mem>>)
      %dma_wait3A_90 = arith.constant 0 : i32
      %dma_wait3A_91 = tpu.memref_slice %arg5[%add3A_30, %dma_wait3A_90] : memref<49x128xi32, #tpu.memory_space<vmem>> -> memref<1x128xi32, #tpu.memory_space<vmem>>
      %dma_wait3A_92 = tpu.memref_squeeze %dma_wait3A_91 : memref<1x128xi32, #tpu.memory_space<vmem>> -> memref<128xi32, #tpu.memory_space<vmem>>
      %dma_wait3A_93 = arith.constant 0 : i32
      %dma_wait3A_94 = arith.constant 0 : i32
      %dma_wait3A_95 = tpu.memref_slice %arg2[%dma_wait3A_93, %dma_wait3A_94] : memref<20000x128xf32, #tpu.memory_space<hbm>> -> memref<20000x128xf32, #tpu.memory_space<hbm>>
      tpu.wait_indirect_dma semaphore(%arg14 : memref<!tpu.dma_semaphore, #tpu.memory_space<semaphore_mem>>) src(%dma_wait3A_95 : memref<20000x128xf32, #tpu.memory_space<hbm>>) dst(%arg8 : memref<128x128xf32, #tpu.memory_space<vmem>>)
      %add3A_96 = arith.constant 2 : i32
      %add3A_97 = arith.addi %add3A_13, %add3A_96 : i32
      %mul3A_98 = arith.constant 128 : i32
      %mul3A_99 = arith.muli %add3A_97, %mul3A_98 : i32
      %add3A_100 = arith.addi %mul3A_2, %mul3A_99 : i32
      %dma_start3A_101 = arith.constant 0 : i32
      %dma_start3A_102 = tpu.memref_slice %arg4[%add3A_100, %dma_start3A_101] : memref<200704x128xf32, #tpu.memory_space<hbm>> -> memref<128x128xf32, #tpu.memory_space<hbm>>
      %dma_start3A_103 = arith.constant 0 : i32
      %dma_start3A_104 = tpu.memref_slice %arg4[%add3A_100, %dma_start3A_103] : memref<200704x128xf32, #tpu.memory_space<hbm>> -> memref<128x128xf32, #tpu.memory_space<hbm>>
      tpu.enqueue_dma source(%arg8 : memref<128x128xf32, #tpu.memory_space<vmem>>) target(%dma_start3A_104 : memref<128x128xf32, #tpu.memory_space<hbm>>) target_semaphore(%arg20 : memref<!tpu.dma_semaphore, #tpu.memory_space<semaphore_mem>>)
      %dma_wait3A_105 = arith.constant 0 : i32
      %dma_wait3A_106 = tpu.memref_slice %arg5[%add3A_38, %dma_wait3A_105] : memref<49x128xi32, #tpu.memory_space<vmem>> -> memref<1x128xi32, #tpu.memory_space<vmem>>
      %dma_wait3A_107 = tpu.memref_squeeze %dma_wait3A_106 : memref<1x128xi32, #tpu.memory_space<vmem>> -> memref<128xi32, #tpu.memory_space<vmem>>
      %dma_wait3A_108 = arith.constant 0 : i32
      %dma_wait3A_109 = arith.constant 0 : i32
      %dma_wait3A_110 = tpu.memref_slice %arg2[%dma_wait3A_108, %dma_wait3A_109] : memref<20000x128xf32, #tpu.memory_space<hbm>> -> memref<20000x128xf32, #tpu.memory_space<hbm>>
      tpu.wait_indirect_dma semaphore(%arg15 : memref<!tpu.dma_semaphore, #tpu.memory_space<semaphore_mem>>) src(%dma_wait3A_110 : memref<20000x128xf32, #tpu.memory_space<hbm>>) dst(%arg9 : memref<128x128xf32, #tpu.memory_space<vmem>>)
      %add3A_111 = arith.constant 3 : i32
      %add3A_112 = arith.addi %add3A_13, %add3A_111 : i32
      %mul3A_113 = arith.constant 128 : i32
      %mul3A_114 = arith.muli %add3A_112, %mul3A_113 : i32
      %add3A_115 = arith.addi %mul3A_2, %mul3A_114 : i32
      %dma_start3A_116 = arith.constant 0 : i32
      %dma_start3A_117 = tpu.memref_slice %arg4[%add3A_115, %dma_start3A_116] : memref<200704x128xf32, #tpu.memory_space<hbm>> -> memref<128x128xf32, #tpu.memory_space<hbm>>
      %dma_start3A_118 = arith.constant 0 : i32
      %dma_start3A_119 = tpu.memref_slice %arg4[%add3A_115, %dma_start3A_118] : memref<200704x128xf32, #tpu.memory_space<hbm>> -> memref<128x128xf32, #tpu.memory_space<hbm>>
      tpu.enqueue_dma source(%arg9 : memref<128x128xf32, #tpu.memory_space<vmem>>) target(%dma_start3A_119 : memref<128x128xf32, #tpu.memory_space<hbm>>) target_semaphore(%arg21 : memref<!tpu.dma_semaphore, #tpu.memory_space<semaphore_mem>>)
      %dma_wait3A_120 = arith.constant 0 : i32
      %dma_wait3A_121 = tpu.memref_slice %arg5[%add3A_46, %dma_wait3A_120] : memref<49x128xi32, #tpu.memory_space<vmem>> -> memref<1x128xi32, #tpu.memory_space<vmem>>
      %dma_wait3A_122 = tpu.memref_squeeze %dma_wait3A_121 : memref<1x128xi32, #tpu.memory_space<vmem>> -> memref<128xi32, #tpu.memory_space<vmem>>
      %dma_wait3A_123 = arith.constant 0 : i32
      %dma_wait3A_124 = arith.constant 0 : i32
      %dma_wait3A_125 = tpu.memref_slice %arg2[%dma_wait3A_123, %dma_wait3A_124] : memref<20000x128xf32, #tpu.memory_space<hbm>> -> memref<20000x128xf32, #tpu.memory_space<hbm>>
      tpu.wait_indirect_dma semaphore(%arg16 : memref<!tpu.dma_semaphore, #tpu.memory_space<semaphore_mem>>) src(%dma_wait3A_125 : memref<20000x128xf32, #tpu.memory_space<hbm>>) dst(%arg10 : memref<128x128xf32, #tpu.memory_space<vmem>>)
      %add3A_126 = arith.constant 4 : i32
      %add3A_127 = arith.addi %add3A_13, %add3A_126 : i32
      %mul3A_128 = arith.constant 128 : i32
      %mul3A_129 = arith.muli %add3A_127, %mul3A_128 : i32
      %add3A_130 = arith.addi %mul3A_2, %mul3A_129 : i32
      %dma_start3A_131 = arith.constant 0 : i32
      %dma_start3A_132 = tpu.memref_slice %arg4[%add3A_130, %dma_start3A_131] : memref<200704x128xf32, #tpu.memory_space<hbm>> -> memref<128x128xf32, #tpu.memory_space<hbm>>
      %dma_start3A_133 = arith.constant 0 : i32
      %dma_start3A_134 = tpu.memref_slice %arg4[%add3A_130, %dma_start3A_133] : memref<200704x128xf32, #tpu.memory_space<hbm>> -> memref<128x128xf32, #tpu.memory_space<hbm>>
      tpu.enqueue_dma source(%arg10 : memref<128x128xf32, #tpu.memory_space<vmem>>) target(%dma_start3A_134 : memref<128x128xf32, #tpu.memory_space<hbm>>) target_semaphore(%arg22 : memref<!tpu.dma_semaphore, #tpu.memory_space<semaphore_mem>>)
      %dma_wait3A_135 = arith.constant 0 : i32
      %dma_wait3A_136 = tpu.memref_slice %arg5[%add3A_54, %dma_wait3A_135] : memref<49x128xi32, #tpu.memory_space<vmem>> -> memref<1x128xi32, #tpu.memory_space<vmem>>
      %dma_wait3A_137 = tpu.memref_squeeze %dma_wait3A_136 : memref<1x128xi32, #tpu.memory_space<vmem>> -> memref<128xi32, #tpu.memory_space<vmem>>
      %dma_wait3A_138 = arith.constant 0 : i32
      %dma_wait3A_139 = arith.constant 0 : i32
      %dma_wait3A_140 = tpu.memref_slice %arg2[%dma_wait3A_138, %dma_wait3A_139] : memref<20000x128xf32, #tpu.memory_space<hbm>> -> memref<20000x128xf32, #tpu.memory_space<hbm>>
      tpu.wait_indirect_dma semaphore(%arg17 : memref<!tpu.dma_semaphore, #tpu.memory_space<semaphore_mem>>) src(%dma_wait3A_140 : memref<20000x128xf32, #tpu.memory_space<hbm>>) dst(%arg11 : memref<128x128xf32, #tpu.memory_space<vmem>>)
      %add3A_141 = arith.constant 5 : i32
      %add3A_142 = arith.addi %add3A_13, %add3A_141 : i32
      %mul3A_143 = arith.constant 128 : i32
      %mul3A_144 = arith.muli %add3A_142, %mul3A_143 : i32
      %add3A_145 = arith.addi %mul3A_2, %mul3A_144 : i32
      %dma_start3A_146 = arith.constant 0 : i32
      %dma_start3A_147 = tpu.memref_slice %arg4[%add3A_145, %dma_start3A_146] : memref<200704x128xf32, #tpu.memory_space<hbm>> -> memref<128x128xf32, #tpu.memory_space<hbm>>
      %dma_start3A_148 = arith.constant 0 : i32
      %dma_start3A_149 = tpu.memref_slice %arg4[%add3A_145, %dma_start3A_148] : memref<200704x128xf32, #tpu.memory_space<hbm>> -> memref<128x128xf32, #tpu.memory_space<hbm>>
      tpu.enqueue_dma source(%arg11 : memref<128x128xf32, #tpu.memory_space<vmem>>) target(%dma_start3A_149 : memref<128x128xf32, #tpu.memory_space<hbm>>) target_semaphore(%arg23 : memref<!tpu.dma_semaphore, #tpu.memory_space<semaphore_mem>>)
      %dma_wait3A_150 = arith.constant 0 : i32
      %dma_wait3A_151 = tpu.memref_slice %arg4[%add3A_70, %dma_wait3A_150] : memref<200704x128xf32, #tpu.memory_space<hbm>> -> memref<128x128xf32, #tpu.memory_space<hbm>>
      %dma_wait3A_152 = arith.constant 0 : i32
      %dma_wait3A_153 = tpu.memref_slice %arg4[%add3A_70, %dma_wait3A_152] : memref<200704x128xf32, #tpu.memory_space<hbm>> -> memref<128x128xf32, #tpu.memory_space<hbm>>
      tpu.wait_dma2 semaphore(%arg18 : memref<!tpu.dma_semaphore, #tpu.memory_space<semaphore_mem>>) src(%arg6 : memref<128x128xf32, #tpu.memory_space<vmem>>) dst(%dma_wait3A_153 : memref<128x128xf32, #tpu.memory_space<hbm>>)
      %dma_wait3A_154 = arith.constant 0 : i32
      %dma_wait3A_155 = tpu.memref_slice %arg4[%add3A_85, %dma_wait3A_154] : memref<200704x128xf32, #tpu.memory_space<hbm>> -> memref<128x128xf32, #tpu.memory_space<hbm>>
      %dma_wait3A_156 = arith.constant 0 : i32
      %dma_wait3A_157 = tpu.memref_slice %arg4[%add3A_85, %dma_wait3A_156] : memref<200704x128xf32, #tpu.memory_space<hbm>> -> memref<128x128xf32, #tpu.memory_space<hbm>>
      tpu.wait_dma2 semaphore(%arg19 : memref<!tpu.dma_semaphore, #tpu.memory_space<semaphore_mem>>) src(%arg7 : memref<128x128xf32, #tpu.memory_space<vmem>>) dst(%dma_wait3A_157 : memref<128x128xf32, #tpu.memory_space<hbm>>)
      %dma_wait3A_158 = arith.constant 0 : i32
      %dma_wait3A_159 = tpu.memref_slice %arg4[%add3A_100, %dma_wait3A_158] : memref<200704x128xf32, #tpu.memory_space<hbm>> -> memref<128x128xf32, #tpu.memory_space<hbm>>
      %dma_wait3A_160 = arith.constant 0 : i32
      %dma_wait3A_161 = tpu.memref_slice %arg4[%add3A_100, %dma_wait3A_160] : memref<200704x128xf32, #tpu.memory_space<hbm>> -> memref<128x128xf32, #tpu.memory_space<hbm>>
      tpu.wait_dma2 semaphore(%arg20 : memref<!tpu.dma_semaphore, #tpu.memory_space<semaphore_mem>>) src(%arg8 : memref<128x128xf32, #tpu.memory_space<vmem>>) dst(%dma_wait3A_161 : memref<128x128xf32, #tpu.memory_space<hbm>>)
      %dma_wait3A_162 = arith.constant 0 : i32
      %dma_wait3A_163 = tpu.memref_slice %arg4[%add3A_115, %dma_wait3A_162] : memref<200704x128xf32, #tpu.memory_space<hbm>> -> memref<128x128xf32, #tpu.memory_space<hbm>>
      %dma_wait3A_164 = arith.constant 0 : i32
      %dma_wait3A_165 = tpu.memref_slice %arg4[%add3A_115, %dma_wait3A_164] : memref<200704x128xf32, #tpu.memory_space<hbm>> -> memref<128x128xf32, #tpu.memory_space<hbm>>
      tpu.wait_dma2 semaphore(%arg21 : memref<!tpu.dma_semaphore, #tpu.memory_space<semaphore_mem>>) src(%arg9 : memref<128x128xf32, #tpu.memory_space<vmem>>) dst(%dma_wait3A_165 : memref<128x128xf32, #tpu.memory_space<hbm>>)
      %dma_wait3A_166 = arith.constant 0 : i32
      %dma_wait3A_167 = tpu.memref_slice %arg4[%add3A_130, %dma_wait3A_166] : memref<200704x128xf32, #tpu.memory_space<hbm>> -> memref<128x128xf32, #tpu.memory_space<hbm>>
      %dma_wait3A_168 = arith.constant 0 : i32
      %dma_wait3A_169 = tpu.memref_slice %arg4[%add3A_130, %dma_wait3A_168] : memref<200704x128xf32, #tpu.memory_space<hbm>> -> memref<128x128xf32, #tpu.memory_space<hbm>>
      tpu.wait_dma2 semaphore(%arg22 : memref<!tpu.dma_semaphore, #tpu.memory_space<semaphore_mem>>) src(%arg10 : memref<128x128xf32, #tpu.memory_space<vmem>>) dst(%dma_wait3A_169 : memref<128x128xf32, #tpu.memory_space<hbm>>)
      %dma_wait3A_170 = arith.constant 0 : i32
      %dma_wait3A_171 = tpu.memref_slice %arg4[%add3A_145, %dma_wait3A_170] : memref<200704x128xf32, #tpu.memory_space<hbm>> -> memref<128x128xf32, #tpu.memory_space<hbm>>
      %dma_wait3A_172 = arith.constant 0 : i32
      %dma_wait3A_173 = tpu.memref_slice %arg4[%add3A_145, %dma_wait3A_172] : memref<200704x128xf32, #tpu.memory_space<hbm>> -> memref<128x128xf32, #tpu.memory_space<hbm>>
      tpu.wait_dma2 semaphore(%arg23 : memref<!tpu.dma_semaphore, #tpu.memory_space<semaphore_mem>>) src(%arg11 : memref<128x128xf32, #tpu.memory_space<vmem>>) dst(%dma_wait3A_173 : memref<128x128xf32, #tpu.memory_space<hbm>>)
    }
    %scan3A_6 = arith.constant 8 : i32
    %run_scoped3A = arith.constant 48 : i32
    "tpu.region"() ({
      %run_scoped3A_9 = tpu.sem_alloc : memref<!tpu.dma_semaphore, #tpu.memory_space<semaphore_mem>>
      %dma_start3A = arith.constant 0 : i32
      %dma_start3A_10 = tpu.memref_slice %arg5[%run_scoped3A, %dma_start3A] : memref<49x128xi32, #tpu.memory_space<vmem>> -> memref<1x128xi32, #tpu.memory_space<vmem>>
      %dma_start3A_11 = tpu.memref_squeeze %dma_start3A_10 : memref<1x128xi32, #tpu.memory_space<vmem>> -> memref<128xi32, #tpu.memory_space<vmem>>
      %dma_start3A_12 = arith.constant 0 : i32
      %dma_start3A_13 = arith.constant 0 : i32
      %dma_start3A_14 = tpu.memref_slice %arg2[%dma_start3A_12, %dma_start3A_13] : memref<20000x128xf32, #tpu.memory_space<hbm>> -> memref<20000x128xf32, #tpu.memory_space<hbm>>
      tpu.enqueue_indirect_dma source(%dma_start3A_14 : memref<20000x128xf32, #tpu.memory_space<hbm>>) target(%arg6 : memref<128x128xf32, #tpu.memory_space<vmem>>) offsets(%dma_start3A_11 : memref<128xi32, #tpu.memory_space<vmem>>) semaphore(%run_scoped3A_9 : memref<!tpu.dma_semaphore, #tpu.memory_space<semaphore_mem>>)
      %dma_wait3A = arith.constant 0 : i32
      %dma_wait3A_15 = tpu.memref_slice %arg5[%run_scoped3A, %dma_wait3A] : memref<49x128xi32, #tpu.memory_space<vmem>> -> memref<1x128xi32, #tpu.memory_space<vmem>>
      %dma_wait3A_16 = tpu.memref_squeeze %dma_wait3A_15 : memref<1x128xi32, #tpu.memory_space<vmem>> -> memref<128xi32, #tpu.memory_space<vmem>>
      %dma_wait3A_17 = arith.constant 0 : i32
      %dma_wait3A_18 = arith.constant 0 : i32
      %dma_wait3A_19 = tpu.memref_slice %arg2[%dma_wait3A_17, %dma_wait3A_18] : memref<20000x128xf32, #tpu.memory_space<hbm>> -> memref<20000x128xf32, #tpu.memory_space<hbm>>
      tpu.wait_indirect_dma semaphore(%run_scoped3A_9 : memref<!tpu.dma_semaphore, #tpu.memory_space<semaphore_mem>>) src(%dma_wait3A_19 : memref<20000x128xf32, #tpu.memory_space<hbm>>) dst(%arg6 : memref<128x128xf32, #tpu.memory_space<vmem>>)
      tpu.yield
    }) : () -> ()
    %add3A_7 = arith.constant 6144 : i32
    %add3A_8 = arith.addi %mul3A_2, %add3A_7 : i32
    "tpu.region"() ({
      %run_scoped3A_9 = tpu.sem_alloc : memref<!tpu.dma_semaphore, #tpu.memory_space<semaphore_mem>>
      %dma_start3A = arith.constant 0 : i32
      %dma_start3A_10 = tpu.memref_slice %arg4[%add3A_8, %dma_start3A] : memref<200704x128xf32, #tpu.memory_space<hbm>> -> memref<128x128xf32, #tpu.memory_space<hbm>>
      %dma_start3A_11 = arith.constant 0 : i32
      %dma_start3A_12 = tpu.memref_slice %arg4[%add3A_8, %dma_start3A_11] : memref<200704x128xf32, #tpu.memory_space<hbm>> -> memref<128x128xf32, #tpu.memory_space<hbm>>
      tpu.enqueue_dma source(%arg6 : memref<128x128xf32, #tpu.memory_space<vmem>>) target(%dma_start3A_12 : memref<128x128xf32, #tpu.memory_space<hbm>>) target_semaphore(%run_scoped3A_9 : memref<!tpu.dma_semaphore, #tpu.memory_space<semaphore_mem>>)
      %dma_wait3A = arith.constant 0 : i32
      %dma_wait3A_13 = tpu.memref_slice %arg4[%add3A_8, %dma_wait3A] : memref<200704x128xf32, #tpu.memory_space<hbm>> -> memref<128x128xf32, #tpu.memory_space<hbm>>
      %dma_wait3A_14 = arith.constant 0 : i32
      %dma_wait3A_15 = tpu.memref_slice %arg4[%add3A_8, %dma_wait3A_14] : memref<200704x128xf32, #tpu.memory_space<hbm>> -> memref<128x128xf32, #tpu.memory_space<hbm>>
      tpu.wait_dma2 semaphore(%run_scoped3A_9 : memref<!tpu.dma_semaphore, #tpu.memory_space<semaphore_mem>>) src(%arg6 : memref<128x128xf32, #tpu.memory_space<vmem>>) dst(%dma_wait3A_15 : memref<128x128xf32, #tpu.memory_space<hbm>>)
      tpu.yield
    }) : () -> ()
    return
  }
}

#map = affine_map<(d0, d1) -> (0, 0)>
#map1 = affine_map<(d0, d1) -> (0, 0, 0)>
module attributes {stable_mosaic.version = 14 : i64} {
  func.func @k(%arg0: i32, %arg1: i32, %arg2: memref<10000x128xf32, #tpu.memory_space<hbm>>, %arg3: memref<32x125x80xi32, #tpu.memory_space<hbm>>, %arg4: memref<32x125x80xi32, #tpu.memory_space<hbm>>, %arg5: memref<640x128xf32, #tpu.memory_space<hbm>>, %arg6: memref<2x10240x128xf32, #tpu.memory_space<hbm>>, %arg7: memref<125x80xi32, #tpu.memory_space<vmem>>, %arg8: memref<80xi32, #tpu.memory_space<vmem>>, %arg9: memref<80xi32, #tpu.memory_space<vmem>>, %arg10: memref<80xi32, #tpu.memory_space<vmem>>, %arg11: memref<80x128xf32, #tpu.memory_space<vmem>>, %arg12: memref<80x128xf32, #tpu.memory_space<vmem>>, %arg13: memref<80x128xf32, #tpu.memory_space<vmem>>, %arg14: memref<10240x128xf32, #tpu.memory_space<vmem_shared>>, %arg15: memref<!tpu.dma_semaphore, #tpu.memory_space<semaphore_mem>>, %arg16: memref<!tpu.dma_semaphore, #tpu.memory_space<semaphore_mem>>, %arg17: memref<!tpu.dma_semaphore, #tpu.memory_space<semaphore_mem>>, %arg18: memref<!tpu.dma_semaphore, #tpu.memory_space<semaphore_mem>>, %arg19: memref<!tpu.dma_semaphore, #tpu.memory_space<semaphore_mem>>, %arg20: memref<!tpu.dma_semaphore, #tpu.memory_space<semaphore_mem>>) attributes {dimension_semantics = [#tpu.dimension_semantics<core_parallel>, #tpu.dimension_semantics<subcore_parallel>], iteration_bounds = array<i64: 2, 16>, scalar_prefetch = 0 : i64, scratch_operands = 14 : i64, tpu.core_type = #tpu.core_type<sc_vector_subcore>, window_params = [{transform_indices = #map}, {transform_indices = #map1}, {transform_indices = #map1}, {transform_indices = #map}, {transform_indices = #map1}]} {
    %mul3A = arith.constant 2 : i32
    %mul3A_0 = arith.muli %arg1, %mul3A : i32
    %add3A = arith.addi %mul3A_0, %arg0 : i32
    %mul3A_1 = arith.constant 640 : i32
    %mul3A_2 = arith.muli %arg1, %mul3A_1 : i32
    "tpu.region"() ({
      %run_scoped3A = tpu.sem_alloc : memref<!tpu.dma_semaphore, #tpu.memory_space<semaphore_mem>>
      %dma_start3A = arith.constant 0 : i32
      %dma_start3A_13 = tpu.memref_slice %arg14[%mul3A_2, %dma_start3A] : memref<10240x128xf32, #tpu.memory_space<vmem_shared>> -> memref<640x128xf32, #tpu.memory_space<vmem_shared>>
      tpu.enqueue_dma source(%arg5 : memref<640x128xf32, #tpu.memory_space<hbm>>) target(%dma_start3A_13 : memref<640x128xf32, #tpu.memory_space<vmem_shared>>) target_semaphore(%run_scoped3A : memref<!tpu.dma_semaphore, #tpu.memory_space<semaphore_mem>>)
      %dma_wait3A = arith.constant 0 : i32
      %dma_wait3A_14 = tpu.memref_slice %arg14[%mul3A_2, %dma_wait3A] : memref<10240x128xf32, #tpu.memory_space<vmem_shared>> -> memref<640x128xf32, #tpu.memory_space<vmem_shared>>
      tpu.wait_dma2 semaphore(%run_scoped3A : memref<!tpu.dma_semaphore, #tpu.memory_space<semaphore_mem>>) src(%arg5 : memref<640x128xf32, #tpu.memory_space<hbm>>) dst(%dma_wait3A_14 : memref<640x128xf32, #tpu.memory_space<vmem_shared>>)
      tpu.yield
    }) : () -> ()
    "tpu.region"() ({
      %run_scoped3A = tpu.sem_alloc : memref<!tpu.dma_semaphore, #tpu.memory_space<semaphore_mem>>
      %dma_start3A = arith.constant 0 : i32
      %dma_start3A_13 = arith.constant 0 : i32
      %dma_start3A_14 = tpu.memref_slice %arg3[%add3A, %dma_start3A, %dma_start3A_13] : memref<32x125x80xi32, #tpu.memory_space<hbm>> -> memref<1x125x80xi32, #tpu.memory_space<hbm>>
      %dma_start3A_15 = tpu.memref_squeeze %dma_start3A_14 : memref<1x125x80xi32, #tpu.memory_space<hbm>> -> memref<125x80xi32, #tpu.memory_space<hbm>>
      %dma_start3A_16 = arith.constant 0 : i32
      %dma_start3A_17 = arith.constant 0 : i32
      %dma_start3A_18 = tpu.memref_slice %arg3[%add3A, %dma_start3A_16, %dma_start3A_17] : memref<32x125x80xi32, #tpu.memory_space<hbm>> -> memref<1x125x80xi32, #tpu.memory_space<hbm>>
      %dma_start3A_19 = tpu.memref_squeeze %dma_start3A_18 : memref<1x125x80xi32, #tpu.memory_space<hbm>> -> memref<125x80xi32, #tpu.memory_space<hbm>>
      tpu.enqueue_dma source(%dma_start3A_19 : memref<125x80xi32, #tpu.memory_space<hbm>>) target(%arg7 : memref<125x80xi32, #tpu.memory_space<vmem>>) target_semaphore(%run_scoped3A : memref<!tpu.dma_semaphore, #tpu.memory_space<semaphore_mem>>)
      %dma_wait3A = arith.constant 0 : i32
      %dma_wait3A_20 = arith.constant 0 : i32
      %dma_wait3A_21 = tpu.memref_slice %arg3[%add3A, %dma_wait3A, %dma_wait3A_20] : memref<32x125x80xi32, #tpu.memory_space<hbm>> -> memref<1x125x80xi32, #tpu.memory_space<hbm>>
      %dma_wait3A_22 = tpu.memref_squeeze %dma_wait3A_21 : memref<1x125x80xi32, #tpu.memory_space<hbm>> -> memref<125x80xi32, #tpu.memory_space<hbm>>
      %dma_wait3A_23 = arith.constant 0 : i32
      %dma_wait3A_24 = arith.constant 0 : i32
      %dma_wait3A_25 = tpu.memref_slice %arg3[%add3A, %dma_wait3A_23, %dma_wait3A_24] : memref<32x125x80xi32, #tpu.memory_space<hbm>> -> memref<1x125x80xi32, #tpu.memory_space<hbm>>
      %dma_wait3A_26 = tpu.memref_squeeze %dma_wait3A_25 : memref<1x125x80xi32, #tpu.memory_space<hbm>> -> memref<125x80xi32, #tpu.memory_space<hbm>>
      tpu.wait_dma2 semaphore(%run_scoped3A : memref<!tpu.dma_semaphore, #tpu.memory_space<semaphore_mem>>) src(%dma_wait3A_26 : memref<125x80xi32, #tpu.memory_space<hbm>>) dst(%arg7 : memref<125x80xi32, #tpu.memory_space<vmem>>)
      tpu.yield
    }) : () -> ()
    %barrier3A = arith.constant 0 : index
    tpu.barrier barrier_id(%barrier3A)
    %scan3A = arith.constant 0 : i32
    %scan3A_3 = arith.constant 41 : i32
    %scan3A_4 = arith.addi %scan3A, %scan3A_3 : i32
    %scan3A_5 = arith.constant 1 : i32
    scf.for %scan3A_13 = %scan3A to %scan3A_4 step %scan3A_5  : i32 {
      %mul3A_14 = arith.constant 3 : i32
      %mul3A_15 = arith.muli %scan3A_13, %mul3A_14 : i32
      %add3A_16 = arith.constant 0 : i32
      %add3A_17 = arith.addi %add3A_16, %mul3A_15 : i32
      %add3A_18 = arith.constant 0 : i32
      %add3A_19 = arith.addi %add3A_17, %add3A_18 : i32
      %dma_start3A = arith.constant 0 : i32
      %dma_start3A_20 = tpu.memref_slice %arg4[%add3A, %add3A_19, %dma_start3A] : memref<32x125x80xi32, #tpu.memory_space<hbm>> -> memref<1x1x80xi32, #tpu.memory_space<hbm>>
      %dma_start3A_21 = tpu.memref_squeeze %dma_start3A_20 : memref<1x1x80xi32, #tpu.memory_space<hbm>> -> memref<80xi32, #tpu.memory_space<hbm>>
      %dma_start3A_22 = arith.constant 0 : i32
      %dma_start3A_23 = tpu.memref_slice %arg4[%add3A, %add3A_19, %dma_start3A_22] : memref<32x125x80xi32, #tpu.memory_space<hbm>> -> memref<1x1x80xi32, #tpu.memory_space<hbm>>
      %dma_start3A_24 = tpu.memref_squeeze %dma_start3A_23 : memref<1x1x80xi32, #tpu.memory_space<hbm>> -> memref<80xi32, #tpu.memory_space<hbm>>
      tpu.enqueue_dma source(%dma_start3A_24 : memref<80xi32, #tpu.memory_space<hbm>>) target(%arg8 : memref<80xi32, #tpu.memory_space<vmem>>) target_semaphore(%arg15 : memref<!tpu.dma_semaphore, #tpu.memory_space<semaphore_mem>>)
      %add3A_25 = arith.constant 1 : i32
      %add3A_26 = arith.addi %add3A_17, %add3A_25 : i32
      %dma_start3A_27 = arith.constant 0 : i32
      %dma_start3A_28 = tpu.memref_slice %arg4[%add3A, %add3A_26, %dma_start3A_27] : memref<32x125x80xi32, #tpu.memory_space<hbm>> -> memref<1x1x80xi32, #tpu.memory_space<hbm>>
      %dma_start3A_29 = tpu.memref_squeeze %dma_start3A_28 : memref<1x1x80xi32, #tpu.memory_space<hbm>> -> memref<80xi32, #tpu.memory_space<hbm>>
      %dma_start3A_30 = arith.constant 0 : i32
      %dma_start3A_31 = tpu.memref_slice %arg4[%add3A, %add3A_26, %dma_start3A_30] : memref<32x125x80xi32, #tpu.memory_space<hbm>> -> memref<1x1x80xi32, #tpu.memory_space<hbm>>
      %dma_start3A_32 = tpu.memref_squeeze %dma_start3A_31 : memref<1x1x80xi32, #tpu.memory_space<hbm>> -> memref<80xi32, #tpu.memory_space<hbm>>
      tpu.enqueue_dma source(%dma_start3A_32 : memref<80xi32, #tpu.memory_space<hbm>>) target(%arg9 : memref<80xi32, #tpu.memory_space<vmem>>) target_semaphore(%arg16 : memref<!tpu.dma_semaphore, #tpu.memory_space<semaphore_mem>>)
      %add3A_33 = arith.constant 2 : i32
      %add3A_34 = arith.addi %add3A_17, %add3A_33 : i32
      %dma_start3A_35 = arith.constant 0 : i32
      %dma_start3A_36 = tpu.memref_slice %arg4[%add3A, %add3A_34, %dma_start3A_35] : memref<32x125x80xi32, #tpu.memory_space<hbm>> -> memref<1x1x80xi32, #tpu.memory_space<hbm>>
      %dma_start3A_37 = tpu.memref_squeeze %dma_start3A_36 : memref<1x1x80xi32, #tpu.memory_space<hbm>> -> memref<80xi32, #tpu.memory_space<hbm>>
      %dma_start3A_38 = arith.constant 0 : i32
      %dma_start3A_39 = tpu.memref_slice %arg4[%add3A, %add3A_34, %dma_start3A_38] : memref<32x125x80xi32, #tpu.memory_space<hbm>> -> memref<1x1x80xi32, #tpu.memory_space<hbm>>
      %dma_start3A_40 = tpu.memref_squeeze %dma_start3A_39 : memref<1x1x80xi32, #tpu.memory_space<hbm>> -> memref<80xi32, #tpu.memory_space<hbm>>
      tpu.enqueue_dma source(%dma_start3A_40 : memref<80xi32, #tpu.memory_space<hbm>>) target(%arg10 : memref<80xi32, #tpu.memory_space<vmem>>) target_semaphore(%arg17 : memref<!tpu.dma_semaphore, #tpu.memory_space<semaphore_mem>>)
      %add3A_41 = arith.constant 0 : i32
      %add3A_42 = arith.addi %add3A_17, %add3A_41 : i32
      %dma_start3A_43 = arith.constant 0 : i32
      %dma_start3A_44 = tpu.memref_slice %arg7[%add3A_42, %dma_start3A_43] : memref<125x80xi32, #tpu.memory_space<vmem>> -> memref<1x80xi32, #tpu.memory_space<vmem>>
      %dma_start3A_45 = tpu.memref_squeeze %dma_start3A_44 : memref<1x80xi32, #tpu.memory_space<vmem>> -> memref<80xi32, #tpu.memory_space<vmem>>
      %dma_start3A_46 = arith.constant 0 : i32
      %dma_start3A_47 = arith.constant 0 : i32
      %dma_start3A_48 = tpu.memref_slice %arg2[%dma_start3A_46, %dma_start3A_47] : memref<10000x128xf32, #tpu.memory_space<hbm>> -> memref<10000x128xf32, #tpu.memory_space<hbm>>
      tpu.enqueue_indirect_dma source(%dma_start3A_48 : memref<10000x128xf32, #tpu.memory_space<hbm>>) target(%arg11 : memref<80x128xf32, #tpu.memory_space<vmem>>) offsets(%dma_start3A_45 : memref<80xi32, #tpu.memory_space<vmem>>) semaphore(%arg18 : memref<!tpu.dma_semaphore, #tpu.memory_space<semaphore_mem>>)
      %add3A_49 = arith.constant 1 : i32
      %add3A_50 = arith.addi %add3A_17, %add3A_49 : i32
      %dma_start3A_51 = arith.constant 0 : i32
      %dma_start3A_52 = tpu.memref_slice %arg7[%add3A_50, %dma_start3A_51] : memref<125x80xi32, #tpu.memory_space<vmem>> -> memref<1x80xi32, #tpu.memory_space<vmem>>
      %dma_start3A_53 = tpu.memref_squeeze %dma_start3A_52 : memref<1x80xi32, #tpu.memory_space<vmem>> -> memref<80xi32, #tpu.memory_space<vmem>>
      %dma_start3A_54 = arith.constant 0 : i32
      %dma_start3A_55 = arith.constant 0 : i32
      %dma_start3A_56 = tpu.memref_slice %arg2[%dma_start3A_54, %dma_start3A_55] : memref<10000x128xf32, #tpu.memory_space<hbm>> -> memref<10000x128xf32, #tpu.memory_space<hbm>>
      tpu.enqueue_indirect_dma source(%dma_start3A_56 : memref<10000x128xf32, #tpu.memory_space<hbm>>) target(%arg12 : memref<80x128xf32, #tpu.memory_space<vmem>>) offsets(%dma_start3A_53 : memref<80xi32, #tpu.memory_space<vmem>>) semaphore(%arg19 : memref<!tpu.dma_semaphore, #tpu.memory_space<semaphore_mem>>)
      %add3A_57 = arith.constant 2 : i32
      %add3A_58 = arith.addi %add3A_17, %add3A_57 : i32
      %dma_start3A_59 = arith.constant 0 : i32
      %dma_start3A_60 = tpu.memref_slice %arg7[%add3A_58, %dma_start3A_59] : memref<125x80xi32, #tpu.memory_space<vmem>> -> memref<1x80xi32, #tpu.memory_space<vmem>>
      %dma_start3A_61 = tpu.memref_squeeze %dma_start3A_60 : memref<1x80xi32, #tpu.memory_space<vmem>> -> memref<80xi32, #tpu.memory_space<vmem>>
      %dma_start3A_62 = arith.constant 0 : i32
      %dma_start3A_63 = arith.constant 0 : i32
      %dma_start3A_64 = tpu.memref_slice %arg2[%dma_start3A_62, %dma_start3A_63] : memref<10000x128xf32, #tpu.memory_space<hbm>> -> memref<10000x128xf32, #tpu.memory_space<hbm>>
      tpu.enqueue_indirect_dma source(%dma_start3A_64 : memref<10000x128xf32, #tpu.memory_space<hbm>>) target(%arg13 : memref<80x128xf32, #tpu.memory_space<vmem>>) offsets(%dma_start3A_61 : memref<80xi32, #tpu.memory_space<vmem>>) semaphore(%arg20 : memref<!tpu.dma_semaphore, #tpu.memory_space<semaphore_mem>>)
      %dma_wait3A = arith.constant 0 : i32
      %dma_wait3A_65 = tpu.memref_slice %arg4[%add3A, %add3A_19, %dma_wait3A] : memref<32x125x80xi32, #tpu.memory_space<hbm>> -> memref<1x1x80xi32, #tpu.memory_space<hbm>>
      %dma_wait3A_66 = tpu.memref_squeeze %dma_wait3A_65 : memref<1x1x80xi32, #tpu.memory_space<hbm>> -> memref<80xi32, #tpu.memory_space<hbm>>
      %dma_wait3A_67 = arith.constant 0 : i32
      %dma_wait3A_68 = tpu.memref_slice %arg4[%add3A, %add3A_19, %dma_wait3A_67] : memref<32x125x80xi32, #tpu.memory_space<hbm>> -> memref<1x1x80xi32, #tpu.memory_space<hbm>>
      %dma_wait3A_69 = tpu.memref_squeeze %dma_wait3A_68 : memref<1x1x80xi32, #tpu.memory_space<hbm>> -> memref<80xi32, #tpu.memory_space<hbm>>
      tpu.wait_dma2 semaphore(%arg15 : memref<!tpu.dma_semaphore, #tpu.memory_space<semaphore_mem>>) src(%dma_wait3A_69 : memref<80xi32, #tpu.memory_space<hbm>>) dst(%arg8 : memref<80xi32, #tpu.memory_space<vmem>>)
      %dma_wait3A_70 = arith.constant 0 : i32
      %dma_wait3A_71 = tpu.memref_slice %arg7[%add3A_42, %dma_wait3A_70] : memref<125x80xi32, #tpu.memory_space<vmem>> -> memref<1x80xi32, #tpu.memory_space<vmem>>
      %dma_wait3A_72 = tpu.memref_squeeze %dma_wait3A_71 : memref<1x80xi32, #tpu.memory_space<vmem>> -> memref<80xi32, #tpu.memory_space<vmem>>
      %dma_wait3A_73 = arith.constant 0 : i32
      %dma_wait3A_74 = arith.constant 0 : i32
      %dma_wait3A_75 = tpu.memref_slice %arg2[%dma_wait3A_73, %dma_wait3A_74] : memref<10000x128xf32, #tpu.memory_space<hbm>> -> memref<10000x128xf32, #tpu.memory_space<hbm>>
      tpu.wait_indirect_dma semaphore(%arg18 : memref<!tpu.dma_semaphore, #tpu.memory_space<semaphore_mem>>) src(%dma_wait3A_75 : memref<10000x128xf32, #tpu.memory_space<hbm>>) dst(%arg11 : memref<80x128xf32, #tpu.memory_space<vmem>>)
      "tpu.region"() ({
        %run_scoped3A = tpu.sem_alloc : memref<!tpu.dma_semaphore, #tpu.memory_space<semaphore_mem>>
        %dma_start3A_100 = arith.constant 0 : i32
        %dma_start3A_101 = arith.constant 0 : i32
        %dma_start3A_102 = tpu.memref_slice %arg14[%dma_start3A_100, %dma_start3A_101] : memref<10240x128xf32, #tpu.memory_space<vmem_shared>> -> memref<10240x128xf32, #tpu.memory_space<vmem_shared>>
        tpu.enqueue_indirect_dma source(%arg11 : memref<80x128xf32, #tpu.memory_space<vmem>>) target(%dma_start3A_102 : memref<10240x128xf32, #tpu.memory_space<vmem_shared>>) offsets(%arg8 : memref<80xi32, #tpu.memory_space<vmem>>) semaphore(%run_scoped3A : memref<!tpu.dma_semaphore, #tpu.memory_space<semaphore_mem>>) {add = true}
        %dma_wait3A_103 = arith.constant 0 : i32
        %dma_wait3A_104 = arith.constant 0 : i32
        %dma_wait3A_105 = tpu.memref_slice %arg14[%dma_wait3A_103, %dma_wait3A_104] : memref<10240x128xf32, #tpu.memory_space<vmem_shared>> -> memref<10240x128xf32, #tpu.memory_space<vmem_shared>>
        tpu.wait_indirect_dma semaphore(%run_scoped3A : memref<!tpu.dma_semaphore, #tpu.memory_space<semaphore_mem>>) src(%arg11 : memref<80x128xf32, #tpu.memory_space<vmem>>) dst(%dma_wait3A_105 : memref<10240x128xf32, #tpu.memory_space<vmem_shared>>)
        tpu.yield
      }) : () -> ()
      %dma_wait3A_76 = arith.constant 0 : i32
      %dma_wait3A_77 = tpu.memref_slice %arg4[%add3A, %add3A_26, %dma_wait3A_76] : memref<32x125x80xi32, #tpu.memory_space<hbm>> -> memref<1x1x80xi32, #tpu.memory_space<hbm>>
      %dma_wait3A_78 = tpu.memref_squeeze %dma_wait3A_77 : memref<1x1x80xi32, #tpu.memory_space<hbm>> -> memref<80xi32, #tpu.memory_space<hbm>>
      %dma_wait3A_79 = arith.constant 0 : i32
      %dma_wait3A_80 = tpu.memref_slice %arg4[%add3A, %add3A_26, %dma_wait3A_79] : memref<32x125x80xi32, #tpu.memory_space<hbm>> -> memref<1x1x80xi32, #tpu.memory_space<hbm>>
      %dma_wait3A_81 = tpu.memref_squeeze %dma_wait3A_80 : memref<1x1x80xi32, #tpu.memory_space<hbm>> -> memref<80xi32, #tpu.memory_space<hbm>>
      tpu.wait_dma2 semaphore(%arg16 : memref<!tpu.dma_semaphore, #tpu.memory_space<semaphore_mem>>) src(%dma_wait3A_81 : memref<80xi32, #tpu.memory_space<hbm>>) dst(%arg9 : memref<80xi32, #tpu.memory_space<vmem>>)
      %dma_wait3A_82 = arith.constant 0 : i32
      %dma_wait3A_83 = tpu.memref_slice %arg7[%add3A_50, %dma_wait3A_82] : memref<125x80xi32, #tpu.memory_space<vmem>> -> memref<1x80xi32, #tpu.memory_space<vmem>>
      %dma_wait3A_84 = tpu.memref_squeeze %dma_wait3A_83 : memref<1x80xi32, #tpu.memory_space<vmem>> -> memref<80xi32, #tpu.memory_space<vmem>>
      %dma_wait3A_85 = arith.constant 0 : i32
      %dma_wait3A_86 = arith.constant 0 : i32
      %dma_wait3A_87 = tpu.memref_slice %arg2[%dma_wait3A_85, %dma_wait3A_86] : memref<10000x128xf32, #tpu.memory_space<hbm>> -> memref<10000x128xf32, #tpu.memory_space<hbm>>
      tpu.wait_indirect_dma semaphore(%arg19 : memref<!tpu.dma_semaphore, #tpu.memory_space<semaphore_mem>>) src(%dma_wait3A_87 : memref<10000x128xf32, #tpu.memory_space<hbm>>) dst(%arg12 : memref<80x128xf32, #tpu.memory_space<vmem>>)
      "tpu.region"() ({
        %run_scoped3A = tpu.sem_alloc : memref<!tpu.dma_semaphore, #tpu.memory_space<semaphore_mem>>
        %dma_start3A_100 = arith.constant 0 : i32
        %dma_start3A_101 = arith.constant 0 : i32
        %dma_start3A_102 = tpu.memref_slice %arg14[%dma_start3A_100, %dma_start3A_101] : memref<10240x128xf32, #tpu.memory_space<vmem_shared>> -> memref<10240x128xf32, #tpu.memory_space<vmem_shared>>
        tpu.enqueue_indirect_dma source(%arg12 : memref<80x128xf32, #tpu.memory_space<vmem>>) target(%dma_start3A_102 : memref<10240x128xf32, #tpu.memory_space<vmem_shared>>) offsets(%arg9 : memref<80xi32, #tpu.memory_space<vmem>>) semaphore(%run_scoped3A : memref<!tpu.dma_semaphore, #tpu.memory_space<semaphore_mem>>) {add = true}
        %dma_wait3A_103 = arith.constant 0 : i32
        %dma_wait3A_104 = arith.constant 0 : i32
        %dma_wait3A_105 = tpu.memref_slice %arg14[%dma_wait3A_103, %dma_wait3A_104] : memref<10240x128xf32, #tpu.memory_space<vmem_shared>> -> memref<10240x128xf32, #tpu.memory_space<vmem_shared>>
        tpu.wait_indirect_dma semaphore(%run_scoped3A : memref<!tpu.dma_semaphore, #tpu.memory_space<semaphore_mem>>) src(%arg12 : memref<80x128xf32, #tpu.memory_space<vmem>>) dst(%dma_wait3A_105 : memref<10240x128xf32, #tpu.memory_space<vmem_shared>>)
        tpu.yield
      }) : () -> ()
      %dma_wait3A_88 = arith.constant 0 : i32
      %dma_wait3A_89 = tpu.memref_slice %arg4[%add3A, %add3A_34, %dma_wait3A_88] : memref<32x125x80xi32, #tpu.memory_space<hbm>> -> memref<1x1x80xi32, #tpu.memory_space<hbm>>
      %dma_wait3A_90 = tpu.memref_squeeze %dma_wait3A_89 : memref<1x1x80xi32, #tpu.memory_space<hbm>> -> memref<80xi32, #tpu.memory_space<hbm>>
      %dma_wait3A_91 = arith.constant 0 : i32
      %dma_wait3A_92 = tpu.memref_slice %arg4[%add3A, %add3A_34, %dma_wait3A_91] : memref<32x125x80xi32, #tpu.memory_space<hbm>> -> memref<1x1x80xi32, #tpu.memory_space<hbm>>
      %dma_wait3A_93 = tpu.memref_squeeze %dma_wait3A_92 : memref<1x1x80xi32, #tpu.memory_space<hbm>> -> memref<80xi32, #tpu.memory_space<hbm>>
      tpu.wait_dma2 semaphore(%arg17 : memref<!tpu.dma_semaphore, #tpu.memory_space<semaphore_mem>>) src(%dma_wait3A_93 : memref<80xi32, #tpu.memory_space<hbm>>) dst(%arg10 : memref<80xi32, #tpu.memory_space<vmem>>)
      %dma_wait3A_94 = arith.constant 0 : i32
      %dma_wait3A_95 = tpu.memref_slice %arg7[%add3A_58, %dma_wait3A_94] : memref<125x80xi32, #tpu.memory_space<vmem>> -> memref<1x80xi32, #tpu.memory_space<vmem>>
      %dma_wait3A_96 = tpu.memref_squeeze %dma_wait3A_95 : memref<1x80xi32, #tpu.memory_space<vmem>> -> memref<80xi32, #tpu.memory_space<vmem>>
      %dma_wait3A_97 = arith.constant 0 : i32
      %dma_wait3A_98 = arith.constant 0 : i32
      %dma_wait3A_99 = tpu.memref_slice %arg2[%dma_wait3A_97, %dma_wait3A_98] : memref<10000x128xf32, #tpu.memory_space<hbm>> -> memref<10000x128xf32, #tpu.memory_space<hbm>>
      tpu.wait_indirect_dma semaphore(%arg20 : memref<!tpu.dma_semaphore, #tpu.memory_space<semaphore_mem>>) src(%dma_wait3A_99 : memref<10000x128xf32, #tpu.memory_space<hbm>>) dst(%arg13 : memref<80x128xf32, #tpu.memory_space<vmem>>)
      "tpu.region"() ({
        %run_scoped3A = tpu.sem_alloc : memref<!tpu.dma_semaphore, #tpu.memory_space<semaphore_mem>>
        %dma_start3A_100 = arith.constant 0 : i32
        %dma_start3A_101 = arith.constant 0 : i32
        %dma_start3A_102 = tpu.memref_slice %arg14[%dma_start3A_100, %dma_start3A_101] : memref<10240x128xf32, #tpu.memory_space<vmem_shared>> -> memref<10240x128xf32, #tpu.memory_space<vmem_shared>>
        tpu.enqueue_indirect_dma source(%arg13 : memref<80x128xf32, #tpu.memory_space<vmem>>) target(%dma_start3A_102 : memref<10240x128xf32, #tpu.memory_space<vmem_shared>>) offsets(%arg10 : memref<80xi32, #tpu.memory_space<vmem>>) semaphore(%run_scoped3A : memref<!tpu.dma_semaphore, #tpu.memory_space<semaphore_mem>>) {add = true}
        %dma_wait3A_103 = arith.constant 0 : i32
        %dma_wait3A_104 = arith.constant 0 : i32
        %dma_wait3A_105 = tpu.memref_slice %arg14[%dma_wait3A_103, %dma_wait3A_104] : memref<10240x128xf32, #tpu.memory_space<vmem_shared>> -> memref<10240x128xf32, #tpu.memory_space<vmem_shared>>
        tpu.wait_indirect_dma semaphore(%run_scoped3A : memref<!tpu.dma_semaphore, #tpu.memory_space<semaphore_mem>>) src(%arg13 : memref<80x128xf32, #tpu.memory_space<vmem>>) dst(%dma_wait3A_105 : memref<10240x128xf32, #tpu.memory_space<vmem_shared>>)
        tpu.yield
      }) : () -> ()
    }
    %scan3A_6 = arith.constant 41 : i32
    %scan3A_7 = arith.constant 0 : i32
    %scan3A_8 = arith.constant 2 : i32
    %scan3A_9 = arith.addi %scan3A_7, %scan3A_8 : i32
    %scan3A_10 = arith.constant 1 : i32
    scf.for %scan3A_13 = %scan3A_7 to %scan3A_9 step %scan3A_10  : i32 {
      %mul3A_14 = arith.constant 1 : i32
      %mul3A_15 = arith.muli %scan3A_13, %mul3A_14 : i32
      %add3A_16 = arith.constant 123 : i32
      %add3A_17 = arith.addi %add3A_16, %mul3A_15 : i32
      "tpu.region"() ({
        %run_scoped3A = tpu.sem_alloc : memref<!tpu.dma_semaphore, #tpu.memory_space<semaphore_mem>>
        %dma_start3A = arith.constant 0 : i32
        %dma_start3A_18 = tpu.memref_slice %arg4[%add3A, %add3A_17, %dma_start3A] : memref<32x125x80xi32, #tpu.memory_space<hbm>> -> memref<1x1x80xi32, #tpu.memory_space<hbm>>
        %dma_start3A_19 = tpu.memref_squeeze %dma_start3A_18 : memref<1x1x80xi32, #tpu.memory_space<hbm>> -> memref<80xi32, #tpu.memory_space<hbm>>
        %dma_start3A_20 = arith.constant 0 : i32
        %dma_start3A_21 = tpu.memref_slice %arg4[%add3A, %add3A_17, %dma_start3A_20] : memref<32x125x80xi32, #tpu.memory_space<hbm>> -> memref<1x1x80xi32, #tpu.memory_space<hbm>>
        %dma_start3A_22 = tpu.memref_squeeze %dma_start3A_21 : memref<1x1x80xi32, #tpu.memory_space<hbm>> -> memref<80xi32, #tpu.memory_space<hbm>>
        tpu.enqueue_dma source(%dma_start3A_22 : memref<80xi32, #tpu.memory_space<hbm>>) target(%arg8 : memref<80xi32, #tpu.memory_space<vmem>>) target_semaphore(%run_scoped3A : memref<!tpu.dma_semaphore, #tpu.memory_space<semaphore_mem>>)
        %dma_wait3A = arith.constant 0 : i32
        %dma_wait3A_23 = tpu.memref_slice %arg4[%add3A, %add3A_17, %dma_wait3A] : memref<32x125x80xi32, #tpu.memory_space<hbm>> -> memref<1x1x80xi32, #tpu.memory_space<hbm>>
        %dma_wait3A_24 = tpu.memref_squeeze %dma_wait3A_23 : memref<1x1x80xi32, #tpu.memory_space<hbm>> -> memref<80xi32, #tpu.memory_space<hbm>>
        %dma_wait3A_25 = arith.constant 0 : i32
        %dma_wait3A_26 = tpu.memref_slice %arg4[%add3A, %add3A_17, %dma_wait3A_25] : memref<32x125x80xi32, #tpu.memory_space<hbm>> -> memref<1x1x80xi32, #tpu.memory_space<hbm>>
        %dma_wait3A_27 = tpu.memref_squeeze %dma_wait3A_26 : memref<1x1x80xi32, #tpu.memory_space<hbm>> -> memref<80xi32, #tpu.memory_space<hbm>>
        tpu.wait_dma2 semaphore(%run_scoped3A : memref<!tpu.dma_semaphore, #tpu.memory_space<semaphore_mem>>) src(%dma_wait3A_27 : memref<80xi32, #tpu.memory_space<hbm>>) dst(%arg8 : memref<80xi32, #tpu.memory_space<vmem>>)
        tpu.yield
      }) : () -> ()
      "tpu.region"() ({
        %run_scoped3A = tpu.sem_alloc : memref<!tpu.dma_semaphore, #tpu.memory_space<semaphore_mem>>
        %dma_start3A = arith.constant 0 : i32
        %dma_start3A_18 = tpu.memref_slice %arg7[%add3A_17, %dma_start3A] : memref<125x80xi32, #tpu.memory_space<vmem>> -> memref<1x80xi32, #tpu.memory_space<vmem>>
        %dma_start3A_19 = tpu.memref_squeeze %dma_start3A_18 : memref<1x80xi32, #tpu.memory_space<vmem>> -> memref<80xi32, #tpu.memory_space<vmem>>
        %dma_start3A_20 = arith.constant 0 : i32
        %dma_start3A_21 = arith.constant 0 : i32
        %dma_start3A_22 = tpu.memref_slice %arg2[%dma_start3A_20, %dma_start3A_21] : memref<10000x128xf32, #tpu.memory_space<hbm>> -> memref<10000x128xf32, #tpu.memory_space<hbm>>
        tpu.enqueue_indirect_dma source(%dma_start3A_22 : memref<10000x128xf32, #tpu.memory_space<hbm>>) target(%arg11 : memref<80x128xf32, #tpu.memory_space<vmem>>) offsets(%dma_start3A_19 : memref<80xi32, #tpu.memory_space<vmem>>) semaphore(%run_scoped3A : memref<!tpu.dma_semaphore, #tpu.memory_space<semaphore_mem>>)
        %dma_wait3A = arith.constant 0 : i32
        %dma_wait3A_23 = tpu.memref_slice %arg7[%add3A_17, %dma_wait3A] : memref<125x80xi32, #tpu.memory_space<vmem>> -> memref<1x80xi32, #tpu.memory_space<vmem>>
        %dma_wait3A_24 = tpu.memref_squeeze %dma_wait3A_23 : memref<1x80xi32, #tpu.memory_space<vmem>> -> memref<80xi32, #tpu.memory_space<vmem>>
        %dma_wait3A_25 = arith.constant 0 : i32
        %dma_wait3A_26 = arith.constant 0 : i32
        %dma_wait3A_27 = tpu.memref_slice %arg2[%dma_wait3A_25, %dma_wait3A_26] : memref<10000x128xf32, #tpu.memory_space<hbm>> -> memref<10000x128xf32, #tpu.memory_space<hbm>>
        tpu.wait_indirect_dma semaphore(%run_scoped3A : memref<!tpu.dma_semaphore, #tpu.memory_space<semaphore_mem>>) src(%dma_wait3A_27 : memref<10000x128xf32, #tpu.memory_space<hbm>>) dst(%arg11 : memref<80x128xf32, #tpu.memory_space<vmem>>)
        tpu.yield
      }) : () -> ()
      "tpu.region"() ({
        %run_scoped3A = tpu.sem_alloc : memref<!tpu.dma_semaphore, #tpu.memory_space<semaphore_mem>>
        %dma_start3A = arith.constant 0 : i32
        %dma_start3A_18 = arith.constant 0 : i32
        %dma_start3A_19 = tpu.memref_slice %arg14[%dma_start3A, %dma_start3A_18] : memref<10240x128xf32, #tpu.memory_space<vmem_shared>> -> memref<10240x128xf32, #tpu.memory_space<vmem_shared>>
        tpu.enqueue_indirect_dma source(%arg11 : memref<80x128xf32, #tpu.memory_space<vmem>>) target(%dma_start3A_19 : memref<10240x128xf32, #tpu.memory_space<vmem_shared>>) offsets(%arg8 : memref<80xi32, #tpu.memory_space<vmem>>) semaphore(%run_scoped3A : memref<!tpu.dma_semaphore, #tpu.memory_space<semaphore_mem>>) {add = true}
        %dma_wait3A = arith.constant 0 : i32
        %dma_wait3A_20 = arith.constant 0 : i32
        %dma_wait3A_21 = tpu.memref_slice %arg14[%dma_wait3A, %dma_wait3A_20] : memref<10240x128xf32, #tpu.memory_space<vmem_shared>> -> memref<10240x128xf32, #tpu.memory_space<vmem_shared>>
        tpu.wait_indirect_dma semaphore(%run_scoped3A : memref<!tpu.dma_semaphore, #tpu.memory_space<semaphore_mem>>) src(%arg11 : memref<80x128xf32, #tpu.memory_space<vmem>>) dst(%dma_wait3A_21 : memref<10240x128xf32, #tpu.memory_space<vmem_shared>>)
        tpu.yield
      }) : () -> ()
    }
    %scan3A_11 = arith.constant 2 : i32
    %barrier3A_12 = arith.constant 0 : index
    tpu.barrier barrier_id(%barrier3A_12)
    "tpu.region"() ({
      %run_scoped3A = tpu.sem_alloc : memref<!tpu.dma_semaphore, #tpu.memory_space<semaphore_mem>>
      %dma_start3A = arith.constant 0 : i32
      %dma_start3A_13 = tpu.memref_slice %arg6[%arg0, %mul3A_2, %dma_start3A] : memref<2x10240x128xf32, #tpu.memory_space<hbm>> -> memref<1x640x128xf32, #tpu.memory_space<hbm>>
      %dma_start3A_14 = tpu.memref_squeeze %dma_start3A_13 : memref<1x640x128xf32, #tpu.memory_space<hbm>> -> memref<640x128xf32, #tpu.memory_space<hbm>>
      %dma_start3A_15 = arith.constant 0 : i32
      %dma_start3A_16 = tpu.memref_slice %arg14[%mul3A_2, %dma_start3A_15] : memref<10240x128xf32, #tpu.memory_space<vmem_shared>> -> memref<640x128xf32, #tpu.memory_space<vmem_shared>>
      tpu.enqueue_dma source(%dma_start3A_16 : memref<640x128xf32, #tpu.memory_space<vmem_shared>>) target(%dma_start3A_14 : memref<640x128xf32, #tpu.memory_space<hbm>>) target_semaphore(%run_scoped3A : memref<!tpu.dma_semaphore, #tpu.memory_space<semaphore_mem>>)
      %dma_wait3A = arith.constant 0 : i32
      %dma_wait3A_17 = tpu.memref_slice %arg6[%arg0, %mul3A_2, %dma_wait3A] : memref<2x10240x128xf32, #tpu.memory_space<hbm>> -> memref<1x640x128xf32, #tpu.memory_space<hbm>>
      %dma_wait3A_18 = tpu.memref_squeeze %dma_wait3A_17 : memref<1x640x128xf32, #tpu.memory_space<hbm>> -> memref<640x128xf32, #tpu.memory_space<hbm>>
      %dma_wait3A_19 = arith.constant 0 : i32
      %dma_wait3A_20 = tpu.memref_slice %arg14[%mul3A_2, %dma_wait3A_19] : memref<10240x128xf32, #tpu.memory_space<vmem_shared>> -> memref<640x128xf32, #tpu.memory_space<vmem_shared>>
      tpu.wait_dma2 semaphore(%run_scoped3A : memref<!tpu.dma_semaphore, #tpu.memory_space<semaphore_mem>>) src(%dma_wait3A_20 : memref<640x128xf32, #tpu.memory_space<vmem_shared>>) dst(%dma_wait3A_18 : memref<640x128xf32, #tpu.memory_space<hbm>>)
      tpu.yield
    }) : () -> ()
    return
  }
}

module attributes {stable_mosaic.version = 14 : i64} {
  func.func @body(%arg0: i32, %arg1: memref<1024x128xf32, #tpu.memory_space<vmem>>, %arg2: memref<2x1024x128xf32, #tpu.memory_space<vmem>>, %arg3: memref<32x1024xf32, #tpu.memory_space<vmem>>, %arg4: memref<128x128xf32, #tpu.memory_space<vmem>>, %arg5: memref<128x128xf32, #tpu.memory_space<vmem>>, %arg6: memref<1x128xf32, #tpu.memory_space<vmem>>, %arg7: memref<1024x128xf32, #tpu.memory_space<vmem>>) attributes {dimension_semantics = [#tpu.dimension_semantics<arbitrary>], iteration_bounds = array<i64: 10>, scalar_prefetch = 0 : i64, scratch_operands = 0 : i64, tpu.core_type = #tpu.core_type<tc>, window_params = [{transform_indices = @transform_0, window_bounds = array<i64: 1024, 128>}, {transform_indices = @transform_1, window_bounds = array<i64: 2, 1024, 128>}, {transform_indices = @transform_2, window_bounds = array<i64: 32, 1024>}, {pipeline_mode = #tpu.pipeline_mode<synchronous>, transform_indices = @transform_3, window_bounds = array<i64: 128, 128>}, {pipeline_mode = #tpu.pipeline_mode<synchronous>, transform_indices = @transform_4, window_bounds = array<i64: 128, 128>}, {pipeline_mode = #tpu.pipeline_mode<synchronous>, transform_indices = @transform_5, window_bounds = array<i64: 1, 128>}, {transform_indices = @transform_6, window_bounds = array<i64: 1024, 128>}]} {
    %get3A = arith.constant 0 : index
    %get3A_0 = arith.constant 0 : index
    %get3A_1 = arith.constant 0 : index
    %get3A_2 = vector.load %arg2[%get3A, %get3A_0, %get3A_1] : memref<2x1024x128xf32, #tpu.memory_space<vmem>>, vector<2x1024x128xf32>
    %get3A_3 = arith.constant 0 : index
    %get3A_4 = arith.constant 0 : index
    %get3A_5 = vector.load %arg3[%get3A_3, %get3A_4] : memref<32x1024xf32, #tpu.memory_space<vmem>>, vector<32x1024xf32>
    %reduce_sum3A = arith.constant dense<0.000000e+00> : vector<1024xf32>
    %reduce_sum3A_6 = vector.multi_reduction <add>, %get3A_5, %reduce_sum3A [0] : vector<32x1024xf32> to vector<1024xf32>
    %max3A = arith.constant 1.000000e+00 : f32
    %max3A_7 = vector.broadcast %max3A : f32 to vector<1024xf32>
    %max3A_8 = arith.maximumf %reduce_sum3A_6, %max3A_7 : vector<1024xf32>
    %broadcast_in_dim3A = vector.shape_cast %max3A_8 : vector<1024xf32> to vector<1024x1xf32>
    %slice3A = vector.extract_strided_slice %get3A_2 {offsets = [0, 0, 0], sizes = [1, 1024, 128], strides = [1, 1, 1]} : vector<2x1024x128xf32> to vector<1x1024x128xf32>
    %squeeze3A = vector.shape_cast %slice3A : vector<1x1024x128xf32> to vector<1024x128xf32>
    %slice3A_9 = vector.extract_strided_slice %get3A_2 {offsets = [1, 0, 0], sizes = [1, 1024, 128], strides = [1, 1, 1]} : vector<2x1024x128xf32> to vector<1x1024x128xf32>
    %squeeze3A_10 = vector.shape_cast %slice3A_9 : vector<1x1024x128xf32> to vector<1024x128xf32>
    %add3A = arith.addf %squeeze3A, %squeeze3A_10 : vector<1024x128xf32>
    %div3A = vector.broadcast %broadcast_in_dim3A : vector<1024x1xf32> to vector<1024x128xf32>
    %div3A_11 = arith.divf %add3A, %div3A : vector<1024x128xf32>
    %get3A_12 = arith.constant 0 : index
    %get3A_13 = arith.constant 0 : index
    %get3A_14 = vector.load %arg1[%get3A_12, %get3A_13] : memref<1024x128xf32, #tpu.memory_space<vmem>>, vector<1024x128xf32>
    %get3A_15 = arith.constant 0 : index
    %get3A_16 = arith.constant 0 : index
    %get3A_17 = vector.load %arg4[%get3A_15, %get3A_16] : memref<128x128xf32, #tpu.memory_space<vmem>>, vector<128x128xf32>
    %dot_general3A = arith.constant dense<0.000000e+00> : vector<1024x128xf32>
    %dot_general3A_18 = tpu.matmul %get3A_14, %get3A_17, %dot_general3A {dimension_numbers = #tpu.dot_dimension_numbers<[1], [0], [0], [1], [0, 0, 1, 1], [], []>, precision = #tpu.contract_precision<fp32>, transpose_lhs_hint = false} : vector<1024x128xf32>, vector<128x128xf32>, vector<1024x128xf32> -> vector<1024x128xf32>
    %get3A_19 = arith.constant 0 : index
    %get3A_20 = arith.constant 0 : index
    %get3A_21 = vector.load %arg5[%get3A_19, %get3A_20] : memref<128x128xf32, #tpu.memory_space<vmem>>, vector<128x128xf32>
    %dot_general3A_22 = arith.constant dense<0.000000e+00> : vector<1024x128xf32>
    %dot_general3A_23 = tpu.matmul %div3A_11, %get3A_21, %dot_general3A_22 {dimension_numbers = #tpu.dot_dimension_numbers<[1], [0], [0], [1], [0, 0, 1, 1], [], []>, precision = #tpu.contract_precision<fp32>, transpose_lhs_hint = false} : vector<1024x128xf32>, vector<128x128xf32>, vector<1024x128xf32> -> vector<1024x128xf32>
    %add3A_24 = arith.addf %dot_general3A_18, %dot_general3A_23 : vector<1024x128xf32>
    %get3A_25 = arith.constant 0 : index
    %get3A_26 = arith.constant 0 : index
    %get3A_27 = vector.load %arg6[%get3A_25, %get3A_26] : memref<1x128xf32, #tpu.memory_space<vmem>>, vector<1x128xf32>
    %add3A_28 = vector.broadcast %get3A_27 : vector<1x128xf32> to vector<1024x128xf32>
    %add3A_29 = arith.addf %add3A_24, %add3A_28 : vector<1024x128xf32>
    %max3A_30 = arith.constant 0.000000e+00 : f32
    %max3A_31 = vector.broadcast %max3A_30 : f32 to vector<1024x128xf32>
    %max3A_32 = arith.maximumf %add3A_29, %max3A_31 : vector<1024x128xf32>
    %get3A_33 = arith.constant 0 : index
    %get3A_34 = arith.constant 0 : index
    %get3A_35 = vector.load %arg1[%get3A_33, %get3A_34] : memref<1024x128xf32, #tpu.memory_space<vmem>>, vector<1024x128xf32>
    %add3A_36 = arith.addf %max3A_32, %get3A_35 : vector<1024x128xf32>
    %swap3A = arith.constant 0 : index
    %swap3A_37 = arith.constant 0 : index
    %swap3A_38 = vector.load %arg7[%swap3A, %swap3A_37] : memref<1024x128xf32, #tpu.memory_space<vmem>>, vector<1024x128xf32>
    tpu.vector_store %arg7[%swap3A, %swap3A_37], %add3A_36 {strides = array<i32>} : memref<1024x128xf32, #tpu.memory_space<vmem>>, vector<1024x128xf32>,
    return
  }
  func.func @transform_0(%arg0: i32) -> (i32, i32) {
    %c0_i32 = arith.constant 0 : i32
    %c0_i32_0 = arith.constant 0 : i32
    return %arg0, %c0_i32 : i32, i32
  }
  func.func @transform_1(%arg0: i32) -> (i32, i32, i32) {
    %c0_i32 = arith.constant 0 : i32
    %c0_i32_0 = arith.constant 0 : i32
    %c0_i32_1 = arith.constant 0 : i32
    return %c0_i32, %arg0, %c0_i32_0 : i32, i32, i32
  }
  func.func @transform_2(%arg0: i32) -> (i32, i32) {
    %c0_i32 = arith.constant 0 : i32
    %c0_i32_0 = arith.constant 0 : i32
    return %c0_i32, %arg0 : i32, i32
  }
  func.func @transform_3(%arg0: i32) -> (i32, i32) {
    %c0_i32 = arith.constant 0 : i32
    %c0_i32_0 = arith.constant 0 : i32
    %c0_i32_1 = arith.constant 0 : i32
    return %c0_i32, %c0_i32_0 : i32, i32
  }
  func.func @transform_4(%arg0: i32) -> (i32, i32) {
    %c0_i32 = arith.constant 0 : i32
    %c0_i32_0 = arith.constant 0 : i32
    %c0_i32_1 = arith.constant 0 : i32
    return %c0_i32, %c0_i32_0 : i32, i32
  }
  func.func @transform_5(%arg0: i32) -> (i32, i32) {
    %c0_i32 = arith.constant 0 : i32
    %c0_i32_0 = arith.constant 0 : i32
    %c0_i32_1 = arith.constant 0 : i32
    return %c0_i32, %c0_i32_0 : i32, i32
  }
  func.func @transform_6(%arg0: i32) -> (i32, i32) {
    %c0_i32 = arith.constant 0 : i32
    %c0_i32_0 = arith.constant 0 : i32
    return %arg0, %c0_i32 : i32, i32
  }
}

module attributes {stable_mosaic.version = 14 : i64} {
  func.func @body(%arg0: i32, %arg1: memref<1024x128xf32, #tpu.memory_space<vmem>>, %arg2: memref<2x1024x128xf32, #tpu.memory_space<vmem>>, %arg3: memref<32x1024xf32, #tpu.memory_space<vmem>>, %arg4: memref<128x128xf32, #tpu.memory_space<vmem>>, %arg5: memref<128x128xf32, #tpu.memory_space<vmem>>, %arg6: memref<1x128xf32, #tpu.memory_space<vmem>>, %arg7: memref<128x128xf32, #tpu.memory_space<vmem>>, %arg8: memref<128x128xf32, #tpu.memory_space<vmem>>, %arg9: memref<1x128xf32, #tpu.memory_space<vmem>>, %arg10: memref<1024x128xf32, #tpu.memory_space<vmem>>, %arg11: memref<1024x128xf32, #tpu.memory_space<vmem>>) attributes {dimension_semantics = [#tpu.dimension_semantics<arbitrary>], iteration_bounds = array<i64: 10>, scalar_prefetch = 0 : i64, scratch_operands = 0 : i64, tpu.core_type = #tpu.core_type<tc>, window_params = [{transform_indices = @transform_0, window_bounds = array<i64: 1024, 128>}, {transform_indices = @transform_1, window_bounds = array<i64: 2, 1024, 128>}, {transform_indices = @transform_2, window_bounds = array<i64: 32, 1024>}, {pipeline_mode = #tpu.pipeline_mode<synchronous>, transform_indices = @transform_3, window_bounds = array<i64: 128, 128>}, {pipeline_mode = #tpu.pipeline_mode<synchronous>, transform_indices = @transform_4, window_bounds = array<i64: 128, 128>}, {pipeline_mode = #tpu.pipeline_mode<synchronous>, transform_indices = @transform_5, window_bounds = array<i64: 1, 128>}, {pipeline_mode = #tpu.pipeline_mode<synchronous>, transform_indices = @transform_6, window_bounds = array<i64: 128, 128>}, {pipeline_mode = #tpu.pipeline_mode<synchronous>, transform_indices = @transform_7, window_bounds = array<i64: 128, 128>}, {pipeline_mode = #tpu.pipeline_mode<synchronous>, transform_indices = @transform_8, window_bounds = array<i64: 1, 128>}, {transform_indices = @transform_9, window_bounds = array<i64: 1024, 128>}, {transform_indices = @transform_10, window_bounds = array<i64: 1024, 128>}]} {
    %get3A = arith.constant 0 : index
    %get3A_0 = arith.constant 0 : index
    %get3A_1 = arith.constant 0 : index
    %get3A_2 = vector.load %arg2[%get3A, %get3A_0, %get3A_1] : memref<2x1024x128xf32, #tpu.memory_space<vmem>>, vector<2x1024x128xf32>
    %get3A_3 = arith.constant 0 : index
    %get3A_4 = arith.constant 0 : index
    %get3A_5 = vector.load %arg3[%get3A_3, %get3A_4] : memref<32x1024xf32, #tpu.memory_space<vmem>>, vector<32x1024xf32>
    %reduce_sum3A = arith.constant dense<0.000000e+00> : vector<1024xf32>
    %reduce_sum3A_6 = vector.multi_reduction <add>, %get3A_5, %reduce_sum3A [0] : vector<32x1024xf32> to vector<1024xf32>
    %max3A = arith.constant 1.000000e+00 : f32
    %max3A_7 = vector.broadcast %max3A : f32 to vector<1024xf32>
    %max3A_8 = arith.maximumf %reduce_sum3A_6, %max3A_7 : vector<1024xf32>
    %broadcast_in_dim3A = vector.shape_cast %max3A_8 : vector<1024xf32> to vector<1024x1xf32>
    %slice3A = vector.extract_strided_slice %get3A_2 {offsets = [0, 0, 0], sizes = [1, 1024, 128], strides = [1, 1, 1]} : vector<2x1024x128xf32> to vector<1x1024x128xf32>
    %squeeze3A = vector.shape_cast %slice3A : vector<1x1024x128xf32> to vector<1024x128xf32>
    %slice3A_9 = vector.extract_strided_slice %get3A_2 {offsets = [1, 0, 0], sizes = [1, 1024, 128], strides = [1, 1, 1]} : vector<2x1024x128xf32> to vector<1x1024x128xf32>
    %squeeze3A_10 = vector.shape_cast %slice3A_9 : vector<1x1024x128xf32> to vector<1024x128xf32>
    %add3A = arith.addf %squeeze3A, %squeeze3A_10 : vector<1024x128xf32>
    %div3A = vector.broadcast %broadcast_in_dim3A : vector<1024x1xf32> to vector<1024x128xf32>
    %div3A_11 = arith.divf %add3A, %div3A : vector<1024x128xf32>
    %get3A_12 = arith.constant 0 : index
    %get3A_13 = arith.constant 0 : index
    %get3A_14 = vector.load %arg1[%get3A_12, %get3A_13] : memref<1024x128xf32, #tpu.memory_space<vmem>>, vector<1024x128xf32>
    %get3A_15 = arith.constant 0 : index
    %get3A_16 = arith.constant 0 : index
    %get3A_17 = vector.load %arg4[%get3A_15, %get3A_16] : memref<128x128xf32, #tpu.memory_space<vmem>>, vector<128x128xf32>
    %dot_general3A = arith.constant dense<0.000000e+00> : vector<1024x128xf32>
    %dot_general3A_18 = tpu.matmul %get3A_14, %get3A_17, %dot_general3A {dimension_numbers = #tpu.dot_dimension_numbers<[1], [0], [0], [1], [0, 0, 1, 1], [], []>, precision = #tpu.contract_precision<fp32>, transpose_lhs_hint = false} : vector<1024x128xf32>, vector<128x128xf32>, vector<1024x128xf32> -> vector<1024x128xf32>
    %get3A_19 = arith.constant 0 : index
    %get3A_20 = arith.constant 0 : index
    %get3A_21 = vector.load %arg5[%get3A_19, %get3A_20] : memref<128x128xf32, #tpu.memory_space<vmem>>, vector<128x128xf32>
    %dot_general3A_22 = arith.constant dense<0.000000e+00> : vector<1024x128xf32>
    %dot_general3A_23 = tpu.matmul %div3A_11, %get3A_21, %dot_general3A_22 {dimension_numbers = #tpu.dot_dimension_numbers<[1], [0], [0], [1], [0, 0, 1, 1], [], []>, precision = #tpu.contract_precision<fp32>, transpose_lhs_hint = false} : vector<1024x128xf32>, vector<128x128xf32>, vector<1024x128xf32> -> vector<1024x128xf32>
    %add3A_24 = arith.addf %dot_general3A_18, %dot_general3A_23 : vector<1024x128xf32>
    %get3A_25 = arith.constant 0 : index
    %get3A_26 = arith.constant 0 : index
    %get3A_27 = vector.load %arg6[%get3A_25, %get3A_26] : memref<1x128xf32, #tpu.memory_space<vmem>>, vector<1x128xf32>
    %add3A_28 = vector.broadcast %get3A_27 : vector<1x128xf32> to vector<1024x128xf32>
    %add3A_29 = arith.addf %add3A_24, %add3A_28 : vector<1024x128xf32>
    %get3A_30 = arith.constant 0 : index
    %get3A_31 = arith.constant 0 : index
    %get3A_32 = vector.load %arg1[%get3A_30, %get3A_31] : memref<1024x128xf32, #tpu.memory_space<vmem>>, vector<1024x128xf32>
    %add3A_33 = arith.addf %add3A_29, %get3A_32 : vector<1024x128xf32>
    %get3A_34 = arith.constant 0 : index
    %get3A_35 = arith.constant 0 : index
    %get3A_36 = vector.load %arg7[%get3A_34, %get3A_35] : memref<128x128xf32, #tpu.memory_space<vmem>>, vector<128x128xf32>
    %dot_general3A_37 = arith.constant dense<0.000000e+00> : vector<1024x128xf32>
    %dot_general3A_38 = tpu.matmul %add3A_33, %get3A_36, %dot_general3A_37 {dimension_numbers = #tpu.dot_dimension_numbers<[1], [0], [0], [1], [0, 0, 1, 1], [], []>, precision = #tpu.contract_precision<fp32>, transpose_lhs_hint = false} : vector<1024x128xf32>, vector<128x128xf32>, vector<1024x128xf32> -> vector<1024x128xf32>
    %get3A_39 = arith.constant 0 : index
    %get3A_40 = arith.constant 0 : index
    %get3A_41 = vector.load %arg9[%get3A_39, %get3A_40] : memref<1x128xf32, #tpu.memory_space<vmem>>, vector<1x128xf32>
    %add3A_42 = vector.broadcast %get3A_41 : vector<1x128xf32> to vector<1024x128xf32>
    %add3A_43 = arith.addf %dot_general3A_38, %add3A_42 : vector<1024x128xf32>
    %swap3A = arith.constant 0 : index
    %swap3A_44 = arith.constant 0 : index
    %swap3A_45 = vector.load %arg10[%swap3A, %swap3A_44] : memref<1024x128xf32, #tpu.memory_space<vmem>>, vector<1024x128xf32>
    tpu.vector_store %arg10[%swap3A, %swap3A_44], %add3A_43 {strides = array<i32>} : memref<1024x128xf32, #tpu.memory_space<vmem>>, vector<1024x128xf32>,
    %get3A_46 = arith.constant 0 : index
    %get3A_47 = arith.constant 0 : index
    %get3A_48 = vector.load %arg8[%get3A_46, %get3A_47] : memref<128x128xf32, #tpu.memory_space<vmem>>, vector<128x128xf32>
    %dot_general3A_49 = arith.constant dense<0.000000e+00> : vector<1024x128xf32>
    %dot_general3A_50 = tpu.matmul %add3A_33, %get3A_48, %dot_general3A_49 {dimension_numbers = #tpu.dot_dimension_numbers<[1], [0], [0], [1], [0, 0, 1, 1], [], []>, precision = #tpu.contract_precision<fp32>, transpose_lhs_hint = false} : vector<1024x128xf32>, vector<128x128xf32>, vector<1024x128xf32> -> vector<1024x128xf32>
    %swap3A_51 = arith.constant 0 : index
    %swap3A_52 = arith.constant 0 : index
    %swap3A_53 = vector.load %arg11[%swap3A_51, %swap3A_52] : memref<1024x128xf32, #tpu.memory_space<vmem>>, vector<1024x128xf32>
    tpu.vector_store %arg11[%swap3A_51, %swap3A_52], %dot_general3A_50 {strides = array<i32>} : memref<1024x128xf32, #tpu.memory_space<vmem>>, vector<1024x128xf32>,
    return
  }
  func.func @transform_0(%arg0: i32) -> (i32, i32) {
    %c0_i32 = arith.constant 0 : i32
    %c0_i32_0 = arith.constant 0 : i32
    return %arg0, %c0_i32 : i32, i32
  }
  func.func @transform_1(%arg0: i32) -> (i32, i32, i32) {
    %c0_i32 = arith.constant 0 : i32
    %c0_i32_0 = arith.constant 0 : i32
    %c0_i32_1 = arith.constant 0 : i32
    return %c0_i32, %arg0, %c0_i32_0 : i32, i32, i32
  }
  func.func @transform_2(%arg0: i32) -> (i32, i32) {
    %c0_i32 = arith.constant 0 : i32
    %c0_i32_0 = arith.constant 0 : i32
    return %c0_i32, %arg0 : i32, i32
  }
  func.func @transform_3(%arg0: i32) -> (i32, i32) {
    %c0_i32 = arith.constant 0 : i32
    %c0_i32_0 = arith.constant 0 : i32
    %c0_i32_1 = arith.constant 0 : i32
    return %c0_i32, %c0_i32_0 : i32, i32
  }
  func.func @transform_4(%arg0: i32) -> (i32, i32) {
    %c0_i32 = arith.constant 0 : i32
    %c0_i32_0 = arith.constant 0 : i32
    %c0_i32_1 = arith.constant 0 : i32
    return %c0_i32, %c0_i32_0 : i32, i32
  }
  func.func @transform_5(%arg0: i32) -> (i32, i32) {
    %c0_i32 = arith.constant 0 : i32
    %c0_i32_0 = arith.constant 0 : i32
    %c0_i32_1 = arith.constant 0 : i32
    return %c0_i32, %c0_i32_0 : i32, i32
  }
  func.func @transform_6(%arg0: i32) -> (i32, i32) {
    %c0_i32 = arith.constant 0 : i32
    %c0_i32_0 = arith.constant 0 : i32
    %c0_i32_1 = arith.constant 0 : i32
    return %c0_i32, %c0_i32_0 : i32, i32
  }
  func.func @transform_7(%arg0: i32) -> (i32, i32) {
    %c0_i32 = arith.constant 0 : i32
    %c0_i32_0 = arith.constant 0 : i32
    %c0_i32_1 = arith.constant 0 : i32
    return %c0_i32, %c0_i32_0 : i32, i32
  }
  func.func @transform_8(%arg0: i32) -> (i32, i32) {
    %c0_i32 = arith.constant 0 : i32
    %c0_i32_0 = arith.constant 0 : i32
    %c0_i32_1 = arith.constant 0 : i32
    return %c0_i32, %c0_i32_0 : i32, i32
  }
  func.func @transform_9(%arg0: i32) -> (i32, i32) {
    %c0_i32 = arith.constant 0 : i32
    %c0_i32_0 = arith.constant 0 : i32
    return %arg0, %c0_i32 : i32, i32
  }
  func.func @transform_10(%arg0: i32) -> (i32, i32) {
    %c0_i32 = arith.constant 0 : i32
    %c0_i32_0 = arith.constant 0 : i32
    return %arg0, %c0_i32 : i32, i32
  }
}

module attributes {stable_mosaic.version = 14 : i64} {
  func.func @body(%arg0: i32, %arg1: memref<512x128xf32, #tpu.memory_space<vmem>>, %arg2: memref<512x128xf32, #tpu.memory_space<vmem>>, %arg3: memref<1x128xf32, #tpu.memory_space<vmem>>, %arg4: memref<1x1xf32, #tpu.memory_space<vmem>>, %arg5: memref<512x1xf32, #tpu.memory_space<vmem>>) attributes {dimension_semantics = [#tpu.dimension_semantics<arbitrary>], iteration_bounds = array<i64: 196>, scalar_prefetch = 0 : i64, scratch_operands = 0 : i64, tpu.core_type = #tpu.core_type<tc>, window_params = [{transform_indices = @transform_0, window_bounds = array<i64: 512, 128>}, {transform_indices = @transform_1, window_bounds = array<i64: 512, 128>}, {pipeline_mode = #tpu.pipeline_mode<synchronous>, transform_indices = @transform_2, window_bounds = array<i64: 1, 128>}, {pipeline_mode = #tpu.pipeline_mode<synchronous>, transform_indices = @transform_3, window_bounds = array<i64: 1, 1>}, {transform_indices = @transform_4, window_bounds = array<i64: 512, 1>}]} {
    %get3A = arith.constant 0 : index
    %get3A_0 = arith.constant 0 : index
    %get3A_1 = vector.load %arg1[%get3A, %get3A_0] : memref<512x128xf32, #tpu.memory_space<vmem>>, vector<512x128xf32>
    %get3A_2 = arith.constant 0 : index
    %get3A_3 = arith.constant 0 : index
    %get3A_4 = vector.load %arg2[%get3A_2, %get3A_3] : memref<512x128xf32, #tpu.memory_space<vmem>>, vector<512x128xf32>
    %add3A = arith.addf %get3A_1, %get3A_4 : vector<512x128xf32>
    %max3A = arith.constant 0.000000e+00 : f32
    %max3A_5 = vector.broadcast %max3A : f32 to vector<512x128xf32>
    %max3A_6 = arith.maximumf %add3A, %max3A_5 : vector<512x128xf32>
    %get3A_7 = arith.constant 0 : index
    %get3A_8 = arith.constant 0 : index
    %get3A_9 = vector.load %arg3[%get3A_7, %get3A_8] : memref<1x128xf32, #tpu.memory_space<vmem>>, vector<1x128xf32>
    %mul3A = vector.broadcast %get3A_9 : vector<1x128xf32> to vector<512x128xf32>
    %mul3A_10 = arith.mulf %max3A_6, %mul3A : vector<512x128xf32>
    %reduce_sum3A = arith.constant dense<0.000000e+00> : vector<512xf32>
    %reduce_sum3A_11 = vector.multi_reduction <add>, %mul3A_10, %reduce_sum3A [1] : vector<512x128xf32> to vector<512xf32>
    %broadcast_in_dim3A = vector.shape_cast %reduce_sum3A_11 : vector<512xf32> to vector<512x1xf32>
    %get3A_12 = arith.constant 0 : index
    %get3A_13 = arith.constant 0 : index
    %get3A_14 = vector.load %arg4[%get3A_12, %get3A_13] : memref<1x1xf32, #tpu.memory_space<vmem>>, vector<1x1xf32>
    %add3A_15 = vector.broadcast %get3A_14 : vector<1x1xf32> to vector<512x1xf32>
    %add3A_16 = arith.addf %broadcast_in_dim3A, %add3A_15 : vector<512x1xf32>
    %swap3A = arith.constant 0 : index
    %swap3A_17 = arith.constant 0 : index
    %swap3A_18 = vector.load %arg5[%swap3A, %swap3A_17] : memref<512x1xf32, #tpu.memory_space<vmem>>, vector<512x1xf32>
    tpu.vector_store %arg5[%swap3A, %swap3A_17], %add3A_16 {strides = array<i32>} : memref<512x1xf32, #tpu.memory_space<vmem>>, vector<512x1xf32>,
    return
  }
  func.func @transform_0(%arg0: i32) -> (i32, i32) {
    %c0_i32 = arith.constant 0 : i32
    %c0_i32_0 = arith.constant 0 : i32
    return %arg0, %c0_i32 : i32, i32
  }
  func.func @transform_1(%arg0: i32) -> (i32, i32) {
    %add3A = arith.constant 196 : i32
    %add3A_0 = arith.addi %arg0, %add3A : i32
    %c0_i32 = arith.constant 0 : i32
    %c0_i32_1 = arith.constant 0 : i32
    return %add3A_0, %c0_i32 : i32, i32
  }
  func.func @transform_2(%arg0: i32) -> (i32, i32) {
    %c0_i32 = arith.constant 0 : i32
    %c0_i32_0 = arith.constant 0 : i32
    %c0_i32_1 = arith.constant 0 : i32
    return %c0_i32, %c0_i32_0 : i32, i32
  }
  func.func @transform_3(%arg0: i32) -> (i32, i32) {
    %c0_i32 = arith.constant 0 : i32
    %c0_i32_0 = arith.constant 0 : i32
    %c0_i32_1 = arith.constant 0 : i32
    return %c0_i32, %c0_i32_0 : i32, i32
  }
  func.func @transform_4(%arg0: i32) -> (i32, i32) {
    %c0_i32 = arith.constant 0 : i32
    %c0_i32_0 = arith.constant 0 : i32
    return %arg0, %c0_i32 : i32, i32
  }
}

</mosaic_0001>

<sc_bundles>
// kernel: kernel.12.cloned.1.call-start
scs
__scs_entry_jumppad:
0x0: {  	(pc) =	sbr.rel $0x88, $3  }
0x1: {  	(tag) =	ssettag $0x0;
	lr =	simm.s32 $0x1  }
0x2: {  	[smem:$0x3F94] =	sst lr;
	_ =	strace $0xD0000000  }
0x3: {  	_ = 	snop  }
0x4: {  	_ = 	snop  }
0x5: {  	_ = 	snop  }
0x6: {  	_ = 	snop  }
0x7: {  	_ = 	snop  }
__scs_overlays_trampoline_lowered:
0x8: {  	[smem:$0x3FA3] =	sst s0  }
0x9: {  	[smem:$0x3FA4] =	sst s1  }
0xa: {  	[smem:$0x3FA5] =	sst s2  }
0xb: {  	[smem:$0x3FA6] =	sst s3  }
0xc: {  	[smem:$0x3FA7] =	sst s4  }
0xd: {  	[smem:$0x3FA8] =	sst s5  }
0xe: {  	[smem:$0x3FA9] =	sst s6  }
0xf: {  	[smem:$0x3FAA] =	sst s7  }
0x10: {  	[smem:$0x3FAB] =	sst s8  }
0x11: {  	[smem:$0x3FAC] =	sst s9;
	s0 =	simm.s32 @!p0 $0x0  }
0x12: {  	s1 =	sld [smem:$0x3F92];
	s0 =	simm.s32 @p0 $0x1  }
0x13: {  	[smem:$0x3FAD] =	sst s0;
	s0 =	simm.s32 @!p1 $0x0  }
0x14: {  	s2 =	sld [smem:$0x3F91];
	s0 =	simm.s32 @p1 $0x1  }
0x15: {  	[smem:$0x3FAE] =	sst s0;
	s0 =	simm.s32 @!p2 $0x0  }
0x16: {  	s3 =	sld [smem:$0x3FDB];
	s0 =	simm.s32 @p2 $0x1  }
0x17: {  	s4 =	simm.s32 $0x1BF5;
	[smem:$0x3FB0] =	sst s0  }
0x18: {  	s0 =	sld [smem:$0x3F93];
	_ =	swait.ge [sflag:s4], $0x0  }
0x19: {  	s7 =	sld [smem:$0x3F94]  }
0x1a: {  	s8 =	sadd.s32 $0xFFFFE003, lr  }
0x1b: {  	s9 =	sadd.s32 $0xFFFFFEF7, lr;
	s5 =	simm.s32 $0xFFFFFFFF;
	p2 =	slt.u32 s8, $0xFFFFF086  }
0x1c: {  	p1 =	slt.u32 s9, $0xF7A;
	s5 =	simm.s32 @!p2 $0x0  }
0x1d: {  	s5 =	simm.s32 @p1 $0x1;
	p0 =	seq.s32 s7, s2  }
0x1e: {  	s7 =	smul.u32 @!p0 $0xF7A, s2;
	p2 =	seq.s32 @!p0 s5, $0x0  }
0x1f: {  	s9 =	smul.u32 $0xF7A, s1;
	s8 =	simm.s32 @!p0 $0x1BF5;
	p2 =	por !p2, p0  }
0x20: {  	[sflag:s8] =	ssyncset.s32 @!p0 $0xFFFFF086;
	s6 =	sadd.s32 @!p0 s3, s7;
	s7 =	simm.s32 @!p0 $0x108  }
0x21: {  	s3 =	sadd.s32 s3, s9;
	s6 =	sadd.s32 @!p0 $0x88, s6;
	s7 =	simm.s32 @p2 $0x1082  }
0x22: {  	[simem:s7], [sflag:s8] =	dma.local @!p0 [hbm:s6], $0xF7A  }
0x23: {  	s9 =	sor.u32 $0xD0000000, s2;
	s6 =	simm.s32 $0x108;
	_ =	swait.ge @!p0 [sflag:s8], $0x0  }
0x24: {  	s3 =	sadd.s32 $0x88, s3;
	s6 =	simm.s32 @!p1 $0x1082;
	[sflag:s4] =	ssyncset.s32 $0xFFFFF086  }
0x25: {  	[simem:s6], [sflag:s4] =	dma.local [hbm:s3], $0xF7A  }
0x26: {  	[smem:$0x3F94] =	sst s1;
	(tag) =	ssettag s2;
	_ =	strace s9  }
0x27: {  	s1 =	sld [smem:$0x3FA4]  }
0x28: {  	s2 =	sld [smem:$0x3FA5]  }
0x29: {  	s4 =	sld [smem:$0x3FA7]  }
0x2a: {  	p0 =	seq.s32 s5, $0x0;
	s5 =	sld [smem:$0x3FA8]  }
0x2b: {  	s6 =	sld [smem:$0x3FA9]  }
0x2c: {  	s7 =	sld [smem:$0x3FAA]  }
0x2d: {  	s3 =	simm.s32 $0x108;
	s8 =	sld [smem:$0x3FAB]  }
0x2e: {  	s3 =	simm.s32 @!p0 $0x1082;
	s9 =	sld [smem:$0x3FAC]  }
0x2f: {  	lr =	sadd.s32 s0, s3;
	s0 =	sld [smem:$0x3FA3]  }
0x30: {  	s3 =	sld [smem:$0x3FA6]  }
0x31: {  	[smem:$0x3FAF] =	sst s10  }
0x32: {  	s10 =	sld [smem:$0x3FAD];
	_ =	sdelay $0x3  }
0x33: {  	p0 =	seq.s32 s10, $0x1;
	s10 =	sld [smem:$0x3FAF];
	_ =	sdelay $0x3  }
0x34: {  	[smem:$0x3FAF] =	sst s10  }
0x35: {  	s10 =	sld [smem:$0x3FAE];
	_ =	sdelay $0x3  }
0x36: {  	p1 =	seq.s32 s10, $0x1;
	s10 =	sld [smem:$0x3FAF];
	_ =	sdelay $0x3  }
0x37: {  	[smem:$0x3FAF] =	sst s10  }
0x38: {  	s10 =	sld [smem:$0x3FB0]  }
0x39: {  	_ = 	snop;
	(pc) =	sbr.ind lr, $3  }
0x3a: {  	_ = 	snop  }
0x3b: {  	_ = 	snop  }
0x3c: {  	p2 =	seq.s32 s10, $0x1;
	s10 =	sld [smem:$0x3FAF]  }
0x3d: {  	_ =	shalt  }
0x3e: {  	_ =	shalt  }
0x3f: {  	_ =	shalt  }
0x40: {  	_ =	shalt  }
0x41: {  	_ =	shalt  }
0x42: {  	_ =	shalt  }
0x43: {  	_ =	shalt  }
0x44: {  	_ =	shalt  }
0x45: {  	_ =	shalt  }
0x46: {  	_ =	shalt  }
0x47: {  	_ =	shalt  }
0x48: {  	_ =	shalt  }
0x49: {  	_ =	shalt  }
0x4a: {  	_ =	shalt  }
0x4b: {  	_ =	shalt  }
0x4c: {  	_ =	shalt  }
0x4d: {  	_ =	shalt  }
0x4e: {  	_ =	shalt  }
0x4f: {  	_ =	shalt  }
0x50: {  	_ =	shalt  }
0x51: {  	_ =	shalt  }
0x52: {  	_ =	shalt  }
0x53: {  	_ =	shalt  }
0x54: {  	_ =	shalt  }
0x55: {  	_ =	shalt  }
0x56: {  	_ =	shalt  }
0x57: {  	_ =	shalt  }
0x58: {  	_ =	shalt  }
0x59: {  	_ =	shalt  }
0x5a: {  	_ =	shalt  }
0x5b: {  	_ =	shalt  }
0x5c: {  	_ =	shalt  }
0x5d: {  	_ =	shalt  }
0x5e: {  	_ =	shalt  }
0x5f: {  	_ =	shalt  }
0x60: {  	_ =	shalt  }
0x61: {  	_ =	shalt  }
0x62: {  	_ =	shalt  }
0x63: {  	_ =	shalt  }
0x64: {  	_ =	shalt  }
0x65: {  	_ =	shalt  }
0x66: {  	_ =	shalt  }
0x67: {  	_ =	shalt  }
0x68: {  	_ =	shalt  }
0x69: {  	_ =	shalt  }
0x6a: {  	_ =	shalt  }
0x6b: {  	_ =	shalt  }
0x6c: {  	_ =	shalt  }
0x6d: {  	_ =	shalt  }
0x6e: {  	_ =	shalt  }
0x6f: {  	_ =	shalt  }
0x70: {  	_ =	shalt  }
0x71: {  	_ =	shalt  }
0x72: {  	_ =	shalt  }
0x73: {  	_ =	shalt  }
0x74: {  	_ =	shalt  }
0x75: {  	_ =	shalt  }
0x76: {  	_ =	shalt  }
0x77: {  	_ =	shalt  }
0x78: {  	_ =	shalt  }
0x79: {  	_ =	shalt  }
0x7a: {  	_ =	shalt  }
0x7b: {  	_ =	shalt  }
0x7c: {  	_ =	shalt  }
0x7d: {  	_ =	shalt  }
0x7e: {  	_ =	shalt  }
0x7f: {  	_ =	shalt  }
0x80: {  	_ =	shalt  }
0x81: {  	_ =	shalt  }
0x82: {  	_ =	shalt  }
0x83: {  	_ =	shalt  }
0x84: {  	_ =	shalt  }
0x85: {  	_ =	shalt  }
0x86: {  	_ =	shalt  }
0x87: {  	_ =	shalt  }
.Lfunc_end0:
.L_simem_size_0:
called_computation.1_lowered:
.L_overlay_start_0:
0x88: {  	s2 =	sld [smem:$0x3FD9]  }
0x89: {  	s3 =	sld [smem:$0x3FFE];
	_ =	sdelay $0x1  }
0x8a: {  	s1 =	srdreg.scid  }
0x8b: {  	s0 =	sand.u32 $0x1, s1  }
0x8c: {  	s17 =	sshll.u32 s0, $0xA;
	s2 =	sadd.s32 s3, s2  }
0x8d: {  	s2 =	sadd.s32 s2, s17  }
0x8e: {  	[smem:$0x3FBB] =	sst s2  }
0x8f: {  	_ = 	snop  }
0x90: {  	s4 =	sld [smem:$0x3FC9]  }
0x91: {  	s18 =	sld [smem:$0x3FD0];
	(tm) =	ssettm $0x1  }
0x92: {  	s19 =	sld [smem:$0x3FFB];
	_ =	sdelay $0x3  }
0x93: {  	_ =	strace s19  }
0x94: {  	s2 =	sld [smem:$0x3FFC];
	_ =	sdelay $0x3  }
0x95: {  	_ =	strace s2  }
0x96: {  	s2 =	sld [smem:$0x3FFD];
	_ =	sdelay $0x3  }
0x97: {  	_ =	strace s2  }
0x98: {  	_ =	strace $0x8FFFFFFF  }
0x99: {  	s20 =	sld [smem:$0x3FDB];
	_ =	sdelay $0x1  }
0x9a: {  	s5 =	simm.s32 $_scs_section_size  }
0x9b: {  	s6 =	simm.s32 $_size__tile_overlayer_lowered;
	s7 =	simm.s32 $_tile_overlayer_lowered  }
0x9c: {  	s8 =	simm.s32 $0x1BFF;
	s21 =	sshll.u32 s7, $0x1;
	s5 =	sadd.s32 s5, s20  }
0x9d: {  	s22 =	simm.s32 $0x0;
	s6 =	sshll.u32 s6, $0x1;
	s7 =	sadd.s32 s21, s5  }
0x9e: {  	[timem:s22], [sflag:s8] =	dma.local [hbm:s7], s6  }
0x9f: {  	_ =	swait.ge [sflag:s8], s6  }
0xa0: {  	s6 =	ssub.s32 $0x0, s6;
	[sflag:s8] =	ssyncset.done $0x0  }
0xa1: {  	[sflag:s8] =	ssyncadd.s32 s6;
	_ =	sdelay $0x1  }
0xa2: {  	s23 =	simm.s32 $0x1B8B  }
0xa3: {  	_ =	swait.ge [sflag:s23], $0x1  }
0xa4: {  	[sflag:s23] =	ssyncset.done $0x0  }
0xa5: {  	[sflag:s23] =	ssyncadd.s32 $0xFFFFFFFF  }
0xa6: {  	s6 =	sld [smem:$0x0]  }
0xa7: {  	s7 =	sand.u32 $0xFFFFFFFE, s1  }
0xa8: {  	p0 =	sne.s32 s1, s7  }
0xa9: {  	s7 =	sshll.u32 @p0 s7, $0xE  }
0xaa: {  	s7 =	sadd.s32 @p0 $0x11B8D, s7;
	s8 =	sshll.u32 @p0 s6, $0x11  }
0xab: {  	s7 =	sor.u32 @p0 s8, s7  }
0xac: {  	[sflag:s7] =	ssyncadd.remote.s32 @p0 $0x1;
	_ =	sdelay $0x1  }
0xad: {  	s7 =	simm.s32 @p0 $0x1B8D  }
0xae: {  	_ =	swait.eq @p0 [sflag:s7], $0x1  }
0xaf: {  	[sflag:s7] =	ssyncadd.s32 @p0 $0xFFFFFFFF  }
0xb0: {  	s8 =	sshll.u32 @!p0 s1, $0xE  }
0xb1: {  	s8 =	sor.u32 @!p0 $0x4000, s8;
	s7 =	simm.s32 @!p0 $0x1B8D  }
0xb2: {  	s6 =	sshll.u32 @!p0 s6, $0x11;
	s8 =	sadd.s32 @!p0 $0x11B8D, s8;
	_ =	swait.eq @!p0 [sflag:s7], $0x1  }
0xb3: {  	s6 =	sor.u32 @!p0 s6, s8;
	[sflag:s7] =	ssyncadd.s32 @!p0 $0xFFFFFFFF  }
0xb4: {  	s25 =	simm.s32 $0x1B8E;
	s24 =	sld [smem:$0x3FFE];
	[sflag:s6] =	ssyncadd.remote.s32 @!p0 $0x1  }
0xb5: {  	s26 =	simm.s32 $execute0_lowered;
	[smem:$0x3FD2] =	sst s25  }
0xb6: {  	s7 =	sshll.u32 s26, $0x1;
	_ =	strace $0x80000049;
	[dreg:$0x1] =	wrdreg $0xFFFFFFFF  }
0xb7: {  	s28 =	simm.s32 $_size_execute0_lowered;
	s5 =	sadd.s32 s5, s7;
	[dreg:$0x0] =	wrdreg $0x0  }
0xb8: {  	s7 =	sshll.u32 s28, $0x1;
	[dreg:$0x2] =	wrdreg s5  }
0xb9: {  	[dreg:$0x3] =	wrdreg s7  }
0xba: {  	[dreg:$0x4] =	wrdreg $0xC0  }
0xbb: {  	_ =	task [dreg:s22], $0x5FFFF  }
0xbc: {  	[dreg:$0x1] =	wrdreg $0xFFFFFFFF  }
0xbd: {  	[dreg:$0x0] =	wrdreg $0x60  }
0xbe: {  	[dreg:$0x2] =	wrdreg s4  }
0xbf: {  	[dreg:$0x3] =	wrdreg s24  }
0xc0: {  	[dreg:$0x4] =	wrdreg s18  }
0xc1: {  	[dreg:$0x5] =	wrdreg $0xB9800  }
0xc2: {  	[dreg:$0x6] =	wrdreg $0xA  }
0xc3: {  	_ =	task.clear_ibuf [dreg:s22], $0x7FFFF;
	_ =	strace $0x90000049  }
0xc4: {  	s29 =	simm.s32 $0xA;
	_ =	strace $0x8000004B  }
0xc5: {  	_ =	swait.ge [sflag:s29], $0x1  }
0xc6: {  	[sflag:s29] =	ssyncadd.s32 $0xFFFFFFFF  }
0xc7: {  	_ =	strace $0x9000004B  }
0xc8: {  	_ =	sfence  }
0xc9: {  	s30 =	sld [smem:$0x0];
	_ =	sdelay $0x2  }
0xca: {  	s31 =	sshll.u32 s1, $0xD;
	s1 =	sshrl.u32 s1, $0x2  }
0xcb: {  	s4 =	sand.u32 $0x4000, s31;
	s1 =	sadd.s32 s1, s30  }
0xcc: {  	s0 =	sor.u32 s4, s0;
	s1 =	sshll.u32 s1, $0x11  }
0xcd: {  	s0 =	sor.u32 s1, s0  }
0xce: {  	s0 =	sadd.s32 $0x8F2B, s0  }
0xcf: {  	[sflag:s0] =	ssyncadd.remote.s32 $0x1  }
0xd0: {  	_ =	sfence.sel $0xFFFF  }
0xd1: {  	[dreg:$0x0] =	wrdreg $0xFFFFFFFF;
	(pc) =	sbr.abs _section_cstart, $3  }
0xd2: {  	[dreg:$0x1] =	wrdreg $0xFFFFFFFF  }
0xd3: {  	_ =	task.clear_ibuf [dreg:s22], $0x2FFFF;
	_ =	strace $0x9FFFFFFF  }
0xd4: {  	(tm) =	ssettm $0x7FFFFFFF  }
0xd5: {  	_ =	shalt  }
tec
execute0_lowered:
.L_overlay_start_1:
0x0: {  	(tag) =	ssettag $0x1  }
0x1: {  	s1 =	rddreg [dreg:$0x0]  }
0x2: {  	s0 =	rddreg [dreg:$0x1]  }
0x3: {  	s3 =	rddreg [dreg:$0x3]  }
0x4: {  	s2 =	srdreg.scid;
	s5 =	simm.s32 $0x0;
	s11 =	stileid.u32  }
0x5: {  	s15 =	simm.s32 $0x7;
	s16 =	simm.s32 $0x4000;
	s17 =	simm.s32 $0x4080  }
0x6: {  	s18 =	simm.s32 $0x4100;
	s19 =	simm.s32 $0x50;
	s20 =	simm.s32 $0x4180  }
0x7: {  	s21 =	simm.s32 $0x6980;
	s22 =	simm.s32 $0x9180;
	s23 =	simm.s32 $0x1  }
0x8: {  	s24 =	simm.s32 $0x4;
	s28 =	simm.s32 $0x3;
	s29 =	simm.s32 $0x6  }
0x9: {  	s2 =	sand.u32 $0x1, s2;
	s6 =	sshll.u32 s11, $0xF;
	s8 =	smul.u32 $0x14000, s11  }
0xa: {  	[smem:$0x7FF] =	sst s5;
	s25 =	smul.u32 $0x50000, s11;
	s11 =	sshll.u32 s11, $0x6  }
0xb: {  	s4 =	smul.u32 $0x140000, s2;
	s7 =	sshll.u32 s2, $0xE;
	_ =	strace $0x8000004A  }
0xc: {  	s2 =	ssub.s32 $0x2, s2;
	s6 =	sor.u32 s7, s6;
	s7 =	sadd.s32 $0x2000, s0  }
0xd: {  	s26 =	sshrl.u32 s2, $0x1;
	s9 =	sshrl.u32 s6, $0x3;
	s4 =	sadd.s32 s8, s4  }
0xe: {  	s8 =	sshrl.u32 s25, $0x2;
	s2 =	ssub.s32 s2, s26;
	s25 =	simm.s32 $0x2  }
0xf: {  	s26 =	simm.s32 $0x5;
	s10 =	sadd.s32 s9, s0;
	s4 =	sshrl.u32 s4, $0x3  }
0x10: {  	s30 =	sadd.s32 s8, s3;
	s8 =	sor.u32 $0x1C07, s11;
	s2 =	smax.u32 s2, $0x1  }
0x11: {  	s31 =	sadd.s32 s9, s7;
	s10 =	sadd.s32 $0x1C600, s10;
	[dreg:$0x8] =	wrdreg s2  }
0x12: {  	s0 =	sadd.s32 s4, s0;
	s9 =	sadd.s32 $0x7B0, s31;
	[dreg:$0x5] =	wrdreg s10  }
0x13: {  	s13 =	sadd.s32 $0x7C0, s31;
	s0 =	sadd.s32 $0x2C600, s0;
	[dreg:$0x7] =	wrdreg s9  }
0x14: {  	s14 =	sshrl.u32 s30, $0x3;
	[dreg:$0x6] =	wrdreg s0;
	s0 =	simm.s32 $0x0  }
.LBB2_1:
0x15: {  	s2 =	rddreg [dreg:$0x2];
	s10 =	simm.s32 $0x0;
	s4 =	simm.s32 $0x100  }
0x16: {  	[spmem:s14], [sflag:s8] =	dma.local [hbm:s2], $0x2800  }
0x17: {  	s11 =	sand.u32 $0x380, s4;
	s4 =	sand.u32 $0xFC00, s4;
	_ =	swait.ge [sflag:s15], $0x2800  }
0x18: {  	s2 =	sand.u32 $0x380, s10;
	s4 =	sadd.s32 s6, s4;
	[sflag:s15] =	ssyncset.done $0x0  }
0x19: {  	s9 =	rddreg [dreg:$0x5];
	s4 =	sor.u32 s11, s4;
	[sflag:s15] =	ssyncadd.s32 $0xFFFFD800  }
0x1a: {  	[tilespmem:s5], [sflag:$0x7] =	stream.linear.gather [hbm4b:s9+s5], $0x3E80, $0x38;
	[tilespmem:$0x1F980] =	vst v63  }
0x1b: {  	s9 =	sand.u32 $0x7C00, s10;
	s10 =	simm.s32 $0x80;
	_ =	swait.ge [sflag:s15], $0x3E80  }
0x1c: {  	s9 =	sadd.s32 s6, s9;
	s30 =	sand.u32 $0xFC00, s10;
	s10 =	sand.u32 $0x380, s10  }
0x1d: {  	[sflag:s15] =	ssyncset.done $0x0;
	s2 =	sor.u32 s2, s9;
	s30 =	sadd.s32 s6, s30  }
0x1e: {  	[sflag:s15] =	ssyncadd.s32 $0xFFFFC180;
	s2 =	sshrl.u32 s2, $0x3;
	s10 =	sor.u32 s10, s30  }
0x1f: {  	[bflag:$0x0] =	sbarrier.arrive $0xFFFF;
	s2 =	sadd.s32 s7, s2;
	s10 =	sshrl.u32 s10, $0x3  }
0x20: {  	[tilespmem:s16], [sflag:$0x1] =	stream.linear.gather [hbm4b:s2+s5], $0x80, $0x38;
	[tilespmem:$0x1F980] =	vst v63  }
0x21: {  	s4 =	sshrl.u32 s4, $0x3;
	s12 =	sadd.s32 s7, s10  }
0x22: {  	[tilespmem:s17], [sflag:$0x2] =	stream.linear.gather [hbm4b:s12+s5], $0x80, $0x38;
	[tilespmem:$0x1F980] =	vst v63  }
0x23: {  	s4 =	sadd.s32 s7, s4  }
0x24: {  	[tilespmem:s18], [sflag:$0x3] =	stream.linear.gather [hbm4b:s4+s5], $0x80, $0x38;
	[tilespmem:$0x1F980] =	vst v63  }
0x25: {  	_ = 	snop  }
0x26: {  	[tilespmem:s20], [sflag:$0x4] =	stream.indirect.gather [hbm4b:s1+s19], $0x80, s5, s19, $0xb8;
	[tilespmem:$0x1F980] =	vst v63  }
0x27: {  	s9 =	simm.s32 $0x80  }
0x28: {  	[tilespmem:s21], [sflag:$0x5] =	stream.indirect.gather [hbm4b:s1+s19], $0x80, s9, s19, $0xb8;
	[tilespmem:$0x1F980] =	vst v63  }
0x29: {  	s10 =	simm.s32 $0x100  }
0x2a: {  	[tilespmem:s22], [sflag:$0x6] =	stream.indirect.gather [hbm4b:s1+s19], $0x80, s10, s19, $0xb8;
	[tilespmem:$0x1F980] =	vst v63  }
0x2b: {  	_ =	swait.ge [sflag:s23], $0x80  }
0x2c: {  	[sflag:s23] =	ssyncset.done $0x0  }
0x2d: {  	[sflag:s23] =	ssyncadd.s32 $0xFFFFFF80  }
0x2e: {  	_ =	swait.ge [sflag:s24], $0x2800  }
0x2f: {  	[sflag:s24] =	ssyncset.done $0x0  }
0x30: {  	[sflag:s24] =	ssyncadd.s32 $0xFFFFD800  }
0x31: {  	[spmem:s3] =	stream.indirect.scatter.add.f32 [tilespmem:s20], [sflag:$0x7], $0x80, s16, s19, $0xb8;
	[tilespmem:$0x1F980] =	vst v63  }
0x32: {  	_ =	swait.ge [sflag:s15], $0x2800  }
0x33: {  	[sflag:s15] =	ssyncset.done $0x0  }
0x34: {  	[sflag:s15] =	ssyncadd.s32 $0xFFFFD800  }
0x35: {  	_ =	swait.ge [sflag:s25], $0x80  }
0x36: {  	[sflag:s25] =	ssyncset.done $0x0  }
0x37: {  	[sflag:s25] =	ssyncadd.s32 $0xFFFFFF80  }
0x38: {  	_ =	swait.ge [sflag:s26], $0x2800  }
0x39: {  	[sflag:s26] =	ssyncset.done $0x0  }
0x3a: {  	[sflag:s26] =	ssyncadd.s32 $0xFFFFD800  }
0x3b: {  	[spmem:s3] =	stream.indirect.scatter.add.f32 [tilespmem:s21], [sflag:$0x7], $0x80, s17, s19, $0xb8;
	[tilespmem:$0x1F980] =	vst v63  }
0x3c: {  	_ =	swait.ge [sflag:s15], $0x2800  }
0x3d: {  	s11 =	simm.s32 $0x180;
	[sflag:s15] =	ssyncset.done $0x0  }
0x3e: {  	s30 =	simm.s32 $0x400;
	s2 =	simm.s32 $0x280;
	[sflag:s15] =	ssyncadd.s32 $0xFFFFD800  }
0x3f: {  	s31 =	sand.u32 $0x380, s2;
	s12 =	sand.u32 $0x7C00, s11;
	_ =	swait.ge [sflag:s28], $0x80  }
0x40: {  	s9 =	sand.u32 $0x380, s11;
	s10 =	sadd.s32 s6, s12;
	[sflag:s28] =	ssyncset.done $0x0  }
0x41: {  	s4 =	simm.s32 $0x180;
	s9 =	sor.u32 s9, s10;
	[sflag:s28] =	ssyncadd.s32 $0xFFFFFF80  }
0x42: {  	s10 =	simm.s32 $0x200;
	s9 =	sshrl.u32 s9, $0x3;
	_ =	swait.ge [sflag:s29], $0x2800  }
.LBB2_2:
0x43: {  	s11 =	sand.u32 $0xFC00, s10  }
0x44: {  	s12 =	sand.u32 $0xFC00, s2;
	[sflag:s29] =	ssyncset.done $0x0;
	s2 =	smov.u32 s30  }
0x45: {  	s10 =	sand.u32 $0x380, s10;
	s11 =	sadd.s32 s6, s11;
	[sflag:s29] =	ssyncadd.s32 $0xFFFFD800  }
0x46: {  	[spmem:s3] =	stream.indirect.scatter.add.f32 [tilespmem:s22], [sflag:$0x7], $0x80, s18, s19, $0xb8;
	[tilespmem:$0x1F980] =	vst v63  }
0x47: {  	s9 =	sadd.s32 s7, s9;
	s10 =	sor.u32 s10, s11;
	_ =	swait.ge [sflag:s15], $0x2800  }
0x48: {  	s11 =	sadd.s32 s6, s12;
	s10 =	sshrl.u32 s10, $0x3;
	[sflag:s15] =	ssyncset.done $0x0  }
0x49: {  	s11 =	sor.u32 s31, s11;
	s10 =	sadd.s32 s7, s10;
	[sflag:s15] =	ssyncadd.s32 $0xFFFFD800  }
0x4a: {  	[tilespmem:s16], [sflag:$0x1] =	stream.linear.gather [hbm4b:s9+s5], $0x80, $0x38;
	[tilespmem:$0x1F980] =	vst v63  }
0x4b: {  	p0 =	sne.s32 s30, $0x3D00;
	s30 =	sadd.s32 $0x180, s30;
	s9 =	sshrl.u32 s11, $0x3  }
0x4c: {  	[tilespmem:s17], [sflag:$0x2] =	stream.linear.gather [hbm4b:s10+s5], $0x80, $0x38;
	[tilespmem:$0x1F980] =	vst v63  }
0x4d: {  	s9 =	sadd.s32 s7, s9  }
0x4e: {  	[tilespmem:s18], [sflag:$0x3] =	stream.linear.gather [hbm4b:s9+s5], $0x80, $0x38;
	[tilespmem:$0x1F980] =	vst v63  }
0x4f: {  	s9 =	sadd.s32 $0x80, s4  }
0x50: {  	[tilespmem:s20], [sflag:$0x4] =	stream.indirect.gather [hbm4b:s1+s19], $0x80, s4, s19, $0xb8;
	[tilespmem:$0x1F980] =	vst v63  }
0x51: {  	s10 =	sadd.s32 $0x100, s4  }
0x52: {  	[tilespmem:s21], [sflag:$0x5] =	stream.indirect.gather [hbm4b:s1+s19], $0x80, s9, s19, $0xb8;
	[tilespmem:$0x1F980] =	vst v63  }
0x53: {  	_ = 	snop  }
0x54: {  	[tilespmem:s22], [sflag:$0x6] =	stream.indirect.gather [hbm4b:s1+s19], $0x80, s10, s19, $0xb8;
	[tilespmem:$0x1F980] =	vst v63  }
0x55: {  	_ =	swait.ge [sflag:s23], $0x80  }
0x56: {  	[sflag:s23] =	ssyncset.done $0x0  }
0x57: {  	[sflag:s23] =	ssyncadd.s32 $0xFFFFFF80  }
0x58: {  	_ =	swait.ge [sflag:s24], $0x2800  }
0x59: {  	[sflag:s24] =	ssyncset.done $0x0  }
0x5a: {  	[sflag:s24] =	ssyncadd.s32 $0xFFFFD800  }
0x5b: {  	[spmem:s3] =	stream.indirect.scatter.add.f32 [tilespmem:s20], [sflag:$0x7], $0x80, s16, s19, $0xb8;
	[tilespmem:$0x1F980] =	vst v63  }
0x5c: {  	_ =	swait.ge [sflag:s15], $0x2800  }
0x5d: {  	[sflag:s15] =	ssyncset.done $0x0  }
0x5e: {  	[sflag:s15] =	ssyncadd.s32 $0xFFFFD800  }
0x5f: {  	_ =	swait.ge [sflag:s25], $0x80  }
0x60: {  	[sflag:s25] =	ssyncset.done $0x0  }
0x61: {  	[sflag:s25] =	ssyncadd.s32 $0xFFFFFF80  }
0x62: {  	_ =	swait.ge [sflag:s26], $0x2800  }
0x63: {  	[sflag:s26] =	ssyncset.done $0x0  }
0x64: {  	[sflag:s26] =	ssyncadd.s32 $0xFFFFD800  }
0x65: {  	[spmem:s3] =	stream.indirect.scatter.add.f32 [tilespmem:s21], [sflag:$0x7], $0x80, s17, s19, $0xb8;
	[tilespmem:$0x1F980] =	vst v63  }
0x66: {  	_ =	swait.ge [sflag:s15], $0x2800  }
0x67: {  	[sflag:s15] =	ssyncset.done $0x0  }
.Ltmp0:
0x68: {  	s9 =	sadd.s32 $0xFFFFFF00, s2;
	[sflag:s15] =	ssyncadd.s32 $0xFFFFD800;
	(pc) =	sbr.rel @p0 .LBB2_2-.Ltmp0, $4  }
0x69: {  	s4 =	sadd.s32 $0x180, s4;
	s10 =	sand.u32 $0x7C00, s9;
	_ =	swait.ge [sflag:s28], $0x80  }
0x6a: {  	s9 =	sand.u32 $0x380, s9;
	s10 =	sadd.s32 s6, s10;
	[sflag:s28] =	ssyncset.done $0x0  }
0x6b: {  	s31 =	sand.u32 $0x380, s2;
	s9 =	sor.u32 s9, s10;
	[sflag:s28] =	ssyncadd.s32 $0xFFFFFF80  }
0x6c: {  	s10 =	sadd.s32 $0xFFFFFF80, s2;
	s9 =	sshrl.u32 s9, $0x3;
	_ =	swait.ge [sflag:s29], $0x2800  }
0x6d: {  	[sflag:s29] =	ssyncset.done $0x0  }
0x6e: {  	[sflag:s29] =	ssyncadd.s32 $0xFFFFD800  }
0x6f: {  	[spmem:s3] =	stream.indirect.scatter.add.f32 [tilespmem:s22], [sflag:$0x7], $0x80, s18, s19, $0xb8;
	[tilespmem:$0x1F980] =	vst v63  }
0x70: {  	_ =	swait.ge [sflag:s15], $0x2800  }
0x71: {  	[sflag:s15] =	ssyncset.done $0x0  }
0x72: {  	s9 =	sadd.s32 s7, s9;
	s12 =	sand.u32 $0xFC00, s10;
	[sflag:s15] =	ssyncadd.s32 $0xFFFFD800  }
0x73: {  	[tilespmem:s16], [sflag:$0x1] =	stream.linear.gather [hbm4b:s9+s5], $0x80, $0x38;
	[tilespmem:$0x1F980] =	vst v63  }
0x74: {  	s30 =	sand.u32 $0x380, s10;
	s2 =	sand.u32 $0xFC00, s2;
	s9 =	sadd.s32 s6, s12  }
0x75: {  	s2 =	sadd.s32 s6, s2;
	s9 =	sor.u32 s30, s9  }
0x76: {  	s2 =	sor.u32 s31, s2;
	s9 =	sshrl.u32 s9, $0x3  }
0x77: {  	s2 =	sshrl.u32 s2, $0x3;
	s9 =	sadd.s32 s7, s9  }
0x78: {  	[tilespmem:s17], [sflag:$0x2] =	stream.linear.gather [hbm4b:s9+s5], $0x80, $0x38;
	[tilespmem:$0x1F980] =	vst v63  }
0x79: {  	s2 =	sadd.s32 s7, s2  }
0x7a: {  	[tilespmem:s18], [sflag:$0x3] =	stream.linear.gather [hbm4b:s2+s5], $0x80, $0x38;
	[tilespmem:$0x1F980] =	vst v63  }
0x7b: {  	_ = 	snop  }
0x7c: {  	[tilespmem:s20], [sflag:$0x4] =	stream.indirect.gather [hbm4b:s1+s19], $0x80, s4, s19, $0xb8;
	[tilespmem:$0x1F980] =	vst v63  }
0x7d: {  	s31 =	sadd.s32 $0x80, s4  }
0x7e: {  	[tilespmem:s21], [sflag:$0x5] =	stream.indirect.gather [hbm4b:s1+s19], $0x80, s31, s19, $0xb8;
	[tilespmem:$0x1F980] =	vst v63  }
0x7f: {  	s9 =	sadd.s32 $0x100, s4  }
0x80: {  	[tilespmem:s22], [sflag:$0x6] =	stream.indirect.gather [hbm4b:s1+s19], $0x80, s9, s19, $0xb8;
	[tilespmem:$0x1F980] =	vst v63  }
0x81: {  	_ =	swait.ge [sflag:s23], $0x80  }
0x82: {  	[sflag:s23] =	ssyncset.done $0x0  }
0x83: {  	[sflag:s23] =	ssyncadd.s32 $0xFFFFFF80  }
0x84: {  	_ =	swait.ge [sflag:s24], $0x2800  }
0x85: {  	[sflag:s24] =	ssyncset.done $0x0  }
0x86: {  	[sflag:s24] =	ssyncadd.s32 $0xFFFFD800  }
0x87: {  	[spmem:s3] =	stream.indirect.scatter.add.f32 [tilespmem:s20], [sflag:$0x7], $0x80, s16, s19, $0xb8;
	[tilespmem:$0x1F980] =	vst v63  }
0x88: {  	_ =	swait.ge [sflag:s15], $0x2800  }
0x89: {  	[sflag:s15] =	ssyncset.done $0x0  }
0x8a: {  	[sflag:s15] =	ssyncadd.s32 $0xFFFFD800  }
0x8b: {  	_ =	swait.ge [sflag:s25], $0x80  }
0x8c: {  	[sflag:s25] =	ssyncset.done $0x0  }
0x8d: {  	[sflag:s25] =	ssyncadd.s32 $0xFFFFFF80  }
0x8e: {  	_ =	swait.ge [sflag:s26], $0x2800  }
0x8f: {  	[sflag:s26] =	ssyncset.done $0x0  }
0x90: {  	[sflag:s26] =	ssyncadd.s32 $0xFFFFD800  }
0x91: {  	[spmem:s3] =	stream.indirect.scatter.add.f32 [tilespmem:s21], [sflag:$0x7], $0x80, s17, s19, $0xb8;
	[tilespmem:$0x1F980] =	vst v63  }
0x92: {  	_ =	swait.ge [sflag:s15], $0x2800  }
0x93: {  	[sflag:s15] =	ssyncset.done $0x0  }
0x94: {  	[sflag:s15] =	ssyncadd.s32 $0xFFFFD800  }
0x95: {  	_ =	swait.ge [sflag:s28], $0x80  }
0x96: {  	[sflag:s28] =	ssyncset.done $0x0  }
0x97: {  	[sflag:s28] =	ssyncadd.s32 $0xFFFFFF80  }
0x98: {  	_ =	swait.ge [sflag:s29], $0x2800  }
0x99: {  	[sflag:s29] =	ssyncset.done $0x0  }
0x9a: {  	[sflag:s29] =	ssyncadd.s32 $0xFFFFD800  }
0x9b: {  	[spmem:s3] =	stream.indirect.scatter.add.f32 [tilespmem:s22], [sflag:$0x7], $0x80, s18, s19, $0xb8;
	[tilespmem:$0x1F980] =	vst v63  }
0x9c: {  	_ =	swait.ge [sflag:s15], $0x2800  }
0x9d: {  	[sflag:s15] =	ssyncset.done $0x0  }
0x9e: {  	s10 =	rddreg [dreg:$0x7];
	[sflag:s15] =	ssyncadd.s32 $0xFFFFD800  }
0x9f: {  	[tilespmem:s16], [sflag:$0x7] =	stream.linear.gather [hbm4b:s10+s5], $0x80, $0x38;
	[tilespmem:$0x1F980] =	vst v63  }
0xa0: {  	_ =	swait.ge [sflag:s15], $0x80  }
0xa1: {  	[sflag:s15] =	ssyncset.done $0x0  }
0xa2: {  	s11 =	simm.s32 $0x3D80;
	[sflag:s15] =	ssyncadd.s32 $0xFFFFFF80  }
0xa3: {  	[tilespmem:s20], [sflag:$0x7] =	stream.indirect.gather [hbm4b:s1+s19], $0x80, s11, s19, $0xb8;
	[tilespmem:$0x1F980] =	vst v63  }
0xa4: {  	_ =	swait.ge [sflag:s15], $0x2800  }
0xa5: {  	[sflag:s15] =	ssyncset.done $0x0  }
0xa6: {  	[sflag:s15] =	ssyncadd.s32 $0xFFFFD800  }
0xa7: {  	[spmem:s3] =	stream.indirect.scatter.add.f32 [tilespmem:s20], [sflag:$0x7], $0x80, s16, s19, $0xb8;
	[tilespmem:$0x1F980] =	vst v63  }
0xa8: {  	_ =	swait.ge [sflag:s15], $0x2800  }
0xa9: {  	[sflag:s15] =	ssyncset.done $0x0  }
0xaa: {  	[sflag:s15] =	ssyncadd.s32 $0xFFFFD800  }
0xab: {  	[tilespmem:s16], [sflag:$0x7] =	stream.linear.gather [hbm4b:s13+s5], $0x80, $0x38;
	[tilespmem:$0x1F980] =	vst v63  }
0xac: {  	_ =	swait.ge [sflag:s15], $0x80  }
0xad: {  	[sflag:s15] =	ssyncset.done $0x0  }
0xae: {  	s12 =	simm.s32 $0x3E00;
	[sflag:s15] =	ssyncadd.s32 $0xFFFFFF80  }
0xaf: {  	[tilespmem:s20], [sflag:$0x7] =	stream.indirect.gather [hbm4b:s1+s19], $0x80, s12, s19, $0xb8;
	[tilespmem:$0x1F980] =	vst v63  }
0xb0: {  	_ =	swait.ge [sflag:s15], $0x2800  }
0xb1: {  	[sflag:s15] =	ssyncset.done $0x0  }
0xb2: {  	[sflag:s15] =	ssyncadd.s32 $0xFFFFD800  }
0xb3: {  	[spmem:s3] =	stream.indirect.scatter.add.f32 [tilespmem:s20], [sflag:$0x7], $0x80, s16, s19, $0xb8;
	[tilespmem:$0x1F980] =	vst v63  }
0xb4: {  	_ =	swait.ge [sflag:s15], $0x2800  }
0xb5: {  	[sflag:s15] =	ssyncset.done $0x0  }
0xb6: {  	[sflag:s15] =	ssyncadd.s32 $0xFFFFD800  }
0xb7: {  	[bflag:$0x0] =	sbarrier.arrive $0xFFFF  }
0xb8: {  	s30 =	rddreg [dreg:$0x6]  }
0xb9: {  	[hbm:s30], [sflag:s8] =	dma.local [spmem:s14], $0x2800  }
0xba: {  	_ =	swait.ge [sflag:s15], $0x2800  }
0xbb: {  	s0 =	sadd.s32 $0x1, s0;
	s31 =	rddreg [dreg:$0x8]  }
0xbc: {  	p0 =	sne.s32 s0, s31  }
.Ltmp1:
0xbd: {  	_ = 	snop;
	(pc) =	sbr.rel @p0 .LBB2_1-.Ltmp1, $3  }
0xbe: {  	_ =	sdelay $0x1  }
0xbf: {  	[sflag:s15] =	ssyncset.done $0x0  }
0xc0: {  	[sflag:s15] =	ssyncadd.s32 $0xFFFFD800  }
0xc1: {  	_ =	sfence.sel $0x180000  }
0xc2: {  	[bflag:$0x0] =	sbarrier.arrive $0xFFFF  }
0xc3: {  	_ =	strace $0x9000004A  }
0xc4: {  	s0 =	stileid.u32;
	[bflag:$0x2] =	sbarrier.arrive $0xFFFF  }
0xc5: {  	p0 =	sne.s32 s0, $0x0;
	s0 =	rddreg [dreg:$0x4]  }
0xc6: {  	s0 =	sadd.s32 @!p0 $0x100000, s0  }
0xc7: {  	[sflag:s0] =	ssyncadd.tile.s32 @!p0 $0x1;
	_ =	shalt  }
.Lfunc_end2:
_tile_overlayer_lowered:
.L_overlay_start_2:
0xc8: {  	(tag) =	ssettag $0x2  }
0xc9: {  	s0 =	rddreg [dreg:$0x0];
	s2 =	stileid.u32  }
0xca: {  	s1 =	rddreg [dreg:$0x1];
	p0 =	sne.s32 s2, $0x0  }
0xcb: {  	s3 =	rddreg [dreg:$0x2];
	[bflag:$0x3] =	sbarrier.arrive $0xFFFF;
	s2 =	simm.s32 @!p0 $0x1C07  }
0xcc: {  	[timem:s3], [sflag:s2] =	dma.local @!p0 [hbm:s0], s1  }
0xcd: {  	s0 =	simm.s32 @!p0 $0x7  }
0xce: {  	_ =	swait.ge @!p0 [sflag:s0], s1  }
0xcf: {  	s1 =	ssub.s32 @!p0 $0x0, s1;
	[sflag:s0] =	ssyncset.done @!p0 $0x0  }
0xd0: {  	[sflag:s0] =	ssyncadd.s32 @!p0 s1  }
0xd1: {  	[bflag:$0x3] =	sbarrier.arrive $0xFFFF  }
0xd2: {  	_ =	shalt  }

// kernel: kernel.15.cloned.1.call-start
scs
__scs_entry_jumppad:
0x0: {  	(pc) =	sbr.rel $0x88, $3  }
0x1: {  	(tag) =	ssettag $0x0;
	lr =	simm.s32 $0x1  }
0x2: {  	[smem:$0x3F94] =	sst lr;
	_ =	strace $0xD0000000  }
0x3: {  	_ = 	snop  }
0x4: {  	_ = 	snop  }
0x5: {  	_ = 	snop  }
0x6: {  	_ = 	snop  }
0x7: {  	_ = 	snop  }
__scs_overlays_trampoline_lowered:
0x8: {  	[smem:$0x3FA3] =	sst s0  }
0x9: {  	[smem:$0x3FA4] =	sst s1  }
0xa: {  	[smem:$0x3FA5] =	sst s2  }
0xb: {  	[smem:$0x3FA6] =	sst s3  }
0xc: {  	[smem:$0x3FA7] =	sst s4  }
0xd: {  	[smem:$0x3FA8] =	sst s5  }
0xe: {  	[smem:$0x3FA9] =	sst s6  }
0xf: {  	[smem:$0x3FAA] =	sst s7  }
0x10: {  	[smem:$0x3FAB] =	sst s8  }
0x11: {  	[smem:$0x3FAC] =	sst s9;
	s0 =	simm.s32 @!p0 $0x0  }
0x12: {  	s1 =	sld [smem:$0x3F92];
	s0 =	simm.s32 @p0 $0x1  }
0x13: {  	[smem:$0x3FAD] =	sst s0;
	s0 =	simm.s32 @!p1 $0x0  }
0x14: {  	s2 =	sld [smem:$0x3F91];
	s0 =	simm.s32 @p1 $0x1  }
0x15: {  	[smem:$0x3FAE] =	sst s0;
	s0 =	simm.s32 @!p2 $0x0  }
0x16: {  	s3 =	sld [smem:$0x3FDB];
	s0 =	simm.s32 @p2 $0x1  }
0x17: {  	s4 =	simm.s32 $0x1BF5;
	[smem:$0x3FB0] =	sst s0  }
0x18: {  	s0 =	sld [smem:$0x3F93];
	_ =	swait.ge [sflag:s4], $0x0  }
0x19: {  	s7 =	sld [smem:$0x3F94]  }
0x1a: {  	s8 =	sadd.s32 $0xFFFFE003, lr  }
0x1b: {  	s9 =	sadd.s32 $0xFFFFFEF7, lr;
	s5 =	simm.s32 $0xFFFFFFFF;
	p2 =	slt.u32 s8, $0xFFFFF086  }
0x1c: {  	p1 =	slt.u32 s9, $0xF7A;
	s5 =	simm.s32 @!p2 $0x0  }
0x1d: {  	s5 =	simm.s32 @p1 $0x1;
	p0 =	seq.s32 s7, s2  }
0x1e: {  	s7 =	smul.u32 @!p0 $0xF7A, s2;
	p2 =	seq.s32 @!p0 s5, $0x0  }
0x1f: {  	s9 =	smul.u32 $0xF7A, s1;
	s8 =	simm.s32 @!p0 $0x1BF5;
	p2 =	por !p2, p0  }
0x20: {  	[sflag:s8] =	ssyncset.s32 @!p0 $0xFFFFF086;
	s6 =	sadd.s32 @!p0 s3, s7;
	s7 =	simm.s32 @!p0 $0x108  }
0x21: {  	s3 =	sadd.s32 s3, s9;
	s6 =	sadd.s32 @!p0 $0x88, s6;
	s7 =	simm.s32 @p2 $0x1082  }
0x22: {  	[simem:s7], [sflag:s8] =	dma.local @!p0 [hbm:s6], $0xF7A  }
0x23: {  	s9 =	sor.u32 $0xD0000000, s2;
	s6 =	simm.s32 $0x108;
	_ =	swait.ge @!p0 [sflag:s8], $0x0  }
0x24: {  	s3 =	sadd.s32 $0x88, s3;
	s6 =	simm.s32 @!p1 $0x1082;
	[sflag:s4] =	ssyncset.s32 $0xFFFFF086  }
0x25: {  	[simem:s6], [sflag:s4] =	dma.local [hbm:s3], $0xF7A  }
0x26: {  	[smem:$0x3F94] =	sst s1;
	(tag) =	ssettag s2;
	_ =	strace s9  }
0x27: {  	s1 =	sld [smem:$0x3FA4]  }
0x28: {  	s2 =	sld [smem:$0x3FA5]  }
0x29: {  	s4 =	sld [smem:$0x3FA7]  }
0x2a: {  	p0 =	seq.s32 s5, $0x0;
	s5 =	sld [smem:$0x3FA8]  }
0x2b: {  	s6 =	sld [smem:$0x3FA9]  }
0x2c: {  	s7 =	sld [smem:$0x3FAA]  }
0x2d: {  	s3 =	simm.s32 $0x108;
	s8 =	sld [smem:$0x3FAB]  }
0x2e: {  	s3 =	simm.s32 @!p0 $0x1082;
	s9 =	sld [smem:$0x3FAC]  }
0x2f: {  	lr =	sadd.s32 s0, s3;
	s0 =	sld [smem:$0x3FA3]  }
0x30: {  	s3 =	sld [smem:$0x3FA6]  }
0x31: {  	[smem:$0x3FAF] =	sst s10  }
0x32: {  	s10 =	sld [smem:$0x3FAD];
	_ =	sdelay $0x3  }
0x33: {  	p0 =	seq.s32 s10, $0x1;
	s10 =	sld [smem:$0x3FAF];
	_ =	sdelay $0x3  }
0x34: {  	[smem:$0x3FAF] =	sst s10  }
0x35: {  	s10 =	sld [smem:$0x3FAE];
	_ =	sdelay $0x3  }
0x36: {  	p1 =	seq.s32 s10, $0x1;
	s10 =	sld [smem:$0x3FAF];
	_ =	sdelay $0x3  }
0x37: {  	[smem:$0x3FAF] =	sst s10  }
0x38: {  	s10 =	sld [smem:$0x3FB0]  }
0x39: {  	_ = 	snop;
	(pc) =	sbr.ind lr, $3  }
0x3a: {  	_ = 	snop  }
0x3b: {  	_ = 	snop  }
0x3c: {  	p2 =	seq.s32 s10, $0x1;
	s10 =	sld [smem:$0x3FAF]  }
0x3d: {  	_ =	shalt  }
0x3e: {  	_ =	shalt  }
0x3f: {  	_ =	shalt  }
0x40: {  	_ =	shalt  }
0x41: {  	_ =	shalt  }
0x42: {  	_ =	shalt  }
0x43: {  	_ =	shalt  }
0x44: {  	_ =	shalt  }
0x45: {  	_ =	shalt  }
0x46: {  	_ =	shalt  }
0x47: {  	_ =	shalt  }
0x48: {  	_ =	shalt  }
0x49: {  	_ =	shalt  }
0x4a: {  	_ =	shalt  }
0x4b: {  	_ =	shalt  }
0x4c: {  	_ =	shalt  }
0x4d: {  	_ =	shalt  }
0x4e: {  	_ =	shalt  }
0x4f: {  	_ =	shalt  }
0x50: {  	_ =	shalt  }
0x51: {  	_ =	shalt  }
0x52: {  	_ =	shalt  }
0x53: {  	_ =	shalt  }
0x54: {  	_ =	shalt  }
0x55: {  	_ =	shalt  }
0x56: {  	_ =	shalt  }
0x57: {  	_ =	shalt  }
0x58: {  	_ =	shalt  }
0x59: {  	_ =	shalt  }
0x5a: {  	_ =	shalt  }
0x5b: {  	_ =	shalt  }
0x5c: {  	_ =	shalt  }
0x5d: {  	_ =	shalt  }
0x5e: {  	_ =	shalt  }
0x5f: {  	_ =	shalt  }
0x60: {  	_ =	shalt  }
0x61: {  	_ =	shalt  }
0x62: {  	_ =	shalt  }
0x63: {  	_ =	shalt  }
0x64: {  	_ =	shalt  }
0x65: {  	_ =	shalt  }
0x66: {  	_ =	shalt  }
0x67: {  	_ =	shalt  }
0x68: {  	_ =	shalt  }
0x69: {  	_ =	shalt  }
0x6a: {  	_ =	shalt  }
0x6b: {  	_ =	shalt  }
0x6c: {  	_ =	shalt  }
0x6d: {  	_ =	shalt  }
0x6e: {  	_ =	shalt  }
0x6f: {  	_ =	shalt  }
0x70: {  	_ =	shalt  }
0x71: {  	_ =	shalt  }
0x72: {  	_ =	shalt  }
0x73: {  	_ =	shalt  }
0x74: {  	_ =	shalt  }
0x75: {  	_ =	shalt  }
0x76: {  	_ =	shalt  }
0x77: {  	_ =	shalt  }
0x78: {  	_ =	shalt  }
0x79: {  	_ =	shalt  }
0x7a: {  	_ =	shalt  }
0x7b: {  	_ =	shalt  }
0x7c: {  	_ =	shalt  }
0x7d: {  	_ =	shalt  }
0x7e: {  	_ =	shalt  }
0x7f: {  	_ =	shalt  }
0x80: {  	_ =	shalt  }
0x81: {  	_ =	shalt  }
0x82: {  	_ =	shalt  }
0x83: {  	_ =	shalt  }
0x84: {  	_ =	shalt  }
0x85: {  	_ =	shalt  }
0x86: {  	_ =	shalt  }
0x87: {  	_ =	shalt  }
.Lfunc_end0:
.L_simem_size_0:
called_computation.2_lowered:
.L_overlay_start_0:
0x88: {  	s2 =	sld [smem:$0x3FD9]  }
0x89: {  	s3 =	sld [smem:$0x3FFE];
	_ =	sdelay $0x1  }
0x8a: {  	s1 =	srdreg.scid  }
0x8b: {  	s0 =	sand.u32 $0x1, s1  }
0x8c: {  	s17 =	sshll.u32 s0, $0xA;
	s2 =	sadd.s32 s3, s2  }
0x8d: {  	s2 =	sadd.s32 s2, s17  }
0x8e: {  	[smem:$0x3FBB] =	sst s2  }
0x8f: {  	_ = 	snop  }
0x90: {  	s2 =	sld [smem:$0x3FD0];
	(tm) =	ssettm $0x1  }
0x91: {  	s18 =	sld [smem:$0x3FFB];
	_ =	sdelay $0x3  }
0x92: {  	_ =	strace s18  }
0x93: {  	s3 =	sld [smem:$0x3FFC];
	_ =	sdelay $0x3  }
0x94: {  	_ =	strace s3  }
0x95: {  	s3 =	sld [smem:$0x3FFD];
	_ =	sdelay $0x3  }
0x96: {  	_ =	strace s3  }
0x97: {  	_ =	strace $0x8FFFFFFF  }
0x98: {  	s19 =	sld [smem:$0x3FDB];
	_ =	sdelay $0x1  }
0x99: {  	s4 =	simm.s32 $_scs_section_size  }
0x9a: {  	s5 =	simm.s32 $_size__tile_overlayer_lowered;
	s6 =	simm.s32 $_tile_overlayer_lowered  }
0x9b: {  	s22 =	simm.s32 $0x1BFF;
	s21 =	sshll.u32 s6, $0x1;
	s3 =	sadd.s32 s4, s19  }
0x9c: {  	s7 =	simm.s32 $0x0;
	s20 =	sshll.u32 s5, $0x1;
	s5 =	sadd.s32 s21, s3  }
0x9d: {  	[timem:s7], [sflag:s22] =	dma.local [hbm:s5], s20  }
0x9e: {  	_ =	swait.ge [sflag:s22], s20  }
0x9f: {  	s4 =	ssub.s32 $0x0, s20;
	[sflag:s22] =	ssyncset.done $0x0  }
0xa0: {  	[sflag:s22] =	ssyncadd.s32 s4;
	_ =	sdelay $0x1  }
0xa1: {  	s23 =	simm.s32 $0x1B8B  }
0xa2: {  	_ =	swait.ge [sflag:s23], $0x1  }
0xa3: {  	[sflag:s23] =	ssyncset.done $0x0  }
0xa4: {  	s25 =	simm.s32 $0x1B8E;
	s24 =	sld [smem:$0x3FFE];
	[sflag:s23] =	ssyncadd.s32 $0xFFFFFFFF  }
0xa5: {  	s26 =	simm.s32 $execute0_lowered;
	[smem:$0x3FD2] =	sst s25  }
0xa6: {  	s5 =	sshll.u32 s26, $0x1;
	_ =	strace $0x8000004C;
	[dreg:$0x1] =	wrdreg $0xFFFFFFFF  }
0xa7: {  	s28 =	simm.s32 $_size_execute0_lowered;
	s3 =	sadd.s32 s3, s5;
	[dreg:$0x0] =	wrdreg $0x0  }
0xa8: {  	s5 =	sshll.u32 s28, $0x1;
	[dreg:$0x2] =	wrdreg s3  }
0xa9: {  	[dreg:$0x3] =	wrdreg s5  }
0xaa: {  	[dreg:$0x4] =	wrdreg $0xC0  }
0xab: {  	_ =	task [dreg:s7], $0x5FFFF  }
0xac: {  	[dreg:$0x1] =	wrdreg $0xFFFFFFFF  }
0xad: {  	[dreg:$0x0] =	wrdreg $0x60  }
0xae: {  	[dreg:$0x2] =	wrdreg s24  }
0xaf: {  	[dreg:$0x3] =	wrdreg s2  }
0xb0: {  	[dreg:$0x4] =	wrdreg $0xB9800  }
0xb1: {  	[dreg:$0x5] =	wrdreg $0x9  }
0xb2: {  	_ =	task.clear_ibuf [dreg:s7], $0x6FFFF;
	_ =	strace $0x9000004C  }
0xb3: {  	s29 =	simm.s32 $0x9;
	_ =	strace $0x8000004E  }
0xb4: {  	_ =	swait.ge [sflag:s29], $0x1  }
0xb5: {  	[sflag:s29] =	ssyncadd.s32 $0xFFFFFFFF  }
0xb6: {  	_ =	strace $0x9000004E  }
0xb7: {  	_ =	sfence  }
0xb8: {  	s30 =	sld [smem:$0x0];
	_ =	sdelay $0x2  }
0xb9: {  	s31 =	sshll.u32 s1, $0xD;
	s1 =	sshrl.u32 s1, $0x2  }
0xba: {  	s3 =	sand.u32 $0x4000, s31;
	s1 =	sadd.s32 s1, s30  }
0xbb: {  	s0 =	sor.u32 s3, s0;
	s1 =	sshll.u32 s1, $0x11  }
0xbc: {  	s0 =	sor.u32 s1, s0  }
0xbd: {  	s0 =	sadd.s32 $0x8F2B, s0  }
0xbe: {  	[sflag:s0] =	ssyncadd.remote.s32 $0x1  }
0xbf: {  	_ =	sfence.sel $0xFFFF  }
0xc0: {  	[dreg:$0x0] =	wrdreg $0xFFFFFFFF;
	(pc) =	sbr.abs _section_cstart, $3  }
0xc1: {  	[dreg:$0x1] =	wrdreg $0xFFFFFFFF  }
0xc2: {  	_ =	task.clear_ibuf [dreg:s7], $0x2FFFF;
	_ =	strace $0x9FFFFFFF  }
0xc3: {  	(tm) =	ssettm $0x7FFFFFFF  }
tec
execute0_lowered:
.L_overlay_start_1:
0x0: {  	(tag) =	ssettag $0x1  }
0x1: {  	s0 =	rddreg [dreg:$0x0]  }
0x2: {  	s2 =	rddreg [dreg:$0x2];
	s4 =	simm.s32 $0x0  }
0x3: {  	s1 =	srdreg.scid;
	s11 =	stileid.u32;
	s15 =	simm.s32 $0x7  }
0x4: {  	s16 =	simm.s32 $0x4000;
	s17 =	simm.s32 $0x4080;
	s18 =	simm.s32 $0x4100  }
0x5: {  	s19 =	simm.s32 $0x50;
	s20 =	simm.s32 $0x4180;
	s21 =	simm.s32 $0x6980  }
0x6: {  	s22 =	simm.s32 $0x9180;
	s23 =	simm.s32 $0x1;
	s24 =	simm.s32 $0x4  }
0x7: {  	s25 =	simm.s32 $0x2;
	s28 =	simm.s32 $0x3;
	s29 =	simm.s32 $0x6  }
0x8: {  	[smem:$0x7FF] =	sst s4;
	s1 =	sand.u32 $0x1, s1;
	s7 =	smul.u32 $0x14000, s11  }
0x9: {  	s5 =	sshll.u32 s11, $0xF;
	s8 =	smul.u32 $0x50000, s11;
	s11 =	sshll.u32 s11, $0x6  }
0xa: {  	s3 =	smul.u32 $0x140000, s1;
	s6 =	sshll.u32 s1, $0xE;
	_ =	strace $0x8000004D  }
0xb: {  	s1 =	ssub.s32 $0x2, s1;
	s5 =	sor.u32 s6, s5;
	s6 =	sadd.s32 $0x2C600, s0  }
0xc: {  	s26 =	sshrl.u32 s1, $0x1;
	s8 =	sshrl.u32 s8, $0x2;
	s9 =	sshrl.u32 s5, $0x3  }
0xd: {  	s3 =	sadd.s32 s7, s3;
	s7 =	sadd.s32 $0x2000, s0;
	s1 =	ssub.s32 s1, s26  }
0xe: {  	s30 =	sadd.s32 s8, s2;
	s8 =	sor.u32 $0x1C07, s11;
	s26 =	simm.s32 $0x5  }
0xf: {  	s10 =	sadd.s32 s9, s0;
	s3 =	sshrl.u32 s3, $0x3;
	s1 =	smax.u32 s1, $0x1  }
0x10: {  	s31 =	sadd.s32 s9, s7;
	s10 =	sadd.s32 $0x1C600, s10;
	[dreg:$0x7] =	wrdreg s1  }
0x11: {  	s0 =	sadd.s32 s3, s0;
	s9 =	sadd.s32 $0x7B0, s31;
	[dreg:$0x4] =	wrdreg s10  }
0x12: {  	s14 =	sshrl.u32 s30, $0x3;
	s0 =	sadd.s32 $0x53800, s0;
	[dreg:$0x6] =	wrdreg s9  }
0x13: {  	s13 =	sadd.s32 $0x7C0, s31;
	[dreg:$0x5] =	wrdreg s0;
	s0 =	simm.s32 $0x0  }
.LBB2_1:
0x14: {  	s1 =	rddreg [dreg:$0x1];
	s10 =	simm.s32 $0x0;
	s3 =	simm.s32 $0x100  }
0x15: {  	[spmem:s14], [sflag:s8] =	dma.local [hbm:s1], $0x2800  }
0x16: {  	s11 =	sand.u32 $0x380, s3;
	s3 =	sand.u32 $0xFC00, s3;
	_ =	swait.ge [sflag:s15], $0x2800  }
0x17: {  	s1 =	sand.u32 $0x380, s10;
	s3 =	sadd.s32 s5, s3;
	[sflag:s15] =	ssyncset.done $0x0  }
0x18: {  	s9 =	rddreg [dreg:$0x4];
	s3 =	sor.u32 s11, s3;
	[sflag:s15] =	ssyncadd.s32 $0xFFFFD800  }
0x19: {  	[tilespmem:s4], [sflag:$0x7] =	stream.linear.gather [hbm4b:s9+s4], $0x3E80, $0x38;
	[tilespmem:$0x1F980] =	vst v63  }
0x1a: {  	s9 =	sand.u32 $0x7C00, s10;
	s10 =	simm.s32 $0x80;
	_ =	swait.ge [sflag:s15], $0x3E80  }
0x1b: {  	s9 =	sadd.s32 s5, s9;
	s30 =	sand.u32 $0xFC00, s10;
	s10 =	sand.u32 $0x380, s10  }
0x1c: {  	[sflag:s15] =	ssyncset.done $0x0;
	s1 =	sor.u32 s1, s9;
	s30 =	sadd.s32 s5, s30  }
0x1d: {  	[sflag:s15] =	ssyncadd.s32 $0xFFFFC180;
	s1 =	sshrl.u32 s1, $0x3;
	s10 =	sor.u32 s10, s30  }
0x1e: {  	[bflag:$0x0] =	sbarrier.arrive $0xFFFF;
	s1 =	sadd.s32 s7, s1;
	s10 =	sshrl.u32 s10, $0x3  }
0x1f: {  	[tilespmem:s16], [sflag:$0x1] =	stream.linear.gather [hbm4b:s1+s4], $0x80, $0x38;
	[tilespmem:$0x1F980] =	vst v63  }
0x20: {  	s3 =	sshrl.u32 s3, $0x3;
	s12 =	sadd.s32 s7, s10  }
0x21: {  	[tilespmem:s17], [sflag:$0x2] =	stream.linear.gather [hbm4b:s12+s4], $0x80, $0x38;
	[tilespmem:$0x1F980] =	vst v63  }
0x22: {  	s3 =	sadd.s32 s7, s3  }
0x23: {  	[tilespmem:s18], [sflag:$0x3] =	stream.linear.gather [hbm4b:s3+s4], $0x80, $0x38;
	[tilespmem:$0x1F980] =	vst v63  }
0x24: {  	_ = 	snop  }
0x25: {  	[tilespmem:s20], [sflag:$0x4] =	stream.indirect.gather [hbm4b:s6+s19], $0x80, s4, s19, $0xb8;
	[tilespmem:$0x1F980] =	vst v63  }
0x26: {  	s9 =	simm.s32 $0x80  }
0x27: {  	[tilespmem:s21], [sflag:$0x5] =	stream.indirect.gather [hbm4b:s6+s19], $0x80, s9, s19, $0xb8;
	[tilespmem:$0x1F980] =	vst v63  }
0x28: {  	s10 =	simm.s32 $0x100  }
0x29: {  	[tilespmem:s22], [sflag:$0x6] =	stream.indirect.gather [hbm4b:s6+s19], $0x80, s10, s19, $0xb8;
	[tilespmem:$0x1F980] =	vst v63  }
0x2a: {  	_ =	swait.ge [sflag:s23], $0x80  }
0x2b: {  	[sflag:s23] =	ssyncset.done $0x0  }
0x2c: {  	[sflag:s23] =	ssyncadd.s32 $0xFFFFFF80  }
0x2d: {  	_ =	swait.ge [sflag:s24], $0x2800  }
0x2e: {  	[sflag:s24] =	ssyncset.done $0x0  }
0x2f: {  	[sflag:s24] =	ssyncadd.s32 $0xFFFFD800  }
0x30: {  	[spmem:s2] =	stream.indirect.scatter.add.f32 [tilespmem:s20], [sflag:$0x7], $0x80, s16, s19, $0xb8;
	[tilespmem:$0x1F980] =	vst v63  }
0x31: {  	_ =	swait.ge [sflag:s15], $0x2800  }
0x32: {  	[sflag:s15] =	ssyncset.done $0x0  }
0x33: {  	[sflag:s15] =	ssyncadd.s32 $0xFFFFD800  }
0x34: {  	_ =	swait.ge [sflag:s25], $0x80  }
0x35: {  	[sflag:s25] =	ssyncset.done $0x0  }
0x36: {  	[sflag:s25] =	ssyncadd.s32 $0xFFFFFF80  }
0x37: {  	_ =	swait.ge [sflag:s26], $0x2800  }
0x38: {  	[sflag:s26] =	ssyncset.done $0x0  }
0x39: {  	[sflag:s26] =	ssyncadd.s32 $0xFFFFD800  }
0x3a: {  	[spmem:s2] =	stream.indirect.scatter.add.f32 [tilespmem:s21], [sflag:$0x7], $0x80, s17, s19, $0xb8;
	[tilespmem:$0x1F980] =	vst v63  }
0x3b: {  	_ =	swait.ge [sflag:s15], $0x2800  }
0x3c: {  	s11 =	simm.s32 $0x180;
	[sflag:s15] =	ssyncset.done $0x0  }
0x3d: {  	s30 =	simm.s32 $0x400;
	s1 =	simm.s32 $0x280;
	[sflag:s15] =	ssyncadd.s32 $0xFFFFD800  }
0x3e: {  	s31 =	sand.u32 $0x380, s1;
	s12 =	sand.u32 $0x7C00, s11;
	_ =	swait.ge [sflag:s28], $0x80  }
0x3f: {  	s9 =	sand.u32 $0x380, s11;
	s10 =	sadd.s32 s5, s12;
	[sflag:s28] =	ssyncset.done $0x0  }
0x40: {  	s3 =	simm.s32 $0x180;
	s9 =	sor.u32 s9, s10;
	[sflag:s28] =	ssyncadd.s32 $0xFFFFFF80  }
0x41: {  	s10 =	simm.s32 $0x200;
	s9 =	sshrl.u32 s9, $0x3;
	_ =	swait.ge [sflag:s29], $0x2800  }
.LBB2_2:
0x42: {  	s11 =	sand.u32 $0xFC00, s10  }
0x43: {  	s12 =	sand.u32 $0xFC00, s1;
	[sflag:s29] =	ssyncset.done $0x0;
	s1 =	smov.u32 s30  }
0x44: {  	s10 =	sand.u32 $0x380, s10;
	s11 =	sadd.s32 s5, s11;
	[sflag:s29] =	ssyncadd.s32 $0xFFFFD800  }
0x45: {  	[spmem:s2] =	stream.indirect.scatter.add.f32 [tilespmem:s22], [sflag:$0x7], $0x80, s18, s19, $0xb8;
	[tilespmem:$0x1F980] =	vst v63  }
0x46: {  	s9 =	sadd.s32 s7, s9;
	s10 =	sor.u32 s10, s11;
	_ =	swait.ge [sflag:s15], $0x2800  }
0x47: {  	s11 =	sadd.s32 s5, s12;
	s10 =	sshrl.u32 s10, $0x3;
	[sflag:s15] =	ssyncset.done $0x0  }
0x48: {  	s11 =	sor.u32 s31, s11;
	s10 =	sadd.s32 s7, s10;
	[sflag:s15] =	ssyncadd.s32 $0xFFFFD800  }
0x49: {  	[tilespmem:s16], [sflag:$0x1] =	stream.linear.gather [hbm4b:s9+s4], $0x80, $0x38;
	[tilespmem:$0x1F980] =	vst v63  }
0x4a: {  	p0 =	sne.s32 s30, $0x3D00;
	s30 =	sadd.s32 $0x180, s30;
	s9 =	sshrl.u32 s11, $0x3  }
0x4b: {  	[tilespmem:s17], [sflag:$0x2] =	stream.linear.gather [hbm4b:s10+s4], $0x80, $0x38;
	[tilespmem:$0x1F980] =	vst v63  }
0x4c: {  	s9 =	sadd.s32 s7, s9  }
0x4d: {  	[tilespmem:s18], [sflag:$0x3] =	stream.linear.gather [hbm4b:s9+s4], $0x80, $0x38;
	[tilespmem:$0x1F980] =	vst v63  }
0x4e: {  	s9 =	sadd.s32 $0x80, s3  }
0x4f: {  	[tilespmem:s20], [sflag:$0x4] =	stream.indirect.gather [hbm4b:s6+s19], $0x80, s3, s19, $0xb8;
	[tilespmem:$0x1F980] =	vst v63  }
0x50: {  	s10 =	sadd.s32 $0x100, s3  }
0x51: {  	[tilespmem:s21], [sflag:$0x5] =	stream.indirect.gather [hbm4b:s6+s19], $0x80, s9, s19, $0xb8;
	[tilespmem:$0x1F980] =	vst v63  }
0x52: {  	_ = 	snop  }
0x53: {  	[tilespmem:s22], [sflag:$0x6] =	stream.indirect.gather [hbm4b:s6+s19], $0x80, s10, s19, $0xb8;
	[tilespmem:$0x1F980] =	vst v63  }
0x54: {  	_ =	swait.ge [sflag:s23], $0x80  }
0x55: {  	[sflag:s23] =	ssyncset.done $0x0  }
0x56: {  	[sflag:s23] =	ssyncadd.s32 $0xFFFFFF80  }
0x57: {  	_ =	swait.ge [sflag:s24], $0x2800  }
0x58: {  	[sflag:s24] =	ssyncset.done $0x0  }
0x59: {  	[sflag:s24] =	ssyncadd.s32 $0xFFFFD800  }
0x5a: {  	[spmem:s2] =	stream.indirect.scatter.add.f32 [tilespmem:s20], [sflag:$0x7], $0x80, s16, s19, $0xb8;
	[tilespmem:$0x1F980] =	vst v63  }
0x5b: {  	_ =	swait.ge [sflag:s15], $0x2800  }
0x5c: {  	[sflag:s15] =	ssyncset.done $0x0  }
0x5d: {  	[sflag:s15] =	ssyncadd.s32 $0xFFFFD800  }
0x5e: {  	_ =	swait.ge [sflag:s25], $0x80  }
0x5f: {  	[sflag:s25] =	ssyncset.done $0x0  }
0x60: {  	[sflag:s25] =	ssyncadd.s32 $0xFFFFFF80  }
0x61: {  	_ =	swait.ge [sflag:s26], $0x2800  }
0x62: {  	[sflag:s26] =	ssyncset.done $0x0  }
0x63: {  	[sflag:s26] =	ssyncadd.s32 $0xFFFFD800  }
0x64: {  	[spmem:s2] =	stream.indirect.scatter.add.f32 [tilespmem:s21], [sflag:$0x7], $0x80, s17, s19, $0xb8;
	[tilespmem:$0x1F980] =	vst v63  }
0x65: {  	_ =	swait.ge [sflag:s15], $0x2800  }
0x66: {  	[sflag:s15] =	ssyncset.done $0x0  }
.Ltmp0:
0x67: {  	s9 =	sadd.s32 $0xFFFFFF00, s1;
	[sflag:s15] =	ssyncadd.s32 $0xFFFFD800;
	(pc) =	sbr.rel @p0 .LBB2_2-.Ltmp0, $4  }
0x68: {  	s3 =	sadd.s32 $0x180, s3;
	s10 =	sand.u32 $0x7C00, s9;
	_ =	swait.ge [sflag:s28], $0x80  }
0x69: {  	s9 =	sand.u32 $0x380, s9;
	s10 =	sadd.s32 s5, s10;
	[sflag:s28] =	ssyncset.done $0x0  }
0x6a: {  	s31 =	sand.u32 $0x380, s1;
	s9 =	sor.u32 s9, s10;
	[sflag:s28] =	ssyncadd.s32 $0xFFFFFF80  }
0x6b: {  	s10 =	sadd.s32 $0xFFFFFF80, s1;
	s9 =	sshrl.u32 s9, $0x3;
	_ =	swait.ge [sflag:s29], $0x2800  }
0x6c: {  	[sflag:s29] =	ssyncset.done $0x0  }
0x6d: {  	[sflag:s29] =	ssyncadd.s32 $0xFFFFD800  }
0x6e: {  	[spmem:s2] =	stream.indirect.scatter.add.f32 [tilespmem:s22], [sflag:$0x7], $0x80, s18, s19, $0xb8;
	[tilespmem:$0x1F980] =	vst v63  }
0x6f: {  	_ =	swait.ge [sflag:s15], $0x2800  }
0x70: {  	[sflag:s15] =	ssyncset.done $0x0  }
0x71: {  	s9 =	sadd.s32 s7, s9;
	s12 =	sand.u32 $0xFC00, s10;
	[sflag:s15] =	ssyncadd.s32 $0xFFFFD800  }
0x72: {  	[tilespmem:s16], [sflag:$0x1] =	stream.linear.gather [hbm4b:s9+s4], $0x80, $0x38;
	[tilespmem:$0x1F980] =	vst v63  }
0x73: {  	s30 =	sand.u32 $0x380, s10;
	s1 =	sand.u32 $0xFC00, s1;
	s9 =	sadd.s32 s5, s12  }
0x74: {  	s1 =	sadd.s32 s5, s1;
	s9 =	sor.u32 s30, s9  }
0x75: {  	s1 =	sor.u32 s31, s1;
	s9 =	sshrl.u32 s9, $0x3  }
0x76: {  	s1 =	sshrl.u32 s1, $0x3;
	s9 =	sadd.s32 s7, s9  }
0x77: {  	[tilespmem:s17], [sflag:$0x2] =	stream.linear.gather [hbm4b:s9+s4], $0x80, $0x38;
	[tilespmem:$0x1F980] =	vst v63  }
0x78: {  	s1 =	sadd.s32 s7, s1  }
0x79: {  	[tilespmem:s18], [sflag:$0x3] =	stream.linear.gather [hbm4b:s1+s4], $0x80, $0x38;
	[tilespmem:$0x1F980] =	vst v63  }
0x7a: {  	_ = 	snop  }
0x7b: {  	[tilespmem:s20], [sflag:$0x4] =	stream.indirect.gather [hbm4b:s6+s19], $0x80, s3, s19, $0xb8;
	[tilespmem:$0x1F980] =	vst v63  }
0x7c: {  	s31 =	sadd.s32 $0x80, s3  }
0x7d: {  	[tilespmem:s21], [sflag:$0x5] =	stream.indirect.gather [hbm4b:s6+s19], $0x80, s31, s19, $0xb8;
	[tilespmem:$0x1F980] =	vst v63  }
0x7e: {  	s9 =	sadd.s32 $0x100, s3  }
0x7f: {  	[tilespmem:s22], [sflag:$0x6] =	stream.indirect.gather [hbm4b:s6+s19], $0x80, s9, s19, $0xb8;
	[tilespmem:$0x1F980] =	vst v63  }
0x80: {  	_ =	swait.ge [sflag:s23], $0x80  }
0x81: {  	[sflag:s23] =	ssyncset.done $0x0  }
0x82: {  	[sflag:s23] =	ssyncadd.s32 $0xFFFFFF80  }
0x83: {  	_ =	swait.ge [sflag:s24], $0x2800  }
0x84: {  	[sflag:s24] =	ssyncset.done $0x0  }
0x85: {  	[sflag:s24] =	ssyncadd.s32 $0xFFFFD800  }
0x86: {  	[spmem:s2] =	stream.indirect.scatter.add.f32 [tilespmem:s20], [sflag:$0x7], $0x80, s16, s19, $0xb8;
	[tilespmem:$0x1F980] =	vst v63  }
0x87: {  	_ =	swait.ge [sflag:s15], $0x2800  }
0x88: {  	[sflag:s15] =	ssyncset.done $0x0  }
0x89: {  	[sflag:s15] =	ssyncadd.s32 $0xFFFFD800  }
0x8a: {  	_ =	swait.ge [sflag:s25], $0x80  }
0x8b: {  	[sflag:s25] =	ssyncset.done $0x0  }
0x8c: {  	[sflag:s25] =	ssyncadd.s32 $0xFFFFFF80  }
0x8d: {  	_ =	swait.ge [sflag:s26], $0x2800  }
0x8e: {  	[sflag:s26] =	ssyncset.done $0x0  }
0x8f: {  	[sflag:s26] =	ssyncadd.s32 $0xFFFFD800  }
0x90: {  	[spmem:s2] =	stream.indirect.scatter.add.f32 [tilespmem:s21], [sflag:$0x7], $0x80, s17, s19, $0xb8;
	[tilespmem:$0x1F980] =	vst v63  }
0x91: {  	_ =	swait.ge [sflag:s15], $0x2800  }
0x92: {  	[sflag:s15] =	ssyncset.done $0x0  }
0x93: {  	[sflag:s15] =	ssyncadd.s32 $0xFFFFD800  }
0x94: {  	_ =	swait.ge [sflag:s28], $0x80  }
0x95: {  	[sflag:s28] =	ssyncset.done $0x0  }
0x96: {  	[sflag:s28] =	ssyncadd.s32 $0xFFFFFF80  }
0x97: {  	_ =	swait.ge [sflag:s29], $0x2800  }
0x98: {  	[sflag:s29] =	ssyncset.done $0x0  }
0x99: {  	[sflag:s29] =	ssyncadd.s32 $0xFFFFD800  }
0x9a: {  	[spmem:s2] =	stream.indirect.scatter.add.f32 [tilespmem:s22], [sflag:$0x7], $0x80, s18, s19, $0xb8;
	[tilespmem:$0x1F980] =	vst v63  }
0x9b: {  	_ =	swait.ge [sflag:s15], $0x2800  }
0x9c: {  	[sflag:s15] =	ssyncset.done $0x0  }
0x9d: {  	s10 =	rddreg [dreg:$0x6];
	[sflag:s15] =	ssyncadd.s32 $0xFFFFD800  }
0x9e: {  	[tilespmem:s16], [sflag:$0x7] =	stream.linear.gather [hbm4b:s10+s4], $0x80, $0x38;
	[tilespmem:$0x1F980] =	vst v63  }
0x9f: {  	_ =	swait.ge [sflag:s15], $0x80  }
0xa0: {  	[sflag:s15] =	ssyncset.done $0x0  }
0xa1: {  	s11 =	simm.s32 $0x3D80;
	[sflag:s15] =	ssyncadd.s32 $0xFFFFFF80  }
0xa2: {  	[tilespmem:s20], [sflag:$0x7] =	stream.indirect.gather [hbm4b:s6+s19], $0x80, s11, s19, $0xb8;
	[tilespmem:$0x1F980] =	vst v63  }
0xa3: {  	_ =	swait.ge [sflag:s15], $0x2800  }
0xa4: {  	[sflag:s15] =	ssyncset.done $0x0  }
0xa5: {  	[sflag:s15] =	ssyncadd.s32 $0xFFFFD800  }
0xa6: {  	[spmem:s2] =	stream.indirect.scatter.add.f32 [tilespmem:s20], [sflag:$0x7], $0x80, s16, s19, $0xb8;
	[tilespmem:$0x1F980] =	vst v63  }
0xa7: {  	_ =	swait.ge [sflag:s15], $0x2800  }
0xa8: {  	[sflag:s15] =	ssyncset.done $0x0  }
0xa9: {  	[sflag:s15] =	ssyncadd.s32 $0xFFFFD800  }
0xaa: {  	[tilespmem:s16], [sflag:$0x7] =	stream.linear.gather [hbm4b:s13+s4], $0x80, $0x38;
	[tilespmem:$0x1F980] =	vst v63  }
0xab: {  	_ =	swait.ge [sflag:s15], $0x80  }
0xac: {  	[sflag:s15] =	ssyncset.done $0x0  }
0xad: {  	s12 =	simm.s32 $0x3E00;
	[sflag:s15] =	ssyncadd.s32 $0xFFFFFF80  }
0xae: {  	[tilespmem:s20], [sflag:$0x7] =	stream.indirect.gather [hbm4b:s6+s19], $0x80, s12, s19, $0xb8;
	[tilespmem:$0x1F980] =	vst v63  }
0xaf: {  	_ =	swait.ge [sflag:s15], $0x2800  }
0xb0: {  	[sflag:s15] =	ssyncset.done $0x0  }
0xb1: {  	[sflag:s15] =	ssyncadd.s32 $0xFFFFD800  }
0xb2: {  	[spmem:s2] =	stream.indirect.scatter.add.f32 [tilespmem:s20], [sflag:$0x7], $0x80, s16, s19, $0xb8;
	[tilespmem:$0x1F980] =	vst v63  }
0xb3: {  	_ =	swait.ge [sflag:s15], $0x2800  }
0xb4: {  	[sflag:s15] =	ssyncset.done $0x0  }
0xb5: {  	[sflag:s15] =	ssyncadd.s32 $0xFFFFD800  }
0xb6: {  	[bflag:$0x0] =	sbarrier.arrive $0xFFFF  }
0xb7: {  	s30 =	rddreg [dreg:$0x5]  }
0xb8: {  	[hbm:s30], [sflag:s8] =	dma.local [spmem:s14], $0x2800  }
0xb9: {  	_ =	swait.ge [sflag:s15], $0x2800  }
0xba: {  	s0 =	sadd.s32 $0x1, s0;
	s31 =	rddreg [dreg:$0x7]  }
0xbb: {  	p0 =	sne.s32 s0, s31  }
.Ltmp1:
0xbc: {  	_ = 	snop;
	(pc) =	sbr.rel @p0 .LBB2_1-.Ltmp1, $3  }
0xbd: {  	_ =	sdelay $0x1  }
0xbe: {  	[sflag:s15] =	ssyncset.done $0x0  }
0xbf: {  	[sflag:s15] =	ssyncadd.s32 $0xFFFFD800  }
0xc0: {  	_ =	sfence.sel $0x180000  }
0xc1: {  	[bflag:$0x0] =	sbarrier.arrive $0xFFFF  }
0xc2: {  	_ =	strace $0x9000004D  }
0xc3: {  	s0 =	stileid.u32;
	[bflag:$0x2] =	sbarrier.arrive $0xFFFF  }
0xc4: {  	p0 =	sne.s32 s0, $0x0;
	s0 =	rddreg [dreg:$0x3]  }
0xc5: {  	s0 =	sadd.s32 @!p0 $0x100000, s0  }
0xc6: {  	[sflag:s0] =	ssyncadd.tile.s32 @!p0 $0x1;
	_ =	shalt  }
.Lfunc_end2:
_tile_overlayer_lowered:
.L_overlay_start_2:
0xc7: {  	(tag) =	ssettag $0x2  }
0xc8: {  	s0 =	rddreg [dreg:$0x0];
	s2 =	stileid.u32  }
0xc9: {  	s1 =	rddreg [dreg:$0x1];
	p0 =	sne.s32 s2, $0x0  }
0xca: {  	s3 =	rddreg [dreg:$0x2];
	[bflag:$0x3] =	sbarrier.arrive $0xFFFF;
	s2 =	simm.s32 @!p0 $0x1C07  }
0xcb: {  	[timem:s3], [sflag:s2] =	dma.local @!p0 [hbm:s0], s1  }
0xcc: {  	s0 =	simm.s32 @!p0 $0x7  }
0xcd: {  	_ =	swait.ge @!p0 [sflag:s0], s1  }
0xce: {  	s1 =	ssub.s32 @!p0 $0x0, s1;
	[sflag:s0] =	ssyncset.done @!p0 $0x0  }
0xcf: {  	[sflag:s0] =	ssyncadd.s32 @!p0 s1  }
0xd0: {  	[bflag:$0x3] =	sbarrier.arrive $0xFFFF  }
0xd1: {  	_ =	shalt  }

// kernel: kernel.18.cloned.1.call-start
scs
__scs_entry_jumppad:
0x0: {  	(pc) =	sbr.rel $0x88, $3  }
0x1: {  	(tag) =	ssettag $0x0;
	lr =	simm.s32 $0x1  }
0x2: {  	[smem:$0x3F94] =	sst lr;
	_ =	strace $0xD0000000  }
0x3: {  	_ = 	snop  }
0x4: {  	_ = 	snop  }
0x5: {  	_ = 	snop  }
0x6: {  	_ = 	snop  }
0x7: {  	_ = 	snop  }
__scs_overlays_trampoline_lowered:
0x8: {  	[smem:$0x3FA3] =	sst s0  }
0x9: {  	[smem:$0x3FA4] =	sst s1  }
0xa: {  	[smem:$0x3FA5] =	sst s2  }
0xb: {  	[smem:$0x3FA6] =	sst s3  }
0xc: {  	[smem:$0x3FA7] =	sst s4  }
0xd: {  	[smem:$0x3FA8] =	sst s5  }
0xe: {  	[smem:$0x3FA9] =	sst s6  }
0xf: {  	[smem:$0x3FAA] =	sst s7  }
0x10: {  	[smem:$0x3FAB] =	sst s8  }
0x11: {  	[smem:$0x3FAC] =	sst s9;
	s0 =	simm.s32 @!p0 $0x0  }
0x12: {  	s1 =	sld [smem:$0x3F92];
	s0 =	simm.s32 @p0 $0x1  }
0x13: {  	[smem:$0x3FAD] =	sst s0;
	s0 =	simm.s32 @!p1 $0x0  }
0x14: {  	s2 =	sld [smem:$0x3F91];
	s0 =	simm.s32 @p1 $0x1  }
0x15: {  	[smem:$0x3FAE] =	sst s0;
	s0 =	simm.s32 @!p2 $0x0  }
0x16: {  	s3 =	sld [smem:$0x3FDB];
	s0 =	simm.s32 @p2 $0x1  }
0x17: {  	s4 =	simm.s32 $0x1BF5;
	[smem:$0x3FB0] =	sst s0  }
0x18: {  	s0 =	sld [smem:$0x3F93];
	_ =	swait.ge [sflag:s4], $0x0  }
0x19: {  	s7 =	sld [smem:$0x3F94]  }
0x1a: {  	s8 =	sadd.s32 $0xFFFFE003, lr  }
0x1b: {  	s9 =	sadd.s32 $0xFFFFFEF7, lr;
	s5 =	simm.s32 $0xFFFFFFFF;
	p2 =	slt.u32 s8, $0xFFFFF086  }
0x1c: {  	p1 =	slt.u32 s9, $0xF7A;
	s5 =	simm.s32 @!p2 $0x0  }
0x1d: {  	s5 =	simm.s32 @p1 $0x1;
	p0 =	seq.s32 s7, s2  }
0x1e: {  	s7 =	smul.u32 @!p0 $0xF7A, s2;
	p2 =	seq.s32 @!p0 s5, $0x0  }
0x1f: {  	s9 =	smul.u32 $0xF7A, s1;
	s8 =	simm.s32 @!p0 $0x1BF5;
	p2 =	por !p2, p0  }
0x20: {  	[sflag:s8] =	ssyncset.s32 @!p0 $0xFFFFF086;
	s6 =	sadd.s32 @!p0 s3, s7;
	s7 =	simm.s32 @!p0 $0x108  }
0x21: {  	s3 =	sadd.s32 s3, s9;
	s6 =	sadd.s32 @!p0 $0x88, s6;
	s7 =	simm.s32 @p2 $0x1082  }
0x22: {  	[simem:s7], [sflag:s8] =	dma.local @!p0 [hbm:s6], $0xF7A  }
0x23: {  	s9 =	sor.u32 $0xD0000000, s2;
	s6 =	simm.s32 $0x108;
	_ =	swait.ge @!p0 [sflag:s8], $0x0  }
0x24: {  	s3 =	sadd.s32 $0x88, s3;
	s6 =	simm.s32 @!p1 $0x1082;
	[sflag:s4] =	ssyncset.s32 $0xFFFFF086  }
0x25: {  	[simem:s6], [sflag:s4] =	dma.local [hbm:s3], $0xF7A  }
0x26: {  	[smem:$0x3F94] =	sst s1;
	(tag) =	ssettag s2;
	_ =	strace s9  }
0x27: {  	s1 =	sld [smem:$0x3FA4]  }
0x28: {  	s2 =	sld [smem:$0x3FA5]  }
0x29: {  	s4 =	sld [smem:$0x3FA7]  }
0x2a: {  	p0 =	seq.s32 s5, $0x0;
	s5 =	sld [smem:$0x3FA8]  }
0x2b: {  	s6 =	sld [smem:$0x3FA9]  }
0x2c: {  	s7 =	sld [smem:$0x3FAA]  }
0x2d: {  	s3 =	simm.s32 $0x108;
	s8 =	sld [smem:$0x3FAB]  }
0x2e: {  	s3 =	simm.s32 @!p0 $0x1082;
	s9 =	sld [smem:$0x3FAC]  }
0x2f: {  	lr =	sadd.s32 s0, s3;
	s0 =	sld [smem:$0x3FA3]  }
0x30: {  	s3 =	sld [smem:$0x3FA6]  }
0x31: {  	[smem:$0x3FAF] =	sst s10  }
0x32: {  	s10 =	sld [smem:$0x3FAD];
	_ =	sdelay $0x3  }
0x33: {  	p0 =	seq.s32 s10, $0x1;
	s10 =	sld [smem:$0x3FAF];
	_ =	sdelay $0x3  }
0x34: {  	[smem:$0x3FAF] =	sst s10  }
0x35: {  	s10 =	sld [smem:$0x3FAE];
	_ =	sdelay $0x3  }
0x36: {  	p1 =	seq.s32 s10, $0x1;
	s10 =	sld [smem:$0x3FAF];
	_ =	sdelay $0x3  }
0x37: {  	[smem:$0x3FAF] =	sst s10  }
0x38: {  	s10 =	sld [smem:$0x3FB0]  }
0x39: {  	_ = 	snop;
	(pc) =	sbr.ind lr, $3  }
0x3a: {  	_ = 	snop  }
0x3b: {  	_ = 	snop  }
0x3c: {  	p2 =	seq.s32 s10, $0x1;
	s10 =	sld [smem:$0x3FAF]  }
0x3d: {  	_ =	shalt  }
0x3e: {  	_ =	shalt  }
0x3f: {  	_ =	shalt  }
0x40: {  	_ =	shalt  }
0x41: {  	_ =	shalt  }
0x42: {  	_ =	shalt  }
0x43: {  	_ =	shalt  }
0x44: {  	_ =	shalt  }
0x45: {  	_ =	shalt  }
0x46: {  	_ =	shalt  }
0x47: {  	_ =	shalt  }
0x48: {  	_ =	shalt  }
0x49: {  	_ =	shalt  }
0x4a: {  	_ =	shalt  }
0x4b: {  	_ =	shalt  }
0x4c: {  	_ =	shalt  }
0x4d: {  	_ =	shalt  }
0x4e: {  	_ =	shalt  }
0x4f: {  	_ =	shalt  }
0x50: {  	_ =	shalt  }
0x51: {  	_ =	shalt  }
0x52: {  	_ =	shalt  }
0x53: {  	_ =	shalt  }
0x54: {  	_ =	shalt  }
0x55: {  	_ =	shalt  }
0x56: {  	_ =	shalt  }
0x57: {  	_ =	shalt  }
0x58: {  	_ =	shalt  }
0x59: {  	_ =	shalt  }
0x5a: {  	_ =	shalt  }
0x5b: {  	_ =	shalt  }
0x5c: {  	_ =	shalt  }
0x5d: {  	_ =	shalt  }
0x5e: {  	_ =	shalt  }
0x5f: {  	_ =	shalt  }
0x60: {  	_ =	shalt  }
0x61: {  	_ =	shalt  }
0x62: {  	_ =	shalt  }
0x63: {  	_ =	shalt  }
0x64: {  	_ =	shalt  }
0x65: {  	_ =	shalt  }
0x66: {  	_ =	shalt  }
0x67: {  	_ =	shalt  }
0x68: {  	_ =	shalt  }
0x69: {  	_ =	shalt  }
0x6a: {  	_ =	shalt  }
0x6b: {  	_ =	shalt  }
0x6c: {  	_ =	shalt  }
0x6d: {  	_ =	shalt  }
0x6e: {  	_ =	shalt  }
0x6f: {  	_ =	shalt  }
0x70: {  	_ =	shalt  }
0x71: {  	_ =	shalt  }
0x72: {  	_ =	shalt  }
0x73: {  	_ =	shalt  }
0x74: {  	_ =	shalt  }
0x75: {  	_ =	shalt  }
0x76: {  	_ =	shalt  }
0x77: {  	_ =	shalt  }
0x78: {  	_ =	shalt  }
0x79: {  	_ =	shalt  }
0x7a: {  	_ =	shalt  }
0x7b: {  	_ =	shalt  }
0x7c: {  	_ =	shalt  }
0x7d: {  	_ =	shalt  }
0x7e: {  	_ =	shalt  }
0x7f: {  	_ =	shalt  }
0x80: {  	_ =	shalt  }
0x81: {  	_ =	shalt  }
0x82: {  	_ =	shalt  }
0x83: {  	_ =	shalt  }
0x84: {  	_ =	shalt  }
0x85: {  	_ =	shalt  }
0x86: {  	_ =	shalt  }
0x87: {  	_ =	shalt  }
.Lfunc_end0:
.L_simem_size_0:
called_computation.3_lowered:
.L_overlay_start_0:
0x88: {  	s2 =	sld [smem:$0x3FD9]  }
0x89: {  	s3 =	sld [smem:$0x3FFE];
	_ =	sdelay $0x1  }
0x8a: {  	s1 =	srdreg.scid  }
0x8b: {  	s0 =	sand.u32 $0x1, s1  }
0x8c: {  	s16 =	sshll.u32 s0, $0xA;
	s2 =	sadd.s32 s3, s2  }
0x8d: {  	s2 =	sadd.s32 s2, s16  }
0x8e: {  	[smem:$0x3FBB] =	sst s2  }
0x8f: {  	_ = 	snop  }
0x90: {  	(tm) =	ssettm $0x1  }
0x91: {  	s17 =	sld [smem:$0x3FFB];
	_ =	sdelay $0x3  }
0x92: {  	_ =	strace s17  }
0x93: {  	s2 =	sld [smem:$0x3FFC];
	_ =	sdelay $0x3  }
0x94: {  	_ =	strace s2  }
0x95: {  	s2 =	sld [smem:$0x3FFD];
	_ =	sdelay $0x3  }
0x96: {  	_ =	strace s2  }
0x97: {  	_ =	strace $0x8FFFFFFF  }
0x98: {  	s18 =	sld [smem:$0x3FDB];
	_ =	sdelay $0x1  }
0x99: {  	s19 =	simm.s32 $_scs_section_size  }
0x9a: {  	s4 =	simm.s32 $_size__tile_overlayer_lowered;
	s5 =	simm.s32 $_tile_overlayer_lowered  }
0x9b: {  	s22 =	simm.s32 $0x1BFF;
	s21 =	sshll.u32 s5, $0x1;
	s2 =	sadd.s32 s19, s18  }
0x9c: {  	s6 =	simm.s32 $0x0;
	s20 =	sshll.u32 s4, $0x1;
	s4 =	sadd.s32 s21, s2  }
0x9d: {  	[timem:s6], [sflag:s22] =	dma.local [hbm:s4], s20  }
0x9e: {  	_ =	swait.ge [sflag:s22], s20  }
0x9f: {  	s3 =	ssub.s32 $0x0, s20;
	[sflag:s22] =	ssyncset.done $0x0  }
0xa0: {  	[sflag:s22] =	ssyncadd.s32 s3;
	_ =	sdelay $0x1  }
0xa1: {  	s23 =	simm.s32 $0x1B8B  }
0xa2: {  	_ =	swait.ge [sflag:s23], $0x1  }
0xa3: {  	[sflag:s23] =	ssyncset.done $0x0  }
0xa4: {  	s25 =	simm.s32 $0x1B8E;
	s24 =	sld [smem:$0x3FFE];
	[sflag:s23] =	ssyncadd.s32 $0xFFFFFFFF  }
0xa5: {  	s26 =	simm.s32 $execute0_lowered;
	[smem:$0x3FD2] =	sst s25  }
0xa6: {  	s4 =	sshll.u32 s26, $0x1;
	_ =	strace $0x8000004F;
	[dreg:$0x1] =	wrdreg $0xFFFFFFFF  }
0xa7: {  	s28 =	simm.s32 $_size_execute0_lowered;
	s2 =	sadd.s32 s2, s4;
	[dreg:$0x0] =	wrdreg $0x0  }
0xa8: {  	s4 =	sshll.u32 s28, $0x1;
	[dreg:$0x2] =	wrdreg s2  }
0xa9: {  	[dreg:$0x3] =	wrdreg s4  }
0xaa: {  	[dreg:$0x4] =	wrdreg $0xC0  }
0xab: {  	_ =	task [dreg:s6], $0x5FFFF  }
0xac: {  	[dreg:$0x1] =	wrdreg $0xFFFFFFFF  }
0xad: {  	[dreg:$0x0] =	wrdreg $0x60  }
0xae: {  	[dreg:$0x2] =	wrdreg s24  }
0xaf: {  	[dreg:$0x3] =	wrdreg $0x9  }
0xb0: {  	_ =	task.clear_ibuf [dreg:s6], $0x4FFFF;
	_ =	strace $0x9000004F  }
0xb1: {  	s29 =	simm.s32 $0x9;
	_ =	strace $0x80000051  }
0xb2: {  	_ =	swait.ge [sflag:s29], $0x1  }
0xb3: {  	[sflag:s29] =	ssyncadd.s32 $0xFFFFFFFF  }
0xb4: {  	_ =	strace $0x90000051  }
0xb5: {  	_ =	sfence  }
0xb6: {  	s30 =	sld [smem:$0x0];
	_ =	sdelay $0x2  }
0xb7: {  	s31 =	sshll.u32 s1, $0xD;
	s1 =	sshrl.u32 s1, $0x2  }
0xb8: {  	s3 =	sand.u32 $0x4000, s31;
	s1 =	sadd.s32 s1, s30  }
0xb9: {  	s0 =	sor.u32 s3, s0;
	s1 =	sshll.u32 s1, $0x11  }
0xba: {  	s0 =	sor.u32 s1, s0  }
0xbb: {  	s0 =	sadd.s32 $0x8F2B, s0  }
0xbc: {  	[sflag:s0] =	ssyncadd.remote.s32 $0x1  }
0xbd: {  	_ =	sfence.sel $0xFFFF  }
0xbe: {  	[dreg:$0x0] =	wrdreg $0xFFFFFFFF;
	(pc) =	sbr.abs _section_cstart, $3  }
0xbf: {  	[dreg:$0x1] =	wrdreg $0xFFFFFFFF  }
0xc0: {  	_ =	task.clear_ibuf [dreg:s6], $0x2FFFF;
	_ =	strace $0x9FFFFFFF  }
0xc1: {  	(tm) =	ssettm $0x7FFFFFFF  }
tec
execute0_lowered:
.L_overlay_start_1:
0x0: {  	(tag) =	ssettag $0x1  }
0x1: {  	s1 =	srdreg.scid  }
0x2: {  	s0 =	stileid.u32;
	s4 =	rddreg [dreg:$0x0]  }
0x3: {  	s2 =	simm.s32 $0x0;
	s10 =	simm.s32 $0x5C00;
	s11 =	simm.s32 $0x9C00  }
0x4: {  	s12 =	simm.s32 $0xDC00;
	s13 =	simm.s32 $0x11C00;
	s14 =	simm.s32 $0x15C00  }
0x5: {  	s15 =	simm.s32 $0x1;
	s16 =	simm.s32 $0x2;
	s17 =	simm.s32 $0x3  }
0x6: {  	s18 =	simm.s32 $0x4;
	s19 =	simm.s32 $0x5;
	s20 =	simm.s32 $0x6  }
0x7: {  	s21 =	simm.s32 $0x7;
	s22 =	simm.s32 $0x8;
	s23 =	simm.s32 $0x9  }
0x8: {  	s24 =	simm.s32 $0xA;
	s25 =	simm.s32 $0xB;
	s26 =	simm.s32 $0xC  }
0x9: {  	s29 =	simm.s32 $0x0;
	s1 =	sand.u32 $0x1, s1;
	s3 =	sshll.u32 s0, $0x1  }
0xa: {  	[smem:$0x7FF] =	sst s2;
	s8 =	smul.u32 $0x31000, s0;
	s5 =	sor.u32 s1, s3  }
0xb: {  	_ =	strace $0x80000050;
	s7 =	ssub.s32 $0x2, s1;
	s6 =	smul.u32 $0x380, s5  }
0xc: {  	s3 =	sadd.s32 $0x19000, s4;
	s5 =	smul.u32 $0xC4000, s5;
	s9 =	sshrl.u32 s7, $0x1  }
0xd: {  	s1 =	smul.u32 $0x18800, s1;
	s7 =	ssub.s32 s7, s9;
	s9 =	simm.s32 $0x1C00  }
0xe: {  	s6 =	sadd.s32 s6, s4;
	s4 =	sadd.s32 $0x67200, s4;
	s5 =	sshrl.u32 s5, $0x3  }
0xf: {  	s5 =	sadd.s32 s4, s5;
	s8 =	sadd.s32 s8, s4;
	s4 =	sadd.s32 $0x12000, s6  }
0x10: {  	s6 =	smax.u32 s7, $0x1;
	s7 =	simm.s32 $0xD;
	s1 =	sadd.s32 s1, s8  }
0x11: {  	s5 =	sadd.s32 $0x18000, s5;
	s8 =	simm.s32 $0x80;
	[dreg:$0x2] =	wrdreg s1  }
.LBB2_1:
0x12: {  	[tilespmem:s2], [sflag:$0xD] =	stream.linear.gather [hbm4b:s4+s2], $0x1880, $0x38;
	[tilespmem:$0x19C00] =	vst v63  }
0x13: {  	_ =	swait.ge [sflag:s7], $0x1880  }
0x14: {  	[sflag:s7] =	ssyncset.done $0x0  }
0x15: {  	s1 =	simm.s32 $0x0;
	[sflag:s7] =	ssyncadd.s32 $0xFFFFE780  }
0x16: {  	[tilespmem:s9], [sflag:$0x1] =	stream.indirect.gather [hbm4b:s3+s8], $0x80, s1, s8, $0xb8;
	[tilespmem:$0x19C00] =	vst v63  }
0x17: {  	s0 =	simm.s32 $0x80  }
0x18: {  	[tilespmem:s10], [sflag:$0x2] =	stream.indirect.gather [hbm4b:s3+s8], $0x80, s0, s8, $0xb8;
	[tilespmem:$0x19C00] =	vst v63  }
0x19: {  	s28 =	simm.s32 $0x100  }
0x1a: {  	[tilespmem:s11], [sflag:$0x3] =	stream.indirect.gather [hbm4b:s3+s8], $0x80, s28, s8, $0xb8;
	[tilespmem:$0x19C00] =	vst v63  }
0x1b: {  	s0 =	simm.s32 $0x180  }
0x1c: {  	[tilespmem:s12], [sflag:$0x4] =	stream.indirect.gather [hbm4b:s3+s8], $0x80, s0, s8, $0xb8;
	[tilespmem:$0x19C00] =	vst v63  }
0x1d: {  	s28 =	simm.s32 $0x200  }
0x1e: {  	[tilespmem:s13], [sflag:$0x5] =	stream.indirect.gather [hbm4b:s3+s8], $0x80, s28, s8, $0xb8;
	[tilespmem:$0x19C00] =	vst v63  }
0x1f: {  	s0 =	simm.s32 $0x280  }
0x20: {  	[tilespmem:s14], [sflag:$0x6] =	stream.indirect.gather [hbm4b:s3+s8], $0x80, s0, s8, $0xb8;
	[tilespmem:$0x19C00] =	vst v63  }
0x21: {  	_ =	swait.ge [sflag:s15], $0x4000  }
0x22: {  	s28 =	rddreg [dreg:$0x2];
	[sflag:s15] =	ssyncset.done $0x0  }
0x23: {  	[sflag:s15] =	ssyncadd.s32 $0xFFFFC000;
	s1 =	sadd.s32 $0x0, s28  }
0x24: {  	[hbm4b:s1+s2] =	stream.linear.scatter [tilespmem:s9], [sflag:$0x7], $0x4000, $0x38;
	[tilespmem:$0x19C00] =	vst v63  }
0x25: {  	_ =	swait.ge [sflag:s16], $0x4000  }
0x26: {  	[sflag:s16] =	ssyncset.done $0x0  }
0x27: {  	s30 =	sadd.s32 $0x800, s1;
	[sflag:s16] =	ssyncadd.s32 $0xFFFFC000  }
0x28: {  	[hbm4b:s30+s2] =	stream.linear.scatter [tilespmem:s10], [sflag:$0x8], $0x4000, $0x38;
	[tilespmem:$0x19C00] =	vst v63  }
0x29: {  	_ =	swait.ge [sflag:s17], $0x4000  }
0x2a: {  	[sflag:s17] =	ssyncset.done $0x0  }
0x2b: {  	s30 =	sadd.s32 $0x1000, s1;
	[sflag:s17] =	ssyncadd.s32 $0xFFFFC000  }
0x2c: {  	[hbm4b:s30+s2] =	stream.linear.scatter [tilespmem:s11], [sflag:$0x9], $0x4000, $0x38;
	[tilespmem:$0x19C00] =	vst v63  }
0x2d: {  	_ =	swait.ge [sflag:s18], $0x4000  }
0x2e: {  	[sflag:s18] =	ssyncset.done $0x0  }
0x2f: {  	s30 =	sadd.s32 $0x1800, s1;
	[sflag:s18] =	ssyncadd.s32 $0xFFFFC000  }
0x30: {  	[hbm4b:s30+s2] =	stream.linear.scatter [tilespmem:s12], [sflag:$0xA], $0x4000, $0x38;
	[tilespmem:$0x19C00] =	vst v63  }
0x31: {  	_ =	swait.ge [sflag:s19], $0x4000  }
0x32: {  	[sflag:s19] =	ssyncset.done $0x0  }
0x33: {  	s30 =	sadd.s32 $0x2000, s1;
	[sflag:s19] =	ssyncadd.s32 $0xFFFFC000  }
0x34: {  	[hbm4b:s30+s2] =	stream.linear.scatter [tilespmem:s13], [sflag:$0xB], $0x4000, $0x38;
	[tilespmem:$0x19C00] =	vst v63  }
0x35: {  	_ =	swait.ge [sflag:s20], $0x4000  }
0x36: {  	[sflag:s20] =	ssyncset.done $0x0  }
0x37: {  	s1 =	sadd.s32 $0x2800, s1;
	[sflag:s20] =	ssyncadd.s32 $0xFFFFC000  }
0x38: {  	[hbm4b:s1+s2] =	stream.linear.scatter [tilespmem:s14], [sflag:$0xC], $0x4000, $0x38;
	[tilespmem:$0x19C00] =	vst v63  }
0x39: {  	_ =	swait.ge [sflag:s21], $0x4000  }
0x3a: {  	[sflag:s21] =	ssyncset.done $0x0  }
0x3b: {  	[sflag:s21] =	ssyncadd.s32 $0xFFFFC000  }
0x3c: {  	_ =	swait.ge [sflag:s22], $0x4000  }
0x3d: {  	[sflag:s22] =	ssyncset.done $0x0  }
0x3e: {  	[sflag:s22] =	ssyncadd.s32 $0xFFFFC000  }
0x3f: {  	_ =	swait.ge [sflag:s23], $0x4000  }
0x40: {  	[sflag:s23] =	ssyncset.done $0x0  }
0x41: {  	[sflag:s23] =	ssyncadd.s32 $0xFFFFC000  }
0x42: {  	_ =	swait.ge [sflag:s24], $0x4000  }
0x43: {  	[sflag:s24] =	ssyncset.done $0x0  }
0x44: {  	[sflag:s24] =	ssyncadd.s32 $0xFFFFC000  }
0x45: {  	_ =	swait.ge [sflag:s25], $0x4000  }
0x46: {  	[sflag:s25] =	ssyncset.done $0x0  }
0x47: {  	[sflag:s25] =	ssyncadd.s32 $0xFFFFC000  }
0x48: {  	s31 =	simm.s32 $0x580;
	_ =	swait.ge [sflag:s26], $0x4000  }
0x49: {  	s30 =	simm.s32 $0x3000;
	s1 =	simm.s32 $0x6000;
	[sflag:s26] =	ssyncset.done $0x0  }
.LBB2_2:
0x4a: {  	s0 =	sadd.s32 $0xFFFFFD80, s31;
	[sflag:s26] =	ssyncadd.s32 $0xFFFFC000  }
0x4b: {  	[tilespmem:s9], [sflag:$0x1] =	stream.indirect.gather [hbm4b:s3+s8], $0x80, s0, s8, $0xb8;
	[tilespmem:$0x19C00] =	vst v63  }
0x4c: {  	s0 =	sadd.s32 $0xFFFFFE00, s31  }
0x4d: {  	[tilespmem:s10], [sflag:$0x2] =	stream.indirect.gather [hbm4b:s3+s8], $0x80, s0, s8, $0xb8;
	[tilespmem:$0x19C00] =	vst v63  }
0x4e: {  	s0 =	sadd.s32 $0xFFFFFE80, s31  }
0x4f: {  	[tilespmem:s11], [sflag:$0x3] =	stream.indirect.gather [hbm4b:s3+s8], $0x80, s0, s8, $0xb8;
	[tilespmem:$0x19C00] =	vst v63  }
0x50: {  	s0 =	sadd.s32 $0xFFFFFF00, s31  }
0x51: {  	[tilespmem:s12], [sflag:$0x4] =	stream.indirect.gather [hbm4b:s3+s8], $0x80, s0, s8, $0xb8;
	[tilespmem:$0x19C00] =	vst v63  }
0x52: {  	s0 =	sadd.s32 $0xFFFFFF80, s31  }
0x53: {  	[tilespmem:s13], [sflag:$0x5] =	stream.indirect.gather [hbm4b:s3+s8], $0x80, s0, s8, $0xb8;
	[tilespmem:$0x19C00] =	vst v63  }
0x54: {  	_ = 	snop  }
0x55: {  	[tilespmem:s14], [sflag:$0x6] =	stream.indirect.gather [hbm4b:s3+s8], $0x80, s31, s8, $0xb8;
	[tilespmem:$0x19C00] =	vst v63  }
0x56: {  	_ =	swait.ge [sflag:s15], $0x4000  }
0x57: {  	s0 =	rddreg [dreg:$0x2];
	[sflag:s15] =	ssyncset.done $0x0  }
0x58: {  	[sflag:s15] =	ssyncadd.s32 $0xFFFFC000;
	s0 =	sadd.s32 s30, s0  }
0x59: {  	[hbm4b:s0+s2] =	stream.linear.scatter [tilespmem:s9], [sflag:$0x7], $0x4000, $0x38;
	[tilespmem:$0x19C00] =	vst v63  }
0x5a: {  	_ =	swait.ge [sflag:s16], $0x4000  }
0x5b: {  	s28 =	smov.u32 s1;
	[sflag:s16] =	ssyncset.done $0x0  }
0x5c: {  	s30 =	smov.u32 s28;
	s28 =	sadd.s32 $0x800, s0;
	[sflag:s16] =	ssyncadd.s32 $0xFFFFC000  }
0x5d: {  	[hbm4b:s28+s2] =	stream.linear.scatter [tilespmem:s10], [sflag:$0x8], $0x4000, $0x38;
	[tilespmem:$0x19C00] =	vst v63  }
0x5e: {  	_ =	swait.ge [sflag:s17], $0x4000  }
0x5f: {  	[sflag:s17] =	ssyncset.done $0x0  }
0x60: {  	s28 =	sadd.s32 $0x1000, s0;
	[sflag:s17] =	ssyncadd.s32 $0xFFFFC000  }
0x61: {  	[hbm4b:s28+s2] =	stream.linear.scatter [tilespmem:s11], [sflag:$0x9], $0x4000, $0x38;
	[tilespmem:$0x19C00] =	vst v63  }
0x62: {  	_ =	swait.ge [sflag:s18], $0x4000  }
0x63: {  	[sflag:s18] =	ssyncset.done $0x0  }
0x64: {  	s28 =	sadd.s32 $0x1800, s0;
	[sflag:s18] =	ssyncadd.s32 $0xFFFFC000  }
0x65: {  	[hbm4b:s28+s2] =	stream.linear.scatter [tilespmem:s12], [sflag:$0xA], $0x4000, $0x38;
	[tilespmem:$0x19C00] =	vst v63  }
0x66: {  	_ =	swait.ge [sflag:s19], $0x4000  }
0x67: {  	[sflag:s19] =	ssyncset.done $0x0  }
0x68: {  	s28 =	sadd.s32 $0x2000, s0;
	[sflag:s19] =	ssyncadd.s32 $0xFFFFC000  }
0x69: {  	[hbm4b:s28+s2] =	stream.linear.scatter [tilespmem:s13], [sflag:$0xB], $0x4000, $0x38;
	[tilespmem:$0x19C00] =	vst v63  }
0x6a: {  	_ =	swait.ge [sflag:s20], $0x4000  }
0x6b: {  	[sflag:s20] =	ssyncset.done $0x0  }
0x6c: {  	s0 =	sadd.s32 $0x2800, s0;
	[sflag:s20] =	ssyncadd.s32 $0xFFFFC000  }
0x6d: {  	[hbm4b:s0+s2] =	stream.linear.scatter [tilespmem:s14], [sflag:$0xC], $0x4000, $0x38;
	[tilespmem:$0x19C00] =	vst v63  }
0x6e: {  	_ =	swait.ge [sflag:s21], $0x4000  }
0x6f: {  	[sflag:s21] =	ssyncset.done $0x0  }
0x70: {  	[sflag:s21] =	ssyncadd.s32 $0xFFFFC000  }
0x71: {  	_ =	swait.ge [sflag:s22], $0x4000  }
0x72: {  	[sflag:s22] =	ssyncset.done $0x0  }
0x73: {  	[sflag:s22] =	ssyncadd.s32 $0xFFFFC000  }
0x74: {  	_ =	swait.ge [sflag:s23], $0x4000  }
0x75: {  	[sflag:s23] =	ssyncset.done $0x0  }
0x76: {  	[sflag:s23] =	ssyncadd.s32 $0xFFFFC000  }
0x77: {  	_ =	swait.ge [sflag:s24], $0x4000  }
0x78: {  	[sflag:s24] =	ssyncset.done $0x0  }
0x79: {  	p0 =	sne.s32 s1, $0x15000;
	[sflag:s24] =	ssyncadd.s32 $0xFFFFC000  }
.Ltmp0:
0x7a: {  	_ =	swait.ge [sflag:s25], $0x4000;
	(pc) =	sbr.rel @p0 .LBB2_2-.Ltmp0, $4  }
0x7b: {  	[sflag:s25] =	ssyncset.done $0x0  }
0x7c: {  	[sflag:s25] =	ssyncadd.s32 $0xFFFFC000  }
0x7d: {  	_ =	swait.ge [sflag:s26], $0x4000  }
0x7e: {  	s1 =	sadd.s32 $0x3000, s1;
	s31 =	sadd.s32 $0x300, s31;
	[sflag:s26] =	ssyncset.done $0x0  }
0x7f: {  	s0 =	sadd.s32 $0xFFFFFD80, s31;
	[sflag:s26] =	ssyncadd.s32 $0xFFFFC000  }
0x80: {  	[tilespmem:s9], [sflag:$0x1] =	stream.indirect.gather [hbm4b:s3+s8], $0x80, s0, s8, $0xb8;
	[tilespmem:$0x19C00] =	vst v63  }
0x81: {  	s28 =	sadd.s32 $0xFFFFFE00, s31  }
0x82: {  	[tilespmem:s10], [sflag:$0x2] =	stream.indirect.gather [hbm4b:s3+s8], $0x80, s28, s8, $0xb8;
	[tilespmem:$0x19C00] =	vst v63  }
0x83: {  	s1 =	sadd.s32 $0xFFFFFE80, s31  }
0x84: {  	[tilespmem:s11], [sflag:$0x3] =	stream.indirect.gather [hbm4b:s3+s8], $0x80, s1, s8, $0xb8;
	[tilespmem:$0x19C00] =	vst v63  }
0x85: {  	s28 =	sadd.s32 $0xFFFFFF00, s31  }
0x86: {  	[tilespmem:s12], [sflag:$0x4] =	stream.indirect.gather [hbm4b:s3+s8], $0x80, s28, s8, $0xb8;
	[tilespmem:$0x19C00] =	vst v63  }
0x87: {  	s1 =	sadd.s32 $0xFFFFFF80, s31  }
0x88: {  	[tilespmem:s13], [sflag:$0x5] =	stream.indirect.gather [hbm4b:s3+s8], $0x80, s1, s8, $0xb8;
	[tilespmem:$0x19C00] =	vst v63  }
0x89: {  	_ = 	snop  }
0x8a: {  	[tilespmem:s14], [sflag:$0x6] =	stream.indirect.gather [hbm4b:s3+s8], $0x80, s31, s8, $0xb8;
	[tilespmem:$0x19C00] =	vst v63  }
0x8b: {  	_ =	swait.ge [sflag:s15], $0x4000  }
0x8c: {  	s28 =	rddreg [dreg:$0x2];
	[sflag:s15] =	ssyncset.done $0x0  }
0x8d: {  	[sflag:s15] =	ssyncadd.s32 $0xFFFFC000;
	s0 =	sadd.s32 s30, s28  }
0x8e: {  	[hbm4b:s0+s2] =	stream.linear.scatter [tilespmem:s9], [sflag:$0x7], $0x4000, $0x38;
	[tilespmem:$0x19C00] =	vst v63  }
0x8f: {  	_ =	swait.ge [sflag:s16], $0x4000  }
0x90: {  	[sflag:s16] =	ssyncset.done $0x0  }
0x91: {  	s1 =	sadd.s32 $0x800, s0;
	[sflag:s16] =	ssyncadd.s32 $0xFFFFC000  }
0x92: {  	[hbm4b:s1+s2] =	stream.linear.scatter [tilespmem:s10], [sflag:$0x8], $0x4000, $0x38;
	[tilespmem:$0x19C00] =	vst v63  }
0x93: {  	_ =	swait.ge [sflag:s17], $0x4000  }
0x94: {  	[sflag:s17] =	ssyncset.done $0x0  }
0x95: {  	s31 =	sadd.s32 $0x1000, s0;
	[sflag:s17] =	ssyncadd.s32 $0xFFFFC000  }
0x96: {  	[hbm4b:s31+s2] =	stream.linear.scatter [tilespmem:s11], [sflag:$0x9], $0x4000, $0x38;
	[tilespmem:$0x19C00] =	vst v63  }
0x97: {  	_ =	swait.ge [sflag:s18], $0x4000  }
0x98: {  	[sflag:s18] =	ssyncset.done $0x0  }
0x99: {  	s28 =	sadd.s32 $0x1800, s0;
	[sflag:s18] =	ssyncadd.s32 $0xFFFFC000  }
0x9a: {  	[hbm4b:s28+s2] =	stream.linear.scatter [tilespmem:s12], [sflag:$0xA], $0x4000, $0x38;
	[tilespmem:$0x19C00] =	vst v63  }
0x9b: {  	_ =	swait.ge [sflag:s19], $0x4000  }
0x9c: {  	[sflag:s19] =	ssyncset.done $0x0  }
0x9d: {  	s30 =	sadd.s32 $0x2000, s0;
	[sflag:s19] =	ssyncadd.s32 $0xFFFFC000  }
0x9e: {  	[hbm4b:s30+s2] =	stream.linear.scatter [tilespmem:s13], [sflag:$0xB], $0x4000, $0x38;
	[tilespmem:$0x19C00] =	vst v63  }
0x9f: {  	_ =	swait.ge [sflag:s20], $0x4000  }
0xa0: {  	[sflag:s20] =	ssyncset.done $0x0  }
0xa1: {  	s0 =	sadd.s32 $0x2800, s0;
	[sflag:s20] =	ssyncadd.s32 $0xFFFFC000  }
0xa2: {  	[hbm4b:s0+s2] =	stream.linear.scatter [tilespmem:s14], [sflag:$0xC], $0x4000, $0x38;
	[tilespmem:$0x19C00] =	vst v63  }
0xa3: {  	_ =	swait.ge [sflag:s21], $0x4000  }
0xa4: {  	[sflag:s21] =	ssyncset.done $0x0  }
0xa5: {  	[sflag:s21] =	ssyncadd.s32 $0xFFFFC000  }
0xa6: {  	_ =	swait.ge [sflag:s22], $0x4000  }
0xa7: {  	[sflag:s22] =	ssyncset.done $0x0  }
0xa8: {  	[sflag:s22] =	ssyncadd.s32 $0xFFFFC000  }
0xa9: {  	_ =	swait.ge [sflag:s23], $0x4000  }
0xaa: {  	[sflag:s23] =	ssyncset.done $0x0  }
0xab: {  	[sflag:s23] =	ssyncadd.s32 $0xFFFFC000  }
0xac: {  	_ =	swait.ge [sflag:s24], $0x4000  }
0xad: {  	[sflag:s24] =	ssyncset.done $0x0  }
0xae: {  	[sflag:s24] =	ssyncadd.s32 $0xFFFFC000  }
0xaf: {  	_ =	swait.ge [sflag:s25], $0x4000  }
0xb0: {  	[sflag:s25] =	ssyncset.done $0x0  }
0xb1: {  	[sflag:s25] =	ssyncadd.s32 $0xFFFFC000  }
0xb2: {  	_ =	swait.ge [sflag:s26], $0x4000  }
0xb3: {  	[sflag:s26] =	ssyncset.done $0x0  }
0xb4: {  	s31 =	simm.s32 $0x1800;
	[sflag:s26] =	ssyncadd.s32 $0xFFFFC000  }
0xb5: {  	[tilespmem:s9], [sflag:$0xD] =	stream.indirect.gather [hbm4b:s3+s8], $0x80, s31, s8, $0xb8;
	[tilespmem:$0x19C00] =	vst v63  }
0xb6: {  	s29 =	sadd.s32 $0x1, s29;
	_ =	swait.ge [sflag:s7], $0x4000  }
0xb7: {  	p0 =	sne.s32 s29, s6;
	[sflag:s7] =	ssyncset.done $0x0  }
.Ltmp1:
0xb8: {  	[sflag:s7] =	ssyncadd.s32 $0xFFFFC000;
	(pc) =	sbr.rel @p0 .LBB2_1-.Ltmp1, $4  }
0xb9: {  	[hbm4b:s5+s2] =	stream.linear.scatter [tilespmem:s9], [sflag:$0xD], $0x4000, $0x38;
	[tilespmem:$0x19C00] =	vst v63  }
0xba: {  	_ =	swait.ge [sflag:s7], $0x4000  }
0xbb: {  	[sflag:s7] =	ssyncset.done $0x0  }
0xbc: {  	[sflag:s7] =	ssyncadd.s32 $0xFFFFC000  }
0xbd: {  	_ =	sfence.sel $0x180000  }
0xbe: {  	[bflag:$0x0] =	sbarrier.arrive $0xFFFF  }
0xbf: {  	_ =	strace $0x90000050  }
0xc0: {  	s0 =	stileid.u32;
	[bflag:$0x2] =	sbarrier.arrive $0xFFFF  }
0xc1: {  	p0 =	sne.s32 s0, $0x0;
	s0 =	rddreg [dreg:$0x1]  }
0xc2: {  	s0 =	sadd.s32 @!p0 $0x100000, s0  }
0xc3: {  	[sflag:s0] =	ssyncadd.tile.s32 @!p0 $0x1;
	_ =	shalt  }
.Lfunc_end2:
_tile_overlayer_lowered:
.L_overlay_start_2:
0xc4: {  	(tag) =	ssettag $0x2  }
0xc5: {  	s0 =	rddreg [dreg:$0x0];
	s2 =	stileid.u32  }
0xc6: {  	s1 =	rddreg [dreg:$0x1];
	p0 =	sne.s32 s2, $0x0  }
0xc7: {  	s3 =	rddreg [dreg:$0x2];
	[bflag:$0x3] =	sbarrier.arrive $0xFFFF;
	s2 =	simm.s32 @!p0 $0x1C0D  }
0xc8: {  	[timem:s3], [sflag:s2] =	dma.local @!p0 [hbm:s0], s1  }
0xc9: {  	s0 =	simm.s32 @!p0 $0xD  }
0xca: {  	_ =	swait.ge @!p0 [sflag:s0], s1  }
0xcb: {  	s1 =	ssub.s32 @!p0 $0x0, s1;
	[sflag:s0] =	ssyncset.done @!p0 $0x0  }
0xcc: {  	[sflag:s0] =	ssyncadd.s32 @!p0 s1  }
0xcd: {  	[bflag:$0x3] =	sbarrier.arrive $0xFFFF  }
0xce: {  	_ =	shalt  }

// kernel: kernel.9.cloned.1.call-start
scs
__scs_entry_jumppad:
0x0: {  	(pc) =	sbr.rel $0x88, $3  }
0x1: {  	(tag) =	ssettag $0x0;
	lr =	simm.s32 $0x1  }
0x2: {  	[smem:$0x3F94] =	sst lr;
	_ =	strace $0xD0000000  }
0x3: {  	_ = 	snop  }
0x4: {  	_ = 	snop  }
0x5: {  	_ = 	snop  }
0x6: {  	_ = 	snop  }
0x7: {  	_ = 	snop  }
__scs_overlays_trampoline_lowered:
0x8: {  	[smem:$0x3FA3] =	sst s0  }
0x9: {  	[smem:$0x3FA4] =	sst s1  }
0xa: {  	[smem:$0x3FA5] =	sst s2  }
0xb: {  	[smem:$0x3FA6] =	sst s3  }
0xc: {  	[smem:$0x3FA7] =	sst s4  }
0xd: {  	[smem:$0x3FA8] =	sst s5  }
0xe: {  	[smem:$0x3FA9] =	sst s6  }
0xf: {  	[smem:$0x3FAA] =	sst s7  }
0x10: {  	[smem:$0x3FAB] =	sst s8  }
0x11: {  	[smem:$0x3FAC] =	sst s9;
	s0 =	simm.s32 @!p0 $0x0  }
0x12: {  	s1 =	sld [smem:$0x3F92];
	s0 =	simm.s32 @p0 $0x1  }
0x13: {  	[smem:$0x3FAD] =	sst s0;
	s0 =	simm.s32 @!p1 $0x0  }
0x14: {  	s2 =	sld [smem:$0x3F91];
	s0 =	simm.s32 @p1 $0x1  }
0x15: {  	[smem:$0x3FAE] =	sst s0;
	s0 =	simm.s32 @!p2 $0x0  }
0x16: {  	s3 =	sld [smem:$0x3FDB];
	s0 =	simm.s32 @p2 $0x1  }
0x17: {  	s4 =	simm.s32 $0x1BF5;
	[smem:$0x3FB0] =	sst s0  }
0x18: {  	s0 =	sld [smem:$0x3F93];
	_ =	swait.ge [sflag:s4], $0x0  }
0x19: {  	s7 =	sld [smem:$0x3F94]  }
0x1a: {  	s8 =	sadd.s32 $0xFFFFE003, lr  }
0x1b: {  	s9 =	sadd.s32 $0xFFFFFEF7, lr;
	s5 =	simm.s32 $0xFFFFFFFF;
	p2 =	slt.u32 s8, $0xFFFFF086  }
0x1c: {  	p1 =	slt.u32 s9, $0xF7A;
	s5 =	simm.s32 @!p2 $0x0  }
0x1d: {  	s5 =	simm.s32 @p1 $0x1;
	p0 =	seq.s32 s7, s2  }
0x1e: {  	s7 =	smul.u32 @!p0 $0xF7A, s2;
	p2 =	seq.s32 @!p0 s5, $0x0  }
0x1f: {  	s9 =	smul.u32 $0xF7A, s1;
	s8 =	simm.s32 @!p0 $0x1BF5;
	p2 =	por !p2, p0  }
0x20: {  	[sflag:s8] =	ssyncset.s32 @!p0 $0xFFFFF086;
	s6 =	sadd.s32 @!p0 s3, s7;
	s7 =	simm.s32 @!p0 $0x108  }
0x21: {  	s3 =	sadd.s32 s3, s9;
	s6 =	sadd.s32 @!p0 $0x88, s6;
	s7 =	simm.s32 @p2 $0x1082  }
0x22: {  	[simem:s7], [sflag:s8] =	dma.local @!p0 [hbm:s6], $0xF7A  }
0x23: {  	s9 =	sor.u32 $0xD0000000, s2;
	s6 =	simm.s32 $0x108;
	_ =	swait.ge @!p0 [sflag:s8], $0x0  }
0x24: {  	s3 =	sadd.s32 $0x88, s3;
	s6 =	simm.s32 @!p1 $0x1082;
	[sflag:s4] =	ssyncset.s32 $0xFFFFF086  }
0x25: {  	[simem:s6], [sflag:s4] =	dma.local [hbm:s3], $0xF7A  }
0x26: {  	[smem:$0x3F94] =	sst s1;
	(tag) =	ssettag s2;
	_ =	strace s9  }
0x27: {  	s1 =	sld [smem:$0x3FA4]  }
0x28: {  	s2 =	sld [smem:$0x3FA5]  }
0x29: {  	s4 =	sld [smem:$0x3FA7]  }
0x2a: {  	p0 =	seq.s32 s5, $0x0;
	s5 =	sld [smem:$0x3FA8]  }
0x2b: {  	s6 =	sld [smem:$0x3FA9]  }
0x2c: {  	s7 =	sld [smem:$0x3FAA]  }
0x2d: {  	s3 =	simm.s32 $0x108;
	s8 =	sld [smem:$0x3FAB]  }
0x2e: {  	s3 =	simm.s32 @!p0 $0x1082;
	s9 =	sld [smem:$0x3FAC]  }
0x2f: {  	lr =	sadd.s32 s0, s3;
	s0 =	sld [smem:$0x3FA3]  }
0x30: {  	s3 =	sld [smem:$0x3FA6]  }
0x31: {  	[smem:$0x3FAF] =	sst s10  }
0x32: {  	s10 =	sld [smem:$0x3FAD];
	_ =	sdelay $0x3  }
0x33: {  	p0 =	seq.s32 s10, $0x1;
	s10 =	sld [smem:$0x3FAF];
	_ =	sdelay $0x3  }
0x34: {  	[smem:$0x3FAF] =	sst s10  }
0x35: {  	s10 =	sld [smem:$0x3FAE];
	_ =	sdelay $0x3  }
0x36: {  	p1 =	seq.s32 s10, $0x1;
	s10 =	sld [smem:$0x3FAF];
	_ =	sdelay $0x3  }
0x37: {  	[smem:$0x3FAF] =	sst s10  }
0x38: {  	s10 =	sld [smem:$0x3FB0]  }
0x39: {  	_ = 	snop;
	(pc) =	sbr.ind lr, $3  }
0x3a: {  	_ = 	snop  }
0x3b: {  	_ = 	snop  }
0x3c: {  	p2 =	seq.s32 s10, $0x1;
	s10 =	sld [smem:$0x3FAF]  }
0x3d: {  	_ =	shalt  }
0x3e: {  	_ =	shalt  }
0x3f: {  	_ =	shalt  }
0x40: {  	_ =	shalt  }
0x41: {  	_ =	shalt  }
0x42: {  	_ =	shalt  }
0x43: {  	_ =	shalt  }
0x44: {  	_ =	shalt  }
0x45: {  	_ =	shalt  }
0x46: {  	_ =	shalt  }
0x47: {  	_ =	shalt  }
0x48: {  	_ =	shalt  }
0x49: {  	_ =	shalt  }
0x4a: {  	_ =	shalt  }
0x4b: {  	_ =	shalt  }
0x4c: {  	_ =	shalt  }
0x4d: {  	_ =	shalt  }
0x4e: {  	_ =	shalt  }
0x4f: {  	_ =	shalt  }
0x50: {  	_ =	shalt  }
0x51: {  	_ =	shalt  }
0x52: {  	_ =	shalt  }
0x53: {  	_ =	shalt  }
0x54: {  	_ =	shalt  }
0x55: {  	_ =	shalt  }
0x56: {  	_ =	shalt  }
0x57: {  	_ =	shalt  }
0x58: {  	_ =	shalt  }
0x59: {  	_ =	shalt  }
0x5a: {  	_ =	shalt  }
0x5b: {  	_ =	shalt  }
0x5c: {  	_ =	shalt  }
0x5d: {  	_ =	shalt  }
0x5e: {  	_ =	shalt  }
0x5f: {  	_ =	shalt  }
0x60: {  	_ =	shalt  }
0x61: {  	_ =	shalt  }
0x62: {  	_ =	shalt  }
0x63: {  	_ =	shalt  }
0x64: {  	_ =	shalt  }
0x65: {  	_ =	shalt  }
0x66: {  	_ =	shalt  }
0x67: {  	_ =	shalt  }
0x68: {  	_ =	shalt  }
0x69: {  	_ =	shalt  }
0x6a: {  	_ =	shalt  }
0x6b: {  	_ =	shalt  }
0x6c: {  	_ =	shalt  }
0x6d: {  	_ =	shalt  }
0x6e: {  	_ =	shalt  }
0x6f: {  	_ =	shalt  }
0x70: {  	_ =	shalt  }
0x71: {  	_ =	shalt  }
0x72: {  	_ =	shalt  }
0x73: {  	_ =	shalt  }
0x74: {  	_ =	shalt  }
0x75: {  	_ =	shalt  }
0x76: {  	_ =	shalt  }
0x77: {  	_ =	shalt  }
0x78: {  	_ =	shalt  }
0x79: {  	_ =	shalt  }
0x7a: {  	_ =	shalt  }
0x7b: {  	_ =	shalt  }
0x7c: {  	_ =	shalt  }
0x7d: {  	_ =	shalt  }
0x7e: {  	_ =	shalt  }
0x7f: {  	_ =	shalt  }
0x80: {  	_ =	shalt  }
0x81: {  	_ =	shalt  }
0x82: {  	_ =	shalt  }
0x83: {  	_ =	shalt  }
0x84: {  	_ =	shalt  }
0x85: {  	_ =	shalt  }
0x86: {  	_ =	shalt  }
0x87: {  	_ =	shalt  }
.Lfunc_end0:
.L_simem_size_0:
called_computation_lowered:
.L_overlay_start_0:
0x88: {  	s2 =	sld [smem:$0x3FD9]  }
0x89: {  	s3 =	sld [smem:$0x3FFE];
	_ =	sdelay $0x1  }
0x8a: {  	s1 =	srdreg.scid  }
0x8b: {  	s0 =	sand.u32 $0x1, s1  }
0x8c: {  	s16 =	sshll.u32 s0, $0xA;
	s2 =	sadd.s32 s3, s2  }
0x8d: {  	s2 =	sadd.s32 s2, s16  }
0x8e: {  	[smem:$0x3FBB] =	sst s2  }
0x8f: {  	_ = 	snop  }
0x90: {  	(tm) =	ssettm $0x1  }
0x91: {  	s17 =	sld [smem:$0x3FFB];
	_ =	sdelay $0x3  }
0x92: {  	_ =	strace s17  }
0x93: {  	s2 =	sld [smem:$0x3FFC];
	_ =	sdelay $0x3  }
0x94: {  	_ =	strace s2  }
0x95: {  	s2 =	sld [smem:$0x3FFD];
	_ =	sdelay $0x3  }
0x96: {  	_ =	strace s2  }
0x97: {  	_ =	strace $0x8FFFFFFF  }
0x98: {  	s18 =	sld [smem:$0x3FDB];
	_ =	sdelay $0x1  }
0x99: {  	s19 =	simm.s32 $_scs_section_size  }
0x9a: {  	s4 =	simm.s32 $_size__tile_overlayer_lowered;
	s5 =	simm.s32 $_tile_overlayer_lowered  }
0x9b: {  	s22 =	simm.s32 $0x1BFF;
	s21 =	sshll.u32 s5, $0x1;
	s2 =	sadd.s32 s19, s18  }
0x9c: {  	s6 =	simm.s32 $0x0;
	s20 =	sshll.u32 s4, $0x1;
	s4 =	sadd.s32 s21, s2  }
0x9d: {  	[timem:s6], [sflag:s22] =	dma.local [hbm:s4], s20  }
0x9e: {  	_ =	swait.ge [sflag:s22], s20  }
0x9f: {  	s3 =	ssub.s32 $0x0, s20;
	[sflag:s22] =	ssyncset.done $0x0  }
0xa0: {  	[sflag:s22] =	ssyncadd.s32 s3;
	_ =	sdelay $0x1  }
0xa1: {  	s23 =	simm.s32 $0x1B8B  }
0xa2: {  	_ =	swait.ge [sflag:s23], $0x1  }
0xa3: {  	[sflag:s23] =	ssyncset.done $0x0  }
0xa4: {  	s25 =	simm.s32 $0x1B8E;
	s24 =	sld [smem:$0x3FFE];
	[sflag:s23] =	ssyncadd.s32 $0xFFFFFFFF  }
0xa5: {  	s26 =	simm.s32 $execute0_lowered;
	[smem:$0x3FD2] =	sst s25  }
0xa6: {  	s4 =	sshll.u32 s26, $0x1;
	_ =	strace $0x80000046;
	[dreg:$0x1] =	wrdreg $0xFFFFFFFF  }
0xa7: {  	s28 =	simm.s32 $_size_execute0_lowered;
	s2 =	sadd.s32 s2, s4;
	[dreg:$0x0] =	wrdreg $0x0  }
0xa8: {  	s4 =	sshll.u32 s28, $0x1;
	[dreg:$0x2] =	wrdreg s2  }
0xa9: {  	[dreg:$0x3] =	wrdreg s4  }
0xaa: {  	[dreg:$0x4] =	wrdreg $0xC0  }
0xab: {  	_ =	task [dreg:s6], $0x5FFFF  }
0xac: {  	[dreg:$0x1] =	wrdreg $0xFFFFFFFF  }
0xad: {  	[dreg:$0x0] =	wrdreg $0x60  }
0xae: {  	[dreg:$0x2] =	wrdreg s24  }
0xaf: {  	[dreg:$0x3] =	wrdreg $0x9  }
0xb0: {  	_ =	task.clear_ibuf [dreg:s6], $0x4FFFF;
	_ =	strace $0x90000046  }
0xb1: {  	s29 =	simm.s32 $0x9;
	_ =	strace $0x80000048  }
0xb2: {  	_ =	swait.ge [sflag:s29], $0x1  }
0xb3: {  	[sflag:s29] =	ssyncadd.s32 $0xFFFFFFFF  }
0xb4: {  	_ =	strace $0x90000048  }
0xb5: {  	_ =	sfence  }
0xb6: {  	s30 =	sld [smem:$0x0];
	_ =	sdelay $0x2  }
0xb7: {  	s31 =	sshll.u32 s1, $0xD;
	s1 =	sshrl.u32 s1, $0x2  }
0xb8: {  	s3 =	sand.u32 $0x4000, s31;
	s1 =	sadd.s32 s1, s30  }
0xb9: {  	s0 =	sor.u32 s3, s0;
	s1 =	sshll.u32 s1, $0x11  }
0xba: {  	s0 =	sor.u32 s1, s0  }
0xbb: {  	s0 =	sadd.s32 $0x8F2B, s0  }
0xbc: {  	[sflag:s0] =	ssyncadd.remote.s32 $0x1  }
0xbd: {  	_ =	sfence.sel $0xFFFF  }
0xbe: {  	[dreg:$0x0] =	wrdreg $0xFFFFFFFF;
	(pc) =	sbr.abs _section_cstart, $3  }
0xbf: {  	[dreg:$0x1] =	wrdreg $0xFFFFFFFF  }
0xc0: {  	_ =	task.clear_ibuf [dreg:s6], $0x2FFFF;
	_ =	strace $0x9FFFFFFF  }
0xc1: {  	(tm) =	ssettm $0x7FFFFFFF  }
tec
execute0_lowered:
.L_overlay_start_1:
0x0: {  	(tag) =	ssettag $0x1  }
0x1: {  	s1 =	srdreg.scid  }
0x2: {  	s0 =	stileid.u32;
	s4 =	rddreg [dreg:$0x0];
	s8 =	simm.s32 $0x4000  }
0x3: {  	s9 =	simm.s32 $0x80;
	s10 =	simm.s32 $0x400;
	s11 =	simm.s32 $0x0  }
0x4: {  	s3 =	sand.u32 $0x1, s1;
	s2 =	sshll.u32 s0, $0x1;
	s1 =	rddreg [dreg:$0x1]  }
0x5: {  	s6 =	sshrl.u32 s0, $0x2;
	s5 =	sor.u32 s3, s2;
	s2 =	simm.s32 $0x0  }
0x6: {  	s6 =	smul.u32 $0x14000, s6;
	s30 =	ssub.s32 $0x2, s3;
	s7 =	sshll.u32 s5, $0x7  }
0x7: {  	s3 =	sadd.s32 $0x12000, s4;
	[smem:$0x7FF] =	sst s2;
	s7 =	sand.u32 $0x380, s7  }
0x8: {  	s5 =	sshll.u32 s5, $0xB;
	s31 =	sshrl.u32 s30, $0x1;
	s6 =	sor.u32 s6, s7  }
0x9: {  	_ =	strace $0x80000047;
	s5 =	sadd.s32 s5, s4;
	s6 =	sshrl.u32 s6, $0x3  }
0xa: {  	s7 =	ssub.s32 s30, s31;
	s6 =	sadd.s32 s6, s4;
	s4 =	sadd.s32 $0x2000, s5  }
0xb: {  	v0 =	vimm.f32 $1.000000000e+00;
	s5 =	sadd.s32 $0x12600, s6;
	s6 =	smax.u32 s7, $0x1;
	s7 =	simm.s32 $0x1  }
.LBB2_1:
0xc: {  	[tilespmem:s2], [sflag:$0x1] =	stream.linear.gather [hbm4b:s4+s2], $0x3E80, $0x38;
	[tilespmem:$0x6800] =	vst v63  }
0xd: {  	_ =	swait.ge [sflag:s7], $0x3E80  }
0xe: {  	[sflag:s7] =	ssyncset.done $0x0  }
0xf: {  	[sflag:s7] =	ssyncadd.s32 $0xFFFFC180  }
0x10: {  	[tilespmem:s8], [sflag:$0x1] =	stream.linear.gather [hbm4b:s3+s2], $0x2800, $0x38;
	[tilespmem:$0x6800] =	vst v63  }
0x11: {  	_ =	swait.ge [sflag:s7], $0x2800  }
0x12: {  	[sflag:s7] =	ssyncset.done $0x0  }
0x13: {  	s12 =	simm.s32 $0x0;
	[sflag:s7] =	ssyncadd.s32 $0xFFFFD800  }
.LBB2_2:
0x14: {  	s13 =	sshra.s32 s12, $0x2  }
0x15: {  	v1 =	vld [tilespmem:s13+$0x0];
	_ =	sdelay $0x7  }
0x16: {  	[tilespmem:v1+s8+$0x0] =	vst.idx.add.f32.msk $0xffff, v0  }
0x17: {  	v1 =	vld [tilespmem:s13+$0x10];
	_ =	sdelay $0x7  }
0x18: {  	[tilespmem:v1+s8+$0x0] =	vst.idx.add.f32.msk $0xffff, v0  }
0x19: {  	v1 =	vld [tilespmem:s13+$0x20];
	_ =	sdelay $0x7  }
0x1a: {  	[tilespmem:v1+s8+$0x0] =	vst.idx.add.f32.msk $0xffff, v0  }
0x1b: {  	v1 =	vld [tilespmem:s13+$0x30];
	_ =	sdelay $0x7  }
0x1c: {  	[tilespmem:v1+s8+$0x0] =	vst.idx.add.f32.msk $0xffff, v0  }
0x1d: {  	v1 =	vld [tilespmem:s13+$0x40];
	_ =	sdelay $0x2  }
0x1e: {  	p0 =	sne.s32 s12, $0xF800  }
.Ltmp0:
0x1f: {  	_ = 	snop;
	(pc) =	sbr.rel @p0 .LBB2_2-.Ltmp0, $2  }
0x20: {  	_ =	sdelay $0x2  }
0x21: {  	s12 =	sadd.s32 $0x200, s12;
	[tilespmem:v1+s8+$0x0] =	vst.idx.add.f32.msk $0xffff, v0  }
0x22: {  	s11 =	sadd.s32 $0x1, s11  }
0x23: {  	p0 =	sne.s32 s11, s6  }
.Ltmp1:
0x24: {  	_ = 	snop;
	(pc) =	sbr.rel @p0 .LBB2_1-.Ltmp1, $4  }
0x25: {  	[hbm4b:s5+s9] =	stream.strided.scatter [tilespmem:s8], [sflag:$0x1], $0x2800, s10, s9, $0x38;
	[tilespmem:$0x6800] =	vst v63  }
0x26: {  	_ =	swait.ge [sflag:s7], $0x2800  }
0x27: {  	[sflag:s7] =	ssyncset.done $0x0  }
0x28: {  	[sflag:s7] =	ssyncadd.s32 $0xFFFFD800  }
0x29: {  	_ =	sfence.sel $0x180000  }
0x2a: {  	[bflag:$0x0] =	sbarrier.arrive $0xFFFF  }
0x2b: {  	p0 =	sne.s32 s0, $0x0;
	_ =	strace $0x90000047  }
0x2c: {  	s0 =	sadd.s32 @!p0 $0x100000, s1;
	[bflag:$0x2] =	sbarrier.arrive $0xFFFF  }
0x2d: {  	[sflag:s0] =	ssyncadd.tile.s32 @!p0 $0x1;
	_ =	shalt  }
.Lfunc_end2:
_tile_overlayer_lowered:
.L_overlay_start_2:
0x2e: {  	(tag) =	ssettag $0x2  }
0x2f: {  	s0 =	rddreg [dreg:$0x0];
	s2 =	stileid.u32  }
0x30: {  	s1 =	rddreg [dreg:$0x1];
	p0 =	sne.s32 s2, $0x0  }
0x31: {  	s3 =	rddreg [dreg:$0x2];
	[bflag:$0x3] =	sbarrier.arrive $0xFFFF;
	s2 =	simm.s32 @!p0 $0x1C01  }
0x32: {  	[timem:s3], [sflag:s2] =	dma.local @!p0 [hbm:s0], s1  }
0x33: {  	s0 =	simm.s32 @!p0 $0x1  }
0x34: {  	_ =	swait.ge @!p0 [sflag:s0], s1  }
0x35: {  	s1 =	ssub.s32 @!p0 $0x0, s1;
	[sflag:s0] =	ssyncset.done @!p0 $0x0  }
0x36: {  	[sflag:s0] =	ssyncadd.s32 @!p0 s1  }
0x37: {  	[bflag:$0x3] =	sbarrier.arrive $0xFFFF  }
0x38: {  	_ =	shalt  }

</sc_bundles>
